<compile_context>
chip_gen: v7x
topology: tpu7x:2x2x1
jax: 0.10.2.dev20260603
libtpu: 0.0.44.dev20260713+nightly
codegen_flags: <defaults>
</compile_context>

<pallas_src>
import functools
import jax
import jax.numpy as jnp
from jax import lax
from jax.experimental import pallas as pl
from jax.experimental.pallas import tpu as pltpu
from jax.experimental.pallas import tpu_sc as plsc

N = 10000
D = 128
H = 32
E = 320000
NP = 10240
NW = 32
CK = 128
EC = E // CK
CH = 78
XW = EC - NW * CH
RPT = NP // 16
NBUF = 6

_mesh = plsc.VectorSubcoreMesh(core_axis_name="c", subcore_axis_name="s")
_sc_params = pltpu.CompilerParams(use_tc_tiling_on_sc=False)
_sc_params_nl = pltpu.CompilerParams(
    use_tc_tiling_on_sc=False, needs_layout_passes=False
)


def _z16():
    return jnp.zeros((16,), jnp.float32)


def _worker_id():
    return lax.axis_index("s") * 2 + lax.axis_index("c")


def _chunk_base(wid):
    return jnp.where(wid < XW, (CH + 1) * wid, XW + CH * wid)


@functools.partial(
    pl.kernel,
    out_type=jax.ShapeDtypeStruct((2, NP), jnp.float32),
    mesh=_mesh,
    compiler_params=_sc_params,
    scratch_types=[
        pltpu.VMEM((CH + 1, CK), jnp.int32),
        pltpu.VMEM((CK,), jnp.float32),
        pltpu.VMEM((RPT,), jnp.float32),
        pltpu.VMEM_SHARED((NP,), jnp.float32),
        pltpu.SemaphoreType.DMA,
    ],
)
def _deg_kernel(ei_hbm, out_hbm, dst_v, ones_v, zer_v, accum, ssem):
    cid = lax.axis_index("c")
    sid = lax.axis_index("s")
    wid = _worker_id()
    base = _chunk_base(wid)

    def fill_ones(i, _):
        ones_v[pl.ds(i * 16, 16)] = _z16() + 1.0
        return 0

    lax.fori_loop(0, CK // 16, fill_ones, 0)

    def fill_zero(i, _):
        zer_v[pl.ds(i * 16, 16)] = _z16()
        return 0

    lax.fori_loop(0, RPT // 16, fill_zero, 0)

    pltpu.sync_copy(zer_v, accum.at[pl.ds(sid * RPT, RPT)])
    pltpu.sync_copy(ei_hbm.at[1, pl.ds(base, CH)], dst_v.at[pl.ds(0, CH)])

    @pl.when(wid < XW)
    def _():
        pltpu.sync_copy(ei_hbm.at[1, base + CH], dst_v.at[CH])

    plsc.subcore_barrier()

    def group(g, _):
        gb = g * NBUF
        sd = [
            pltpu.async_copy(
                ones_v, accum.at[dst_v.at[gb + b]], ssem, add=True
            )
            for b in range(NBUF)
        ]
        for d in sd:
            d.wait()
        return 0

    lax.fori_loop(0, CH // NBUF, group, 0)

    @pl.when(wid < XW)
    def _():
        pltpu.sync_copy(ones_v, accum.at[dst_v.at[CH]], add=True)

    plsc.subcore_barrier()
    pltpu.sync_copy(
        accum.at[pl.ds(sid * RPT, RPT)],
        out_hbm.at[cid, pl.ds(sid * RPT, RPT)],
    )


BK = 3
NGR = CH // BK


@functools.partial(
    pl.kernel,
    out_type=jax.ShapeDtypeStruct((2, NP, H), jnp.float32),
    mesh=_mesh,
    compiler_params=_sc_params,
    scratch_types=[
        pltpu.VMEM((CH + 1, CK), jnp.int32),
        pltpu.VMEM((CH + 1, CK), jnp.int32),
        pltpu.VMEM((2 * BK, CK, H), jnp.float32),
        pltpu.VMEM_SHARED((NP, H), jnp.float32),
        pltpu.SemaphoreType.DMA,
        pltpu.SemaphoreType.DMA,
    ],
)
def _agg_feat_kernel(tbl_hbm, ei_hbm, out_hbm, src_v, dst_v, rows_v,
                     accum, gsem, ssem):
    cid = lax.axis_index("c")
    sid = lax.axis_index("s")
    wid = _worker_id()
    base = _chunk_base(wid)

    def fill_zero(i, _):
        rows_v[0, i, pl.ds(0, 16)] = _z16()
        rows_v[0, i, pl.ds(16, 16)] = _z16()
        return 0

    lax.fori_loop(0, CK, fill_zero, 0)

    def zcopy(i, _):
        pltpu.sync_copy(
            rows_v.at[0], accum.at[pl.ds(sid * RPT + i * CK, CK)]
        )
        return 0

    lax.fori_loop(0, RPT // CK, zcopy, 0)
    pltpu.sync_copy(ei_hbm.at[0, pl.ds(base, CH)], src_v.at[pl.ds(0, CH)])
    pltpu.sync_copy(ei_hbm.at[1, pl.ds(base, CH)], dst_v.at[pl.ds(0, CH)])

    @pl.when(wid < XW)
    def _():
        pltpu.sync_copy(ei_hbm.at[0, base + CH], src_v.at[CH])
        pltpu.sync_copy(ei_hbm.at[1, base + CH], dst_v.at[CH])

    plsc.subcore_barrier()

    def gath(j, b):
        return pltpu.async_copy(
            tbl_hbm.at[src_v.at[j]], rows_v.at[b], gsem
        )

    def gwait(j, b):
        pltpu.make_async_copy(
            tbl_hbm.at[src_v.at[j]], rows_v.at[b], gsem
        ).wait()

    def scat(j, b):
        return pltpu.async_copy(
            rows_v.at[b], accum.at[dst_v.at[j]], ssem, add=True
        )

    for k in range(BK):
        gath(k, k)

    def group(g, _):
        bb = (g % 2) * BK
        nb = BK - bb
        for k in range(BK):
            gwait(g * BK + k, bb + k)

        @pl.when(g < NGR - 1)
        def _():
            for k in range(BK):
                gath((g + 1) * BK + k, nb + k)

        sd = [scat(g * BK + k, bb + k) for k in range(BK)]
        for d in sd:
            d.wait()
        return 0

    lax.fori_loop(0, NGR, group, 0)

    @pl.when(wid < XW)
    def _():
        gath(CH, 0).wait()
        scat(CH, 0).wait()

    plsc.subcore_barrier()
    pltpu.sync_copy(
        accum.at[pl.ds(sid * RPT, RPT)],
        out_hbm.at[cid, pl.ds(sid * RPT, RPT)],
    )


@functools.partial(
    pl.kernel,
    out_type=jax.ShapeDtypeStruct((2, NP), jnp.float32),
    mesh=_mesh,
    compiler_params=_sc_params_nl,
    scratch_types=[
        pltpu.VMEM((CH + 1, CK), jnp.int32),
        pltpu.VMEM((CH + 1, CK), jnp.int32),
        pltpu.VMEM((NP,), jnp.float32),
        pltpu.VMEM((NP,), jnp.float32),
        pltpu.VMEM((16, RPT), jnp.float32),
        pltpu.VMEM_SHARED((16, NP), jnp.float32),
        pltpu.SemaphoreType.DMA,
    ],
)
def _agg_scal_kernel(tbl_hbm, ei_hbm, out_hbm, src_v, dst_v, z_v, acc_v,
                     red_v, stage, lsem):
    cid = lax.axis_index("c")
    sid = lax.axis_index("s")
    wid = _worker_id()
    base = _chunk_base(wid)

    ld = [
        pltpu.async_copy(tbl_hbm, z_v, lsem),
        pltpu.async_copy(
            ei_hbm.at[0, pl.ds(base, CH)], src_v.at[pl.ds(0, CH)], lsem
        ),
        pltpu.async_copy(
            ei_hbm.at[1, pl.ds(base, CH)], dst_v.at[pl.ds(0, CH)], lsem
        ),
    ]

    @pl.when(wid < XW)
    def _():
        pltpu.sync_copy(ei_hbm.at[0, base + CH], src_v.at[CH])
        pltpu.sync_copy(ei_hbm.at[1, base + CH], dst_v.at[CH])

    def zero(i, _):
        acc_v[pl.ds(i * 16, 16)] = _z16()
        return 0

    lax.fori_loop(0, NP // 16, zero, 0)
    for d in ld:
        d.wait()

    def chunk(i, _):
        def sub(j, _):
            s_idx = src_v[i, pl.ds(j * 16, 16)]
            d_idx = dst_v[i, pl.ds(j * 16, 16)]
            vals = plsc.load_gather(z_v, [s_idx])
            plsc.addupdate_scatter(acc_v, [d_idx], vals)
            return 0

        lax.fori_loop(0, CK // 16, sub, 0)
        return 0

    lax.fori_loop(0, CH, chunk, 0)

    @pl.when(wid < XW)
    def _():
        def sub(j, _):
            s_idx = src_v[CH, pl.ds(j * 16, 16)]
            d_idx = dst_v[CH, pl.ds(j * 16, 16)]
            vals = plsc.load_gather(z_v, [s_idx])
            plsc.addupdate_scatter(acc_v, [d_idx], vals)
            return 0

        lax.fori_loop(0, CK // 16, sub, 0)

    pltpu.sync_copy(acc_v, stage.at[sid])
    plsc.subcore_barrier()
    for t in range(16):
        pltpu.sync_copy(stage.at[t, pl.ds(sid * RPT, RPT)], red_v.at[t])

    def redsum(r, _):
        s = red_v[0, pl.ds(r * 16, 16)]
        for t in range(1, 16):
            s = s + red_v[t, pl.ds(r * 16, 16)]
        acc_v[pl.ds(r * 16, 16)] = s
        return 0

    lax.fori_loop(0, RPT // 16, redsum, 0)
    pltpu.sync_copy(
        acc_v.at[pl.ds(0, RPT)],
        out_hbm.at[cid, pl.ds(sid * RPT, RPT)],
    )


BN = 1024


def _k1_body(x_ref, w1t_ref, degp_ref, h1_ref, h1p_ref, dinv_ref):
    h1 = lax.dot_general(
        w1t_ref[...], x_ref[...], (((1,), (1,)), ((), ())),
        preferred_element_type=jnp.float32,
    )
    degp = degp_ref[...]
    deg = degp[0:1, :] + degp[1:2, :] + 1.0
    dinv = lax.rsqrt(deg)
    h1_ref[...] = h1
    h1p_ref[...] = jnp.transpose(h1 * dinv)
    dinv_ref[...] = dinv


def _k1(xp, w1t, degp):
    return pl.pallas_call(
        _k1_body,
        grid=(NP // BN,),
        in_specs=[
            pl.BlockSpec((BN, D), lambda i: (i, 0)),
            pl.BlockSpec((H, D), lambda i: (0, 0)),
            pl.BlockSpec((2, BN), lambda i: (0, i)),
        ],
        out_specs=[
            pl.BlockSpec((H, BN), lambda i: (0, i)),
            pl.BlockSpec((BN, H), lambda i: (i, 0)),
            pl.BlockSpec((1, BN), lambda i: (0, i)),
        ],
        out_shape=[
            jax.ShapeDtypeStruct((H, NP), jnp.float32),
            jax.ShapeDtypeStruct((NP, H), jnp.float32),
            jax.ShapeDtypeStruct((1, NP), jnp.float32),
        ],
    )(xp, w1t, degp)


def _k2_body(gp_ref, h1_ref, dinv_ref, b1c_ref, w2r_ref, h_ref, z_ref):
    g = jnp.transpose(gp_ref[0] + gp_ref[1])
    dinv = dinv_ref[...]
    acc = dinv * (g + dinv * h1_ref[...]) + b1c_ref[...]
    h = jnp.maximum(acc, 0.0)
    h_ref[...] = jnp.transpose(h)
    h2 = lax.dot_general(
        w2r_ref[...], h, (((1,), (0,)), ((), ())),
        preferred_element_type=jnp.float32,
    )
    z_ref[...] = (dinv * h2).reshape(BN)


def _k2(gp, h1, dinv, b1c, w2r):
    return pl.pallas_call(
        _k2_body,
        grid=(NP // BN,),
        in_specs=[
            pl.BlockSpec((2, BN, H), lambda i: (0, i, 0)),
            pl.BlockSpec((H, BN), lambda i: (0, i)),
            pl.BlockSpec((1, BN), lambda i: (0, i)),
            pl.BlockSpec((H, 1), lambda i: (0, 0)),
            pl.BlockSpec((1, H), lambda i: (0, 0)),
        ],
        out_specs=[
            pl.BlockSpec((BN, H), lambda i: (i, 0)),
            pl.BlockSpec((BN,), lambda i: (i,)),
        ],
        out_shape=[
            jax.ShapeDtypeStruct((N, H), jnp.float32),
            jax.ShapeDtypeStruct((NP,), jnp.float32),
        ],
    )(gp, h1, dinv, b1c, w2r)


def _k3_body(g2p_ref, z_ref, dinv_ref, b2_ref, out_ref):
    g2p = g2p_ref[...]
    g2 = g2p[0:1, :] + g2p[1:2, :]
    z = z_ref[...].reshape(1, NP)
    out_ref[...] = dinv_ref[...] * (g2 + z) + b2_ref[0]


def _k3(g2p, z, dinv, b2):
    return pl.pallas_call(
        _k3_body,
        in_specs=[
            pl.BlockSpec((2, NP), lambda: (0, 0)),
            pl.BlockSpec((NP,), lambda: (0,)),
            pl.BlockSpec((1, NP), lambda: (0, 0)),
            pl.BlockSpec(memory_space=pltpu.SMEM),
        ],
        out_specs=pl.BlockSpec((1, NP), lambda: (0, 0)),
        out_shape=jax.ShapeDtypeStruct((1, NP), jnp.float32),
    )(g2p, z, dinv, b2)


@jax.jit
def kernel(x, edge_index, W1, b1, W2, b2):
    eir = edge_index.astype(jnp.int32).reshape(2, EC, CK)

    degp = _deg_kernel(eir)
    xp = jnp.pad(x, ((0, NP - N), (0, 0)))
    h1T, h1p, dinv = _k1(xp, W1.T, degp)

    gp = _agg_feat_kernel(h1p, eir)
    h, z = _k2(gp, h1T, dinv, b1.reshape(H, 1), W2.reshape(1, H))

    g2p = _agg_scal_kernel(z, eir)
    scores = _k3(g2p, z, dinv, b2)

    return h, scores[0, :N]

# --- scband reference (transcript-rebuilt; emitter-appended) ---
"""Pipeline reference for scband-disease-gnn-28578712387808 (READ-ONLY COPY).

The authoritative reference and input builder live on the scoring server;
editing this copy changes nothing except your own understanding.
"""

import jax, jax.numpy as jnp
import numpy as np

N_NODES = 10000
DIM = 128
HID = 32


def _gcn_conv(x, edge_index, W, b, num_nodes):
    # Faithful GCNConv: out = D^{-1/2} (A + I) D^{-1/2} X W + b
    src = edge_index[0]
    dst = edge_index[1]
    loop = jnp.arange(num_nodes, dtype=edge_index.dtype)
    src = jnp.concatenate([src, loop])
    dst = jnp.concatenate([dst, loop])
    deg = jnp.zeros((num_nodes,), dtype=x.dtype).at[dst].add(1.0)
    dinv = jnp.where(deg > 0, deg ** -0.5, 0.0)
    norm = dinv[src] * dinv[dst]
    h = x @ W
    msg = h[src] * norm[:, None]
    out = jnp.zeros((num_nodes, W.shape[1]), dtype=x.dtype).at[dst].add(msg)
    return out + b


def setup_inputs(seed: int = 0) -> dict:
    key = jax.random.key(seed)
    k_x, k_e, k_w1, k_w2 = jax.random.split(key, 4)
    x = jax.random.normal(k_x, (N_NODES, DIM), dtype=jnp.float32)
    edge_index = jax.random.randint(k_e, (2, 320000), 0, N_NODES, dtype=jnp.int64)
    # Glorot-style init for GCN weights
    W1 = jax.random.normal(k_w1, (DIM, HID), dtype=jnp.float32) * (1.0 / np.sqrt(DIM))
    b1 = jnp.zeros((HID,), dtype=jnp.float32)
    W2 = jax.random.normal(k_w2, (HID, 1), dtype=jnp.float32) * (1.0 / np.sqrt(HID))
    b2 = jnp.zeros((1,), dtype=jnp.float32)
    return {"x": x, "edge_index": edge_index, "W1": W1, "b1": b1, "W2": W2, "b2": b2}


def reference(x, edge_index, W1, b1, W2, b2):
    h = jax.nn.relu(_gcn_conv(x, edge_index, W1, b1, N_NODES))
    scores = _gcn_conv(h, edge_index, W2, b2, N_NODES).squeeze()
    return (h, scores)

if __name__ == "__main__":
    import jax
    _d = setup_inputs()
    print(jax.jit(kernel)(*tuple(_d.values())))

</pallas_src>

<mosaic_0001>
#map = affine_map<(d0, d1) -> (0, 0)>
#map1 = affine_map<(d0, d1) -> (0, 0, 0)>
module attributes {stable_mosaic.version = 14 : i64} {
  func.func @_agg_feat_kernel(%arg0: i32, %arg1: i32, %arg2: memref<10240x32xf32, #tpu.memory_space<hbm>>, %arg3: memref<2x2500x128xi32, #tpu.memory_space<hbm>>, %arg4: memref<2x10240x32xf32, #tpu.memory_space<hbm>>, %arg5: memref<79x128xi32, #tpu.memory_space<vmem>>, %arg6: memref<79x128xi32, #tpu.memory_space<vmem>>, %arg7: memref<6x128x32xf32, #tpu.memory_space<vmem>>, %arg8: memref<10240x32xf32, #tpu.memory_space<vmem_shared>>, %arg9: memref<!tpu.dma_semaphore, #tpu.memory_space<semaphore_mem>>, %arg10: memref<!tpu.dma_semaphore, #tpu.memory_space<semaphore_mem>>) attributes {dimension_semantics = [#tpu.dimension_semantics<core_parallel>, #tpu.dimension_semantics<subcore_parallel>], iteration_bounds = array<i64: 2, 16>, scalar_prefetch = 0 : i64, scratch_operands = 6 : i64, tpu.core_type = #tpu.core_type<sc_vector_subcore>, window_params = [{transform_indices = #map}, {transform_indices = #map1}, {transform_indices = #map1}]} {
    %mul3A = arith.constant 2 : i32
    %mul3A_0 = arith.muli %arg1, %mul3A : i32
    %add3A = arith.addi %mul3A_0, %arg0 : i32
    %lt3A = arith.constant 4 : i32
    %lt3A_1 = arith.cmpi slt, %add3A, %lt3A : i32
    %mul3A_2 = arith.constant 79 : i32
    %mul3A_3 = arith.muli %mul3A_2, %add3A : i32
    %mul3A_4 = arith.constant 78 : i32
    %mul3A_5 = arith.muli %mul3A_4, %add3A : i32
    %add3A_6 = arith.constant 4 : i32
    %add3A_7 = arith.addi %add3A_6, %mul3A_5 : i32
    %select_n3A = arith.select %lt3A_1, %mul3A_3, %add3A_7 : i32
    %scan3A = arith.constant 0 : i32
    %scan3A_8 = arith.constant 0 : i32
    %scan3A_9 = arith.constant 128 : i32
    %scan3A_10 = arith.addi %scan3A_8, %scan3A_9 : i32
    %scan3A_11 = arith.constant 1 : i32
    %scan3A_12 = scf.for %scan3A_77 = %scan3A_8 to %scan3A_10 step %scan3A_11 iter_args(%scan3A_78 = %scan3A) -> (i32)  : i32 {
      %broadcast_in_dim3A = arith.constant 0.000000e+00 : f32
      %broadcast_in_dim3A_79 = vector.broadcast %broadcast_in_dim3A : f32 to vector<16xf32>
      %swap3A = arith.constant 0 : i32
      %swap3A_80 = arith.index_cast %swap3A : i32 to index
      %swap3A_81 = arith.index_cast %scan3A_77 : i32 to index
      %swap3A_82 = arith.constant 0 : index
      %swap3A_83 = tpu.vector_load %arg7[%swap3A_80, %swap3A_81, %swap3A_82] {strides = array<i32>} : memref<6x128x32xf32, #tpu.memory_space<vmem>>, vector<1x1x16xf32>,
      %swap3A_84 = vector.shape_cast %swap3A_83 : vector<1x1x16xf32> to vector<16xf32>
      %swap3A_85 = vector.shape_cast %broadcast_in_dim3A_79 : vector<16xf32> to vector<1x1x16xf32>
      tpu.vector_store %arg7[%swap3A_80, %swap3A_81, %swap3A_82], %swap3A_85 {strides = array<i32>} : memref<6x128x32xf32, #tpu.memory_space<vmem>>, vector<1x1x16xf32>,
      %broadcast_in_dim3A_86 = arith.constant 0.000000e+00 : f32
      %broadcast_in_dim3A_87 = vector.broadcast %broadcast_in_dim3A_86 : f32 to vector<16xf32>
      %swap3A_88 = arith.constant 0 : i32
      %swap3A_89 = arith.index_cast %swap3A_88 : i32 to index
      %swap3A_90 = arith.index_cast %scan3A_77 : i32 to index
      %swap3A_91 = arith.constant 16 : index
      %swap3A_92 = tpu.vector_load %arg7[%swap3A_89, %swap3A_90, %swap3A_91] {strides = array<i32>} : memref<6x128x32xf32, #tpu.memory_space<vmem>>, vector<1x1x16xf32>,
      %swap3A_93 = vector.shape_cast %swap3A_92 : vector<1x1x16xf32> to vector<16xf32>
      %swap3A_94 = vector.shape_cast %broadcast_in_dim3A_87 : vector<16xf32> to vector<1x1x16xf32>
      tpu.vector_store %arg7[%swap3A_89, %swap3A_90, %swap3A_91], %swap3A_94 {strides = array<i32>} : memref<6x128x32xf32, #tpu.memory_space<vmem>>, vector<1x1x16xf32>,
      %scan3A_95 = arith.constant 0 : i32
      scf.yield %scan3A_95 : i32
    }
    %scan3A_13 = arith.constant 128 : i32
    %scan3A_14 = arith.constant 0 : i32
    %scan3A_15 = arith.constant 0 : i32
    %scan3A_16 = arith.constant 5 : i32
    %scan3A_17 = arith.addi %scan3A_15, %scan3A_16 : i32
    %scan3A_18 = arith.constant 1 : i32
    %scan3A_19 = scf.for %scan3A_77 = %scan3A_15 to %scan3A_17 step %scan3A_18 iter_args(%scan3A_78 = %scan3A_14) -> (i32)  : i32 {
      %mul3A_79 = arith.constant 640 : i32
      %mul3A_80 = arith.muli %arg1, %mul3A_79 : i32
      %mul3A_81 = arith.constant 128 : i32
      %mul3A_82 = arith.muli %scan3A_77, %mul3A_81 : i32
      %add3A_83 = arith.addi %mul3A_80, %mul3A_82 : i32
      %run_scoped3A_84 = arith.constant 0 : i32
      "tpu.region"() ({
        %run_scoped3A_86 = tpu.sem_alloc : memref<!tpu.dma_semaphore, #tpu.memory_space<semaphore_mem>>
        %dma_start3A_87 = arith.constant 0 : i32
        %dma_start3A_88 = arith.constant 0 : i32
        %dma_start3A_89 = tpu.memref_slice %arg7[%run_scoped3A_84, %dma_start3A_87, %dma_start3A_88] : memref<6x128x32xf32, #tpu.memory_space<vmem>> -> memref<1x128x32xf32, #tpu.memory_space<vmem>>
        %dma_start3A_90 = tpu.memref_squeeze %dma_start3A_89 : memref<1x128x32xf32, #tpu.memory_space<vmem>> -> memref<128x32xf32, #tpu.memory_space<vmem>>
        %dma_start3A_91 = arith.constant 0 : i32
        %dma_start3A_92 = tpu.memref_slice %arg8[%add3A_83, %dma_start3A_91] : memref<10240x32xf32, #tpu.memory_space<vmem_shared>> -> memref<128x32xf32, #tpu.memory_space<vmem_shared>>
        %dma_start3A_93 = arith.constant 0 : i32
        %dma_start3A_94 = tpu.memref_slice %arg8[%add3A_83, %dma_start3A_93] : memref<10240x32xf32, #tpu.memory_space<vmem_shared>> -> memref<128x32xf32, #tpu.memory_space<vmem_shared>>
        %dma_start3A_95 = arith.constant 0 : i32
        %dma_start3A_96 = arith.constant 0 : i32
        %dma_start3A_97 = tpu.memref_slice %arg7[%run_scoped3A_84, %dma_start3A_95, %dma_start3A_96] : memref<6x128x32xf32, #tpu.memory_space<vmem>> -> memref<1x128x32xf32, #tpu.memory_space<vmem>>
        %dma_start3A_98 = tpu.memref_squeeze %dma_start3A_97 : memref<1x128x32xf32, #tpu.memory_space<vmem>> -> memref<128x32xf32, #tpu.memory_space<vmem>>
        tpu.enqueue_dma source(%dma_start3A_98 : memref<128x32xf32, #tpu.memory_space<vmem>>) target(%dma_start3A_94 : memref<128x32xf32, #tpu.memory_space<vmem_shared>>) target_semaphore(%run_scoped3A_86 : memref<!tpu.dma_semaphore, #tpu.memory_space<semaphore_mem>>)
        %dma_wait3A = arith.constant 0 : i32
        %dma_wait3A_99 = arith.constant 0 : i32
        %dma_wait3A_100 = tpu.memref_slice %arg7[%run_scoped3A_84, %dma_wait3A, %dma_wait3A_99] : memref<6x128x32xf32, #tpu.memory_space<vmem>> -> memref<1x128x32xf32, #tpu.memory_space<vmem>>
        %dma_wait3A_101 = tpu.memref_squeeze %dma_wait3A_100 : memref<1x128x32xf32, #tpu.memory_space<vmem>> -> memref<128x32xf32, #tpu.memory_space<vmem>>
        %dma_wait3A_102 = arith.constant 0 : i32
        %dma_wait3A_103 = tpu.memref_slice %arg8[%add3A_83, %dma_wait3A_102] : memref<10240x32xf32, #tpu.memory_space<vmem_shared>> -> memref<128x32xf32, #tpu.memory_space<vmem_shared>>
        %dma_wait3A_104 = arith.constant 0 : i32
        %dma_wait3A_105 = tpu.memref_slice %arg8[%add3A_83, %dma_wait3A_104] : memref<10240x32xf32, #tpu.memory_space<vmem_shared>> -> memref<128x32xf32, #tpu.memory_space<vmem_shared>>
        %dma_wait3A_106 = arith.constant 0 : i32
        %dma_wait3A_107 = arith.constant 0 : i32
        %dma_wait3A_108 = tpu.memref_slice %arg7[%run_scoped3A_84, %dma_wait3A_106, %dma_wait3A_107] : memref<6x128x32xf32, #tpu.memory_space<vmem>> -> memref<1x128x32xf32, #tpu.memory_space<vmem>>
        %dma_wait3A_109 = tpu.memref_squeeze %dma_wait3A_108 : memref<1x128x32xf32, #tpu.memory_space<vmem>> -> memref<128x32xf32, #tpu.memory_space<vmem>>
        tpu.wait_dma2 semaphore(%run_scoped3A_86 : memref<!tpu.dma_semaphore, #tpu.memory_space<semaphore_mem>>) src(%dma_wait3A_109 : memref<128x32xf32, #tpu.memory_space<vmem>>) dst(%dma_wait3A_105 : memref<128x32xf32, #tpu.memory_space<vmem_shared>>)
        tpu.yield
      }) : () -> ()
      %scan3A_85 = arith.constant 0 : i32
      scf.yield %scan3A_85 : i32
    }
    %scan3A_20 = arith.constant 5 : i32
    %run_scoped3A = arith.constant 0 : i32
    "tpu.region"() ({
      %run_scoped3A_77 = tpu.sem_alloc : memref<!tpu.dma_semaphore, #tpu.memory_space<semaphore_mem>>
      %dma_start3A_78 = arith.constant 0 : i32
      %dma_start3A_79 = arith.constant 0 : i32
      %dma_start3A_80 = tpu.memref_slice %arg5[%dma_start3A_78, %dma_start3A_79] : memref<79x128xi32, #tpu.memory_space<vmem>> -> memref<78x128xi32, #tpu.memory_space<vmem>>
      %dma_start3A_81 = arith.constant 0 : i32
      %dma_start3A_82 = tpu.memref_slice %arg3[%run_scoped3A, %select_n3A, %dma_start3A_81] : memref<2x2500x128xi32, #tpu.memory_space<hbm>> -> memref<1x78x128xi32, #tpu.memory_space<hbm>>
      %dma_start3A_83 = tpu.memref_squeeze %dma_start3A_82 : memref<1x78x128xi32, #tpu.memory_space<hbm>> -> memref<78x128xi32, #tpu.memory_space<hbm>>
      %dma_start3A_84 = arith.constant 0 : i32
      %dma_start3A_85 = arith.constant 0 : i32
      %dma_start3A_86 = tpu.memref_slice %arg5[%dma_start3A_84, %dma_start3A_85] : memref<79x128xi32, #tpu.memory_space<vmem>> -> memref<78x128xi32, #tpu.memory_space<vmem>>
      %dma_start3A_87 = arith.constant 0 : i32
      %dma_start3A_88 = tpu.memref_slice %arg3[%run_scoped3A, %select_n3A, %dma_start3A_87] : memref<2x2500x128xi32, #tpu.memory_space<hbm>> -> memref<1x78x128xi32, #tpu.memory_space<hbm>>
      %dma_start3A_89 = tpu.memref_squeeze %dma_start3A_88 : memref<1x78x128xi32, #tpu.memory_space<hbm>> -> memref<78x128xi32, #tpu.memory_space<hbm>>
      tpu.enqueue_dma source(%dma_start3A_89 : memref<78x128xi32, #tpu.memory_space<hbm>>) target(%dma_start3A_86 : memref<78x128xi32, #tpu.memory_space<vmem>>) target_semaphore(%run_scoped3A_77 : memref<!tpu.dma_semaphore, #tpu.memory_space<semaphore_mem>>)
      %dma_wait3A = arith.constant 0 : i32
      %dma_wait3A_90 = arith.constant 0 : i32
      %dma_wait3A_91 = tpu.memref_slice %arg5[%dma_wait3A, %dma_wait3A_90] : memref<79x128xi32, #tpu.memory_space<vmem>> -> memref<78x128xi32, #tpu.memory_space<vmem>>
      %dma_wait3A_92 = arith.constant 0 : i32
      %dma_wait3A_93 = tpu.memref_slice %arg3[%run_scoped3A, %select_n3A, %dma_wait3A_92] : memref<2x2500x128xi32, #tpu.memory_space<hbm>> -> memref<1x78x128xi32, #tpu.memory_space<hbm>>
      %dma_wait3A_94 = tpu.memref_squeeze %dma_wait3A_93 : memref<1x78x128xi32, #tpu.memory_space<hbm>> -> memref<78x128xi32, #tpu.memory_space<hbm>>
      %dma_wait3A_95 = arith.constant 0 : i32
      %dma_wait3A_96 = arith.constant 0 : i32
      %dma_wait3A_97 = tpu.memref_slice %arg5[%dma_wait3A_95, %dma_wait3A_96] : memref<79x128xi32, #tpu.memory_space<vmem>> -> memref<78x128xi32, #tpu.memory_space<vmem>>
      %dma_wait3A_98 = arith.constant 0 : i32
      %dma_wait3A_99 = tpu.memref_slice %arg3[%run_scoped3A, %select_n3A, %dma_wait3A_98] : memref<2x2500x128xi32, #tpu.memory_space<hbm>> -> memref<1x78x128xi32, #tpu.memory_space<hbm>>
      %dma_wait3A_100 = tpu.memref_squeeze %dma_wait3A_99 : memref<1x78x128xi32, #tpu.memory_space<hbm>> -> memref<78x128xi32, #tpu.memory_space<hbm>>
      tpu.wait_dma2 semaphore(%run_scoped3A_77 : memref<!tpu.dma_semaphore, #tpu.memory_space<semaphore_mem>>) src(%dma_wait3A_100 : memref<78x128xi32, #tpu.memory_space<hbm>>) dst(%dma_wait3A_97 : memref<78x128xi32, #tpu.memory_space<vmem>>)
      tpu.yield
    }) : () -> ()
    %run_scoped3A_21 = arith.constant 1 : i32
    "tpu.region"() ({
      %run_scoped3A_77 = tpu.sem_alloc : memref<!tpu.dma_semaphore, #tpu.memory_space<semaphore_mem>>
      %dma_start3A_78 = arith.constant 0 : i32
      %dma_start3A_79 = arith.constant 0 : i32
      %dma_start3A_80 = tpu.memref_slice %arg6[%dma_start3A_78, %dma_start3A_79] : memref<79x128xi32, #tpu.memory_space<vmem>> -> memref<78x128xi32, #tpu.memory_space<vmem>>
      %dma_start3A_81 = arith.constant 0 : i32
      %dma_start3A_82 = tpu.memref_slice %arg3[%run_scoped3A_21, %select_n3A, %dma_start3A_81] : memref<2x2500x128xi32, #tpu.memory_space<hbm>> -> memref<1x78x128xi32, #tpu.memory_space<hbm>>
      %dma_start3A_83 = tpu.memref_squeeze %dma_start3A_82 : memref<1x78x128xi32, #tpu.memory_space<hbm>> -> memref<78x128xi32, #tpu.memory_space<hbm>>
      %dma_start3A_84 = arith.constant 0 : i32
      %dma_start3A_85 = arith.constant 0 : i32
      %dma_start3A_86 = tpu.memref_slice %arg6[%dma_start3A_84, %dma_start3A_85] : memref<79x128xi32, #tpu.memory_space<vmem>> -> memref<78x128xi32, #tpu.memory_space<vmem>>
      %dma_start3A_87 = arith.constant 0 : i32
      %dma_start3A_88 = tpu.memref_slice %arg3[%run_scoped3A_21, %select_n3A, %dma_start3A_87] : memref<2x2500x128xi32, #tpu.memory_space<hbm>> -> memref<1x78x128xi32, #tpu.memory_space<hbm>>
      %dma_start3A_89 = tpu.memref_squeeze %dma_start3A_88 : memref<1x78x128xi32, #tpu.memory_space<hbm>> -> memref<78x128xi32, #tpu.memory_space<hbm>>
      tpu.enqueue_dma source(%dma_start3A_89 : memref<78x128xi32, #tpu.memory_space<hbm>>) target(%dma_start3A_86 : memref<78x128xi32, #tpu.memory_space<vmem>>) target_semaphore(%run_scoped3A_77 : memref<!tpu.dma_semaphore, #tpu.memory_space<semaphore_mem>>)
      %dma_wait3A = arith.constant 0 : i32
      %dma_wait3A_90 = arith.constant 0 : i32
      %dma_wait3A_91 = tpu.memref_slice %arg6[%dma_wait3A, %dma_wait3A_90] : memref<79x128xi32, #tpu.memory_space<vmem>> -> memref<78x128xi32, #tpu.memory_space<vmem>>
      %dma_wait3A_92 = arith.constant 0 : i32
      %dma_wait3A_93 = tpu.memref_slice %arg3[%run_scoped3A_21, %select_n3A, %dma_wait3A_92] : memref<2x2500x128xi32, #tpu.memory_space<hbm>> -> memref<1x78x128xi32, #tpu.memory_space<hbm>>
      %dma_wait3A_94 = tpu.memref_squeeze %dma_wait3A_93 : memref<1x78x128xi32, #tpu.memory_space<hbm>> -> memref<78x128xi32, #tpu.memory_space<hbm>>
      %dma_wait3A_95 = arith.constant 0 : i32
      %dma_wait3A_96 = arith.constant 0 : i32
      %dma_wait3A_97 = tpu.memref_slice %arg6[%dma_wait3A_95, %dma_wait3A_96] : memref<79x128xi32, #tpu.memory_space<vmem>> -> memref<78x128xi32, #tpu.memory_space<vmem>>
      %dma_wait3A_98 = arith.constant 0 : i32
      %dma_wait3A_99 = tpu.memref_slice %arg3[%run_scoped3A_21, %select_n3A, %dma_wait3A_98] : memref<2x2500x128xi32, #tpu.memory_space<hbm>> -> memref<1x78x128xi32, #tpu.memory_space<hbm>>
      %dma_wait3A_100 = tpu.memref_squeeze %dma_wait3A_99 : memref<1x78x128xi32, #tpu.memory_space<hbm>> -> memref<78x128xi32, #tpu.memory_space<hbm>>
      tpu.wait_dma2 semaphore(%run_scoped3A_77 : memref<!tpu.dma_semaphore, #tpu.memory_space<semaphore_mem>>) src(%dma_wait3A_100 : memref<78x128xi32, #tpu.memory_space<hbm>>) dst(%dma_wait3A_97 : memref<78x128xi32, #tpu.memory_space<vmem>>)
      tpu.yield
    }) : () -> ()
    %lt3A_22 = arith.constant 4 : i32
    %lt3A_23 = arith.cmpi slt, %add3A, %lt3A_22 : i32
    %convert_element_type3A = arith.extui %lt3A_23 : i1 to i32
    %cond3A = arith.constant 0 : i32
    %cond3A_24 = arith.cmpi ne, %convert_element_type3A, %cond3A : i32
    scf.if %cond3A_24 {
      %add3A_77 = arith.constant 78 : i32
      %add3A_78 = arith.addi %select_n3A, %add3A_77 : i32
      %run_scoped3A_79 = arith.constant 0 : i32
      %run_scoped3A_80 = arith.constant 78 : i32
      "tpu.region"() ({
        %run_scoped3A_85 = tpu.sem_alloc : memref<!tpu.dma_semaphore, #tpu.memory_space<semaphore_mem>>
        %dma_start3A_86 = arith.constant 0 : i32
        %dma_start3A_87 = tpu.memref_slice %arg5[%run_scoped3A_80, %dma_start3A_86] : memref<79x128xi32, #tpu.memory_space<vmem>> -> memref<1x128xi32, #tpu.memory_space<vmem>>
        %dma_start3A_88 = tpu.memref_squeeze %dma_start3A_87 : memref<1x128xi32, #tpu.memory_space<vmem>> -> memref<128xi32, #tpu.memory_space<vmem>>
        %dma_start3A_89 = arith.constant 0 : i32
        %dma_start3A_90 = tpu.memref_slice %arg3[%run_scoped3A_79, %add3A_78, %dma_start3A_89] : memref<2x2500x128xi32, #tpu.memory_space<hbm>> -> memref<1x1x128xi32, #tpu.memory_space<hbm>>
        %dma_start3A_91 = tpu.memref_squeeze %dma_start3A_90 : memref<1x1x128xi32, #tpu.memory_space<hbm>> -> memref<128xi32, #tpu.memory_space<hbm>>
        %dma_start3A_92 = arith.constant 0 : i32
        %dma_start3A_93 = tpu.memref_slice %arg5[%run_scoped3A_80, %dma_start3A_92] : memref<79x128xi32, #tpu.memory_space<vmem>> -> memref<1x128xi32, #tpu.memory_space<vmem>>
        %dma_start3A_94 = tpu.memref_squeeze %dma_start3A_93 : memref<1x128xi32, #tpu.memory_space<vmem>> -> memref<128xi32, #tpu.memory_space<vmem>>
        %dma_start3A_95 = arith.constant 0 : i32
        %dma_start3A_96 = tpu.memref_slice %arg3[%run_scoped3A_79, %add3A_78, %dma_start3A_95] : memref<2x2500x128xi32, #tpu.memory_space<hbm>> -> memref<1x1x128xi32, #tpu.memory_space<hbm>>
        %dma_start3A_97 = tpu.memref_squeeze %dma_start3A_96 : memref<1x1x128xi32, #tpu.memory_space<hbm>> -> memref<128xi32, #tpu.memory_space<hbm>>
        tpu.enqueue_dma source(%dma_start3A_97 : memref<128xi32, #tpu.memory_space<hbm>>) target(%dma_start3A_94 : memref<128xi32, #tpu.memory_space<vmem>>) target_semaphore(%run_scoped3A_85 : memref<!tpu.dma_semaphore, #tpu.memory_space<semaphore_mem>>)
        %dma_wait3A = arith.constant 0 : i32
        %dma_wait3A_98 = tpu.memref_slice %arg5[%run_scoped3A_80, %dma_wait3A] : memref<79x128xi32, #tpu.memory_space<vmem>> -> memref<1x128xi32, #tpu.memory_space<vmem>>
        %dma_wait3A_99 = tpu.memref_squeeze %dma_wait3A_98 : memref<1x128xi32, #tpu.memory_space<vmem>> -> memref<128xi32, #tpu.memory_space<vmem>>
        %dma_wait3A_100 = arith.constant 0 : i32
        %dma_wait3A_101 = tpu.memref_slice %arg3[%run_scoped3A_79, %add3A_78, %dma_wait3A_100] : memref<2x2500x128xi32, #tpu.memory_space<hbm>> -> memref<1x1x128xi32, #tpu.memory_space<hbm>>
        %dma_wait3A_102 = tpu.memref_squeeze %dma_wait3A_101 : memref<1x1x128xi32, #tpu.memory_space<hbm>> -> memref<128xi32, #tpu.memory_space<hbm>>
        %dma_wait3A_103 = arith.constant 0 : i32
        %dma_wait3A_104 = tpu.memref_slice %arg5[%run_scoped3A_80, %dma_wait3A_103] : memref<79x128xi32, #tpu.memory_space<vmem>> -> memref<1x128xi32, #tpu.memory_space<vmem>>
        %dma_wait3A_105 = tpu.memref_squeeze %dma_wait3A_104 : memref<1x128xi32, #tpu.memory_space<vmem>> -> memref<128xi32, #tpu.memory_space<vmem>>
        %dma_wait3A_106 = arith.constant 0 : i32
        %dma_wait3A_107 = tpu.memref_slice %arg3[%run_scoped3A_79, %add3A_78, %dma_wait3A_106] : memref<2x2500x128xi32, #tpu.memory_space<hbm>> -> memref<1x1x128xi32, #tpu.memory_space<hbm>>
        %dma_wait3A_108 = tpu.memref_squeeze %dma_wait3A_107 : memref<1x1x128xi32, #tpu.memory_space<hbm>> -> memref<128xi32, #tpu.memory_space<hbm>>
        tpu.wait_dma2 semaphore(%run_scoped3A_85 : memref<!tpu.dma_semaphore, #tpu.memory_space<semaphore_mem>>) src(%dma_wait3A_108 : memref<128xi32, #tpu.memory_space<hbm>>) dst(%dma_wait3A_105 : memref<128xi32, #tpu.memory_space<vmem>>)
        tpu.yield
      }) : () -> ()
      %add3A_81 = arith.constant 78 : i32
      %add3A_82 = arith.addi %select_n3A, %add3A_81 : i32
      %run_scoped3A_83 = arith.constant 1 : i32
      %run_scoped3A_84 = arith.constant 78 : i32
      "tpu.region"() ({
        %run_scoped3A_85 = tpu.sem_alloc : memref<!tpu.dma_semaphore, #tpu.memory_space<semaphore_mem>>
        %dma_start3A_86 = arith.constant 0 : i32
        %dma_start3A_87 = tpu.memref_slice %arg6[%run_scoped3A_84, %dma_start3A_86] : memref<79x128xi32, #tpu.memory_space<vmem>> -> memref<1x128xi32, #tpu.memory_space<vmem>>
        %dma_start3A_88 = tpu.memref_squeeze %dma_start3A_87 : memref<1x128xi32, #tpu.memory_space<vmem>> -> memref<128xi32, #tpu.memory_space<vmem>>
        %dma_start3A_89 = arith.constant 0 : i32
        %dma_start3A_90 = tpu.memref_slice %arg3[%run_scoped3A_83, %add3A_82, %dma_start3A_89] : memref<2x2500x128xi32, #tpu.memory_space<hbm>> -> memref<1x1x128xi32, #tpu.memory_space<hbm>>
        %dma_start3A_91 = tpu.memref_squeeze %dma_start3A_90 : memref<1x1x128xi32, #tpu.memory_space<hbm>> -> memref<128xi32, #tpu.memory_space<hbm>>
        %dma_start3A_92 = arith.constant 0 : i32
        %dma_start3A_93 = tpu.memref_slice %arg6[%run_scoped3A_84, %dma_start3A_92] : memref<79x128xi32, #tpu.memory_space<vmem>> -> memref<1x128xi32, #tpu.memory_space<vmem>>
        %dma_start3A_94 = tpu.memref_squeeze %dma_start3A_93 : memref<1x128xi32, #tpu.memory_space<vmem>> -> memref<128xi32, #tpu.memory_space<vmem>>
        %dma_start3A_95 = arith.constant 0 : i32
        %dma_start3A_96 = tpu.memref_slice %arg3[%run_scoped3A_83, %add3A_82, %dma_start3A_95] : memref<2x2500x128xi32, #tpu.memory_space<hbm>> -> memref<1x1x128xi32, #tpu.memory_space<hbm>>
        %dma_start3A_97 = tpu.memref_squeeze %dma_start3A_96 : memref<1x1x128xi32, #tpu.memory_space<hbm>> -> memref<128xi32, #tpu.memory_space<hbm>>
        tpu.enqueue_dma source(%dma_start3A_97 : memref<128xi32, #tpu.memory_space<hbm>>) target(%dma_start3A_94 : memref<128xi32, #tpu.memory_space<vmem>>) target_semaphore(%run_scoped3A_85 : memref<!tpu.dma_semaphore, #tpu.memory_space<semaphore_mem>>)
        %dma_wait3A = arith.constant 0 : i32
        %dma_wait3A_98 = tpu.memref_slice %arg6[%run_scoped3A_84, %dma_wait3A] : memref<79x128xi32, #tpu.memory_space<vmem>> -> memref<1x128xi32, #tpu.memory_space<vmem>>
        %dma_wait3A_99 = tpu.memref_squeeze %dma_wait3A_98 : memref<1x128xi32, #tpu.memory_space<vmem>> -> memref<128xi32, #tpu.memory_space<vmem>>
        %dma_wait3A_100 = arith.constant 0 : i32
        %dma_wait3A_101 = tpu.memref_slice %arg3[%run_scoped3A_83, %add3A_82, %dma_wait3A_100] : memref<2x2500x128xi32, #tpu.memory_space<hbm>> -> memref<1x1x128xi32, #tpu.memory_space<hbm>>
        %dma_wait3A_102 = tpu.memref_squeeze %dma_wait3A_101 : memref<1x1x128xi32, #tpu.memory_space<hbm>> -> memref<128xi32, #tpu.memory_space<hbm>>
        %dma_wait3A_103 = arith.constant 0 : i32
        %dma_wait3A_104 = tpu.memref_slice %arg6[%run_scoped3A_84, %dma_wait3A_103] : memref<79x128xi32, #tpu.memory_space<vmem>> -> memref<1x128xi32, #tpu.memory_space<vmem>>
        %dma_wait3A_105 = tpu.memref_squeeze %dma_wait3A_104 : memref<1x128xi32, #tpu.memory_space<vmem>> -> memref<128xi32, #tpu.memory_space<vmem>>
        %dma_wait3A_106 = arith.constant 0 : i32
        %dma_wait3A_107 = tpu.memref_slice %arg3[%run_scoped3A_83, %add3A_82, %dma_wait3A_106] : memref<2x2500x128xi32, #tpu.memory_space<hbm>> -> memref<1x1x128xi32, #tpu.memory_space<hbm>>
        %dma_wait3A_108 = tpu.memref_squeeze %dma_wait3A_107 : memref<1x1x128xi32, #tpu.memory_space<hbm>> -> memref<128xi32, #tpu.memory_space<hbm>>
        tpu.wait_dma2 semaphore(%run_scoped3A_85 : memref<!tpu.dma_semaphore, #tpu.memory_space<semaphore_mem>>) src(%dma_wait3A_108 : memref<128xi32, #tpu.memory_space<hbm>>) dst(%dma_wait3A_105 : memref<128xi32, #tpu.memory_space<vmem>>)
        tpu.yield
      }) : () -> ()
    } else {
    }
    %barrier3A = arith.constant 0 : index
    tpu.barrier barrier_id(%barrier3A)
    %dma_start3A = arith.constant 0 : i32
    %dma_start3A_25 = arith.constant 0 : i32
    %dma_start3A_26 = arith.constant 0 : i32
    %dma_start3A_27 = arith.constant 0 : i32
    %dma_start3A_28 = tpu.memref_slice %arg7[%dma_start3A_25, %dma_start3A_26, %dma_start3A_27] : memref<6x128x32xf32, #tpu.memory_space<vmem>> -> memref<1x128x32xf32, #tpu.memory_space<vmem>>
    %dma_start3A_29 = tpu.memref_squeeze %dma_start3A_28 : memref<1x128x32xf32, #tpu.memory_space<vmem>> -> memref<128x32xf32, #tpu.memory_space<vmem>>
    %dma_start3A_30 = arith.constant 0 : i32
    %dma_start3A_31 = tpu.memref_slice %arg5[%dma_start3A, %dma_start3A_30] : memref<79x128xi32, #tpu.memory_space<vmem>> -> memref<1x128xi32, #tpu.memory_space<vmem>>
    %dma_start3A_32 = tpu.memref_squeeze %dma_start3A_31 : memref<1x128xi32, #tpu.memory_space<vmem>> -> memref<128xi32, #tpu.memory_space<vmem>>
    %dma_start3A_33 = arith.constant 0 : i32
    %dma_start3A_34 = arith.constant 0 : i32
    %dma_start3A_35 = tpu.memref_slice %arg2[%dma_start3A_33, %dma_start3A_34] : memref<10240x32xf32, #tpu.memory_space<hbm>> -> memref<10240x32xf32, #tpu.memory_space<hbm>>
    tpu.enqueue_indirect_dma source(%dma_start3A_35 : memref<10240x32xf32, #tpu.memory_space<hbm>>) target(%dma_start3A_29 : memref<128x32xf32, #tpu.memory_space<vmem>>) offsets(%dma_start3A_32 : memref<128xi32, #tpu.memory_space<vmem>>) semaphore(%arg9 : memref<!tpu.dma_semaphore, #tpu.memory_space<semaphore_mem>>)
    %dma_start3A_36 = arith.constant 1 : i32
    %dma_start3A_37 = arith.constant 1 : i32
    %dma_start3A_38 = arith.constant 0 : i32
    %dma_start3A_39 = arith.constant 0 : i32
    %dma_start3A_40 = tpu.memref_slice %arg7[%dma_start3A_37, %dma_start3A_38, %dma_start3A_39] : memref<6x128x32xf32, #tpu.memory_space<vmem>> -> memref<1x128x32xf32, #tpu.memory_space<vmem>>
    %dma_start3A_41 = tpu.memref_squeeze %dma_start3A_40 : memref<1x128x32xf32, #tpu.memory_space<vmem>> -> memref<128x32xf32, #tpu.memory_space<vmem>>
    %dma_start3A_42 = arith.constant 0 : i32
    %dma_start3A_43 = tpu.memref_slice %arg5[%dma_start3A_36, %dma_start3A_42] : memref<79x128xi32, #tpu.memory_space<vmem>> -> memref<1x128xi32, #tpu.memory_space<vmem>>
    %dma_start3A_44 = tpu.memref_squeeze %dma_start3A_43 : memref<1x128xi32, #tpu.memory_space<vmem>> -> memref<128xi32, #tpu.memory_space<vmem>>
    %dma_start3A_45 = arith.constant 0 : i32
    %dma_start3A_46 = arith.constant 0 : i32
    %dma_start3A_47 = tpu.memref_slice %arg2[%dma_start3A_45, %dma_start3A_46] : memref<10240x32xf32, #tpu.memory_space<hbm>> -> memref<10240x32xf32, #tpu.memory_space<hbm>>
    tpu.enqueue_indirect_dma source(%dma_start3A_47 : memref<10240x32xf32, #tpu.memory_space<hbm>>) target(%dma_start3A_41 : memref<128x32xf32, #tpu.memory_space<vmem>>) offsets(%dma_start3A_44 : memref<128xi32, #tpu.memory_space<vmem>>) semaphore(%arg9 : memref<!tpu.dma_semaphore, #tpu.memory_space<semaphore_mem>>)
    %dma_start3A_48 = arith.constant 2 : i32
    %dma_start3A_49 = arith.constant 2 : i32
    %dma_start3A_50 = arith.constant 0 : i32
    %dma_start3A_51 = arith.constant 0 : i32
    %dma_start3A_52 = tpu.memref_slice %arg7[%dma_start3A_49, %dma_start3A_50, %dma_start3A_51] : memref<6x128x32xf32, #tpu.memory_space<vmem>> -> memref<1x128x32xf32, #tpu.memory_space<vmem>>
    %dma_start3A_53 = tpu.memref_squeeze %dma_start3A_52 : memref<1x128x32xf32, #tpu.memory_space<vmem>> -> memref<128x32xf32, #tpu.memory_space<vmem>>
    %dma_start3A_54 = arith.constant 0 : i32
    %dma_start3A_55 = tpu.memref_slice %arg5[%dma_start3A_48, %dma_start3A_54] : memref<79x128xi32, #tpu.memory_space<vmem>> -> memref<1x128xi32, #tpu.memory_space<vmem>>
    %dma_start3A_56 = tpu.memref_squeeze %dma_start3A_55 : memref<1x128xi32, #tpu.memory_space<vmem>> -> memref<128xi32, #tpu.memory_space<vmem>>
    %dma_start3A_57 = arith.constant 0 : i32
    %dma_start3A_58 = arith.constant 0 : i32
    %dma_start3A_59 = tpu.memref_slice %arg2[%dma_start3A_57, %dma_start3A_58] : memref<10240x32xf32, #tpu.memory_space<hbm>> -> memref<10240x32xf32, #tpu.memory_space<hbm>>
    tpu.enqueue_indirect_dma source(%dma_start3A_59 : memref<10240x32xf32, #tpu.memory_space<hbm>>) target(%dma_start3A_53 : memref<128x32xf32, #tpu.memory_space<vmem>>) offsets(%dma_start3A_56 : memref<128xi32, #tpu.memory_space<vmem>>) semaphore(%arg9 : memref<!tpu.dma_semaphore, #tpu.memory_space<semaphore_mem>>)
    %scan3A_60 = arith.constant 0 : i32
    %scan3A_61 = arith.constant 0 : i32
    %scan3A_62 = arith.constant 26 : i32
    %scan3A_63 = arith.addi %scan3A_61, %scan3A_62 : i32
    %scan3A_64 = arith.constant 1 : i32
    %scan3A_65 = scf.for %scan3A_77 = %scan3A_61 to %scan3A_63 step %scan3A_64 iter_args(%scan3A_78 = %scan3A_60) -> (i32)  : i32 {
      %jit3A = arith.constant 2 : i32
      %eq3A = arith.constant 0 : i32
      %eq3A_79 = arith.cmpi eq, %jit3A, %eq3A : i32
      %jit3A_80 = arith.constant 1 : i32
      %select_n3A_81 = arith.select %eq3A_79, %jit3A_80, %jit3A : i32
      %rem3A = arith.remsi %scan3A_77, %select_n3A_81 : i32
      %ne3A = arith.constant 0 : i32
      %ne3A_82 = arith.cmpi ne, %rem3A, %ne3A : i32
      %lt3A_83 = arith.constant 0 : i32
      %lt3A_84 = arith.cmpi slt, %rem3A, %lt3A_83 : i32
      %lt3A_85 = arith.constant 0 : i32
      %lt3A_86 = arith.cmpi slt, %select_n3A_81, %lt3A_85 : i32
      %ne3A_87 = arith.xori %lt3A_84, %lt3A_86 : i1
      %and3A = arith.andi %ne3A_87, %ne3A_82 : i1
      %add3A_88 = arith.addi %rem3A, %select_n3A_81 : i32
      %select_n3A_89 = arith.select %and3A, %add3A_88, %rem3A : i32
      %mul3A_90 = arith.constant 3 : i32
      %mul3A_91 = arith.muli %select_n3A_89, %mul3A_90 : i32
      %sub3A = arith.constant 3 : i32
      %sub3A_92 = arith.subi %sub3A, %mul3A_91 : i32
      %mul3A_93 = arith.constant 3 : i32
      %mul3A_94 = arith.muli %scan3A_77, %mul3A_93 : i32
      %add3A_95 = arith.constant 0 : i32
      %add3A_96 = arith.addi %mul3A_94, %add3A_95 : i32
      %add3A_97 = arith.constant 0 : i32
      %add3A_98 = arith.addi %mul3A_91, %add3A_97 : i32
      %dma_wait3A = arith.constant 0 : i32
      %dma_wait3A_99 = arith.constant 0 : i32
      %dma_wait3A_100 = tpu.memref_slice %arg7[%add3A_98, %dma_wait3A, %dma_wait3A_99] : memref<6x128x32xf32, #tpu.memory_space<vmem>> -> memref<1x128x32xf32, #tpu.memory_space<vmem>>
      %dma_wait3A_101 = tpu.memref_squeeze %dma_wait3A_100 : memref<1x128x32xf32, #tpu.memory_space<vmem>> -> memref<128x32xf32, #tpu.memory_space<vmem>>
      %dma_wait3A_102 = arith.constant 0 : i32
      %dma_wait3A_103 = tpu.memref_slice %arg5[%add3A_96, %dma_wait3A_102] : memref<79x128xi32, #tpu.memory_space<vmem>> -> memref<1x128xi32, #tpu.memory_space<vmem>>
      %dma_wait3A_104 = tpu.memref_squeeze %dma_wait3A_103 : memref<1x128xi32, #tpu.memory_space<vmem>> -> memref<128xi32, #tpu.memory_space<vmem>>
      %dma_wait3A_105 = arith.constant 0 : i32
      %dma_wait3A_106 = arith.constant 0 : i32
      %dma_wait3A_107 = tpu.memref_slice %arg2[%dma_wait3A_105, %dma_wait3A_106] : memref<10240x32xf32, #tpu.memory_space<hbm>> -> memref<10240x32xf32, #tpu.memory_space<hbm>>
      tpu.wait_indirect_dma semaphore(%arg9 : memref<!tpu.dma_semaphore, #tpu.memory_space<semaphore_mem>>) src(%dma_wait3A_107 : memref<10240x32xf32, #tpu.memory_space<hbm>>) dst(%dma_wait3A_101 : memref<128x32xf32, #tpu.memory_space<vmem>>)
      %mul3A_108 = arith.constant 3 : i32
      %mul3A_109 = arith.muli %scan3A_77, %mul3A_108 : i32
      %add3A_110 = arith.constant 1 : i32
      %add3A_111 = arith.addi %mul3A_109, %add3A_110 : i32
      %add3A_112 = arith.constant 1 : i32
      %add3A_113 = arith.addi %mul3A_91, %add3A_112 : i32
      %dma_wait3A_114 = arith.constant 0 : i32
      %dma_wait3A_115 = arith.constant 0 : i32
      %dma_wait3A_116 = tpu.memref_slice %arg7[%add3A_113, %dma_wait3A_114, %dma_wait3A_115] : memref<6x128x32xf32, #tpu.memory_space<vmem>> -> memref<1x128x32xf32, #tpu.memory_space<vmem>>
      %dma_wait3A_117 = tpu.memref_squeeze %dma_wait3A_116 : memref<1x128x32xf32, #tpu.memory_space<vmem>> -> memref<128x32xf32, #tpu.memory_space<vmem>>
      %dma_wait3A_118 = arith.constant 0 : i32
      %dma_wait3A_119 = tpu.memref_slice %arg5[%add3A_111, %dma_wait3A_118] : memref<79x128xi32, #tpu.memory_space<vmem>> -> memref<1x128xi32, #tpu.memory_space<vmem>>
      %dma_wait3A_120 = tpu.memref_squeeze %dma_wait3A_119 : memref<1x128xi32, #tpu.memory_space<vmem>> -> memref<128xi32, #tpu.memory_space<vmem>>
      %dma_wait3A_121 = arith.constant 0 : i32
      %dma_wait3A_122 = arith.constant 0 : i32
      %dma_wait3A_123 = tpu.memref_slice %arg2[%dma_wait3A_121, %dma_wait3A_122] : memref<10240x32xf32, #tpu.memory_space<hbm>> -> memref<10240x32xf32, #tpu.memory_space<hbm>>
      tpu.wait_indirect_dma semaphore(%arg9 : memref<!tpu.dma_semaphore, #tpu.memory_space<semaphore_mem>>) src(%dma_wait3A_123 : memref<10240x32xf32, #tpu.memory_space<hbm>>) dst(%dma_wait3A_117 : memref<128x32xf32, #tpu.memory_space<vmem>>)
      %mul3A_124 = arith.constant 3 : i32
      %mul3A_125 = arith.muli %scan3A_77, %mul3A_124 : i32
      %add3A_126 = arith.constant 2 : i32
      %add3A_127 = arith.addi %mul3A_125, %add3A_126 : i32
      %add3A_128 = arith.constant 2 : i32
      %add3A_129 = arith.addi %mul3A_91, %add3A_128 : i32
      %dma_wait3A_130 = arith.constant 0 : i32
      %dma_wait3A_131 = arith.constant 0 : i32
      %dma_wait3A_132 = tpu.memref_slice %arg7[%add3A_129, %dma_wait3A_130, %dma_wait3A_131] : memref<6x128x32xf32, #tpu.memory_space<vmem>> -> memref<1x128x32xf32, #tpu.memory_space<vmem>>
      %dma_wait3A_133 = tpu.memref_squeeze %dma_wait3A_132 : memref<1x128x32xf32, #tpu.memory_space<vmem>> -> memref<128x32xf32, #tpu.memory_space<vmem>>
      %dma_wait3A_134 = arith.constant 0 : i32
      %dma_wait3A_135 = tpu.memref_slice %arg5[%add3A_127, %dma_wait3A_134] : memref<79x128xi32, #tpu.memory_space<vmem>> -> memref<1x128xi32, #tpu.memory_space<vmem>>
      %dma_wait3A_136 = tpu.memref_squeeze %dma_wait3A_135 : memref<1x128xi32, #tpu.memory_space<vmem>> -> memref<128xi32, #tpu.memory_space<vmem>>
      %dma_wait3A_137 = arith.constant 0 : i32
      %dma_wait3A_138 = arith.constant 0 : i32
      %dma_wait3A_139 = tpu.memref_slice %arg2[%dma_wait3A_137, %dma_wait3A_138] : memref<10240x32xf32, #tpu.memory_space<hbm>> -> memref<10240x32xf32, #tpu.memory_space<hbm>>
      tpu.wait_indirect_dma semaphore(%arg9 : memref<!tpu.dma_semaphore, #tpu.memory_space<semaphore_mem>>) src(%dma_wait3A_139 : memref<10240x32xf32, #tpu.memory_space<hbm>>) dst(%dma_wait3A_133 : memref<128x32xf32, #tpu.memory_space<vmem>>)
      %lt3A_140 = arith.constant 25 : i32
      %lt3A_141 = arith.cmpi slt, %scan3A_77, %lt3A_140 : i32
      %convert_element_type3A_142 = arith.extui %lt3A_141 : i1 to i32
      %cond3A_143 = arith.constant 0 : i32
      %cond3A_144 = arith.cmpi ne, %convert_element_type3A_142, %cond3A_143 : i32
      scf.if %cond3A_144 {
        %add3A_224 = arith.constant 1 : i32
        %add3A_225 = arith.addi %scan3A_77, %add3A_224 : i32
        %mul3A_226 = arith.constant 3 : i32
        %mul3A_227 = arith.muli %add3A_225, %mul3A_226 : i32
        %add3A_228 = arith.constant 0 : i32
        %add3A_229 = arith.addi %mul3A_227, %add3A_228 : i32
        %add3A_230 = arith.constant 0 : i32
        %add3A_231 = arith.addi %sub3A_92, %add3A_230 : i32
        %dma_start3A_232 = arith.constant 0 : i32
        %dma_start3A_233 = arith.constant 0 : i32
        %dma_start3A_234 = tpu.memref_slice %arg7[%add3A_231, %dma_start3A_232, %dma_start3A_233] : memref<6x128x32xf32, #tpu.memory_space<vmem>> -> memref<1x128x32xf32, #tpu.memory_space<vmem>>
        %dma_start3A_235 = tpu.memref_squeeze %dma_start3A_234 : memref<1x128x32xf32, #tpu.memory_space<vmem>> -> memref<128x32xf32, #tpu.memory_space<vmem>>
        %dma_start3A_236 = arith.constant 0 : i32
        %dma_start3A_237 = tpu.memref_slice %arg5[%add3A_229, %dma_start3A_236] : memref<79x128xi32, #tpu.memory_space<vmem>> -> memref<1x128xi32, #tpu.memory_space<vmem>>
        %dma_start3A_238 = tpu.memref_squeeze %dma_start3A_237 : memref<1x128xi32, #tpu.memory_space<vmem>> -> memref<128xi32, #tpu.memory_space<vmem>>
        %dma_start3A_239 = arith.constant 0 : i32
        %dma_start3A_240 = arith.constant 0 : i32
        %dma_start3A_241 = tpu.memref_slice %arg2[%dma_start3A_239, %dma_start3A_240] : memref<10240x32xf32, #tpu.memory_space<hbm>> -> memref<10240x32xf32, #tpu.memory_space<hbm>>
        tpu.enqueue_indirect_dma source(%dma_start3A_241 : memref<10240x32xf32, #tpu.memory_space<hbm>>) target(%dma_start3A_235 : memref<128x32xf32, #tpu.memory_space<vmem>>) offsets(%dma_start3A_238 : memref<128xi32, #tpu.memory_space<vmem>>) semaphore(%arg9 : memref<!tpu.dma_semaphore, #tpu.memory_space<semaphore_mem>>)
        %add3A_242 = arith.constant 1 : i32
        %add3A_243 = arith.addi %scan3A_77, %add3A_242 : i32
        %mul3A_244 = arith.constant 3 : i32
        %mul3A_245 = arith.muli %add3A_243, %mul3A_244 : i32
        %add3A_246 = arith.constant 1 : i32
        %add3A_247 = arith.addi %mul3A_245, %add3A_246 : i32
        %add3A_248 = arith.constant 1 : i32
        %add3A_249 = arith.addi %sub3A_92, %add3A_248 : i32
        %dma_start3A_250 = arith.constant 0 : i32
        %dma_start3A_251 = arith.constant 0 : i32
        %dma_start3A_252 = tpu.memref_slice %arg7[%add3A_249, %dma_start3A_250, %dma_start3A_251] : memref<6x128x32xf32, #tpu.memory_space<vmem>> -> memref<1x128x32xf32, #tpu.memory_space<vmem>>
        %dma_start3A_253 = tpu.memref_squeeze %dma_start3A_252 : memref<1x128x32xf32, #tpu.memory_space<vmem>> -> memref<128x32xf32, #tpu.memory_space<vmem>>
        %dma_start3A_254 = arith.constant 0 : i32
        %dma_start3A_255 = tpu.memref_slice %arg5[%add3A_247, %dma_start3A_254] : memref<79x128xi32, #tpu.memory_space<vmem>> -> memref<1x128xi32, #tpu.memory_space<vmem>>
        %dma_start3A_256 = tpu.memref_squeeze %dma_start3A_255 : memref<1x128xi32, #tpu.memory_space<vmem>> -> memref<128xi32, #tpu.memory_space<vmem>>
        %dma_start3A_257 = arith.constant 0 : i32
        %dma_start3A_258 = arith.constant 0 : i32
        %dma_start3A_259 = tpu.memref_slice %arg2[%dma_start3A_257, %dma_start3A_258] : memref<10240x32xf32, #tpu.memory_space<hbm>> -> memref<10240x32xf32, #tpu.memory_space<hbm>>
        tpu.enqueue_indirect_dma source(%dma_start3A_259 : memref<10240x32xf32, #tpu.memory_space<hbm>>) target(%dma_start3A_253 : memref<128x32xf32, #tpu.memory_space<vmem>>) offsets(%dma_start3A_256 : memref<128xi32, #tpu.memory_space<vmem>>) semaphore(%arg9 : memref<!tpu.dma_semaphore, #tpu.memory_space<semaphore_mem>>)
        %add3A_260 = arith.constant 1 : i32
        %add3A_261 = arith.addi %scan3A_77, %add3A_260 : i32
        %mul3A_262 = arith.constant 3 : i32
        %mul3A_263 = arith.muli %add3A_261, %mul3A_262 : i32
        %add3A_264 = arith.constant 2 : i32
        %add3A_265 = arith.addi %mul3A_263, %add3A_264 : i32
        %add3A_266 = arith.constant 2 : i32
        %add3A_267 = arith.addi %sub3A_92, %add3A_266 : i32
        %dma_start3A_268 = arith.constant 0 : i32
        %dma_start3A_269 = arith.constant 0 : i32
        %dma_start3A_270 = tpu.memref_slice %arg7[%add3A_267, %dma_start3A_268, %dma_start3A_269] : memref<6x128x32xf32, #tpu.memory_space<vmem>> -> memref<1x128x32xf32, #tpu.memory_space<vmem>>
        %dma_start3A_271 = tpu.memref_squeeze %dma_start3A_270 : memref<1x128x32xf32, #tpu.memory_space<vmem>> -> memref<128x32xf32, #tpu.memory_space<vmem>>
        %dma_start3A_272 = arith.constant 0 : i32
        %dma_start3A_273 = tpu.memref_slice %arg5[%add3A_265, %dma_start3A_272] : memref<79x128xi32, #tpu.memory_space<vmem>> -> memref<1x128xi32, #tpu.memory_space<vmem>>
        %dma_start3A_274 = tpu.memref_squeeze %dma_start3A_273 : memref<1x128xi32, #tpu.memory_space<vmem>> -> memref<128xi32, #tpu.memory_space<vmem>>
        %dma_start3A_275 = arith.constant 0 : i32
        %dma_start3A_276 = arith.constant 0 : i32
        %dma_start3A_277 = tpu.memref_slice %arg2[%dma_start3A_275, %dma_start3A_276] : memref<10240x32xf32, #tpu.memory_space<hbm>> -> memref<10240x32xf32, #tpu.memory_space<hbm>>
        tpu.enqueue_indirect_dma source(%dma_start3A_277 : memref<10240x32xf32, #tpu.memory_space<hbm>>) target(%dma_start3A_271 : memref<128x32xf32, #tpu.memory_space<vmem>>) offsets(%dma_start3A_274 : memref<128xi32, #tpu.memory_space<vmem>>) semaphore(%arg9 : memref<!tpu.dma_semaphore, #tpu.memory_space<semaphore_mem>>)
      } else {
      }
      %mul3A_145 = arith.constant 3 : i32
      %mul3A_146 = arith.muli %scan3A_77, %mul3A_145 : i32
      %add3A_147 = arith.constant 0 : i32
      %add3A_148 = arith.addi %mul3A_146, %add3A_147 : i32
      %add3A_149 = arith.constant 0 : i32
      %add3A_150 = arith.addi %mul3A_91, %add3A_149 : i32
      %dma_start3A_151 = arith.constant 0 : i32
      %dma_start3A_152 = arith.constant 0 : i32
      %dma_start3A_153 = tpu.memref_slice %arg7[%add3A_150, %dma_start3A_151, %dma_start3A_152] : memref<6x128x32xf32, #tpu.memory_space<vmem>> -> memref<1x128x32xf32, #tpu.memory_space<vmem>>
      %dma_start3A_154 = tpu.memref_squeeze %dma_start3A_153 : memref<1x128x32xf32, #tpu.memory_space<vmem>> -> memref<128x32xf32, #tpu.memory_space<vmem>>
      %dma_start3A_155 = arith.constant 0 : i32
      %dma_start3A_156 = tpu.memref_slice %arg6[%add3A_148, %dma_start3A_155] : memref<79x128xi32, #tpu.memory_space<vmem>> -> memref<1x128xi32, #tpu.memory_space<vmem>>
      %dma_start3A_157 = tpu.memref_squeeze %dma_start3A_156 : memref<1x128xi32, #tpu.memory_space<vmem>> -> memref<128xi32, #tpu.memory_space<vmem>>
      %dma_start3A_158 = arith.constant 0 : i32
      %dma_start3A_159 = arith.constant 0 : i32
      %dma_start3A_160 = tpu.memref_slice %arg8[%dma_start3A_158, %dma_start3A_159] : memref<10240x32xf32, #tpu.memory_space<vmem_shared>> -> memref<10240x32xf32, #tpu.memory_space<vmem_shared>>
      tpu.enqueue_indirect_dma source(%dma_start3A_154 : memref<128x32xf32, #tpu.memory_space<vmem>>) target(%dma_start3A_160 : memref<10240x32xf32, #tpu.memory_space<vmem_shared>>) offsets(%dma_start3A_157 : memref<128xi32, #tpu.memory_space<vmem>>) semaphore(%arg10 : memref<!tpu.dma_semaphore, #tpu.memory_space<semaphore_mem>>) {add = true}
      %mul3A_161 = arith.constant 3 : i32
      %mul3A_162 = arith.muli %scan3A_77, %mul3A_161 : i32
      %add3A_163 = arith.constant 1 : i32
      %add3A_164 = arith.addi %mul3A_162, %add3A_163 : i32
      %add3A_165 = arith.constant 1 : i32
      %add3A_166 = arith.addi %mul3A_91, %add3A_165 : i32
      %dma_start3A_167 = arith.constant 0 : i32
      %dma_start3A_168 = arith.constant 0 : i32
      %dma_start3A_169 = tpu.memref_slice %arg7[%add3A_166, %dma_start3A_167, %dma_start3A_168] : memref<6x128x32xf32, #tpu.memory_space<vmem>> -> memref<1x128x32xf32, #tpu.memory_space<vmem>>
      %dma_start3A_170 = tpu.memref_squeeze %dma_start3A_169 : memref<1x128x32xf32, #tpu.memory_space<vmem>> -> memref<128x32xf32, #tpu.memory_space<vmem>>
      %dma_start3A_171 = arith.constant 0 : i32
      %dma_start3A_172 = tpu.memref_slice %arg6[%add3A_164, %dma_start3A_171] : memref<79x128xi32, #tpu.memory_space<vmem>> -> memref<1x128xi32, #tpu.memory_space<vmem>>
      %dma_start3A_173 = tpu.memref_squeeze %dma_start3A_172 : memref<1x128xi32, #tpu.memory_space<vmem>> -> memref<128xi32, #tpu.memory_space<vmem>>
      %dma_start3A_174 = arith.constant 0 : i32
      %dma_start3A_175 = arith.constant 0 : i32
      %dma_start3A_176 = tpu.memref_slice %arg8[%dma_start3A_174, %dma_start3A_175] : memref<10240x32xf32, #tpu.memory_space<vmem_shared>> -> memref<10240x32xf32, #tpu.memory_space<vmem_shared>>
      tpu.enqueue_indirect_dma source(%dma_start3A_170 : memref<128x32xf32, #tpu.memory_space<vmem>>) target(%dma_start3A_176 : memref<10240x32xf32, #tpu.memory_space<vmem_shared>>) offsets(%dma_start3A_173 : memref<128xi32, #tpu.memory_space<vmem>>) semaphore(%arg10 : memref<!tpu.dma_semaphore, #tpu.memory_space<semaphore_mem>>) {add = true}
      %mul3A_177 = arith.constant 3 : i32
      %mul3A_178 = arith.muli %scan3A_77, %mul3A_177 : i32
      %add3A_179 = arith.constant 2 : i32
      %add3A_180 = arith.addi %mul3A_178, %add3A_179 : i32
      %add3A_181 = arith.constant 2 : i32
      %add3A_182 = arith.addi %mul3A_91, %add3A_181 : i32
      %dma_start3A_183 = arith.constant 0 : i32
      %dma_start3A_184 = arith.constant 0 : i32
      %dma_start3A_185 = tpu.memref_slice %arg7[%add3A_182, %dma_start3A_183, %dma_start3A_184] : memref<6x128x32xf32, #tpu.memory_space<vmem>> -> memref<1x128x32xf32, #tpu.memory_space<vmem>>
      %dma_start3A_186 = tpu.memref_squeeze %dma_start3A_185 : memref<1x128x32xf32, #tpu.memory_space<vmem>> -> memref<128x32xf32, #tpu.memory_space<vmem>>
      %dma_start3A_187 = arith.constant 0 : i32
      %dma_start3A_188 = tpu.memref_slice %arg6[%add3A_180, %dma_start3A_187] : memref<79x128xi32, #tpu.memory_space<vmem>> -> memref<1x128xi32, #tpu.memory_space<vmem>>
      %dma_start3A_189 = tpu.memref_squeeze %dma_start3A_188 : memref<1x128xi32, #tpu.memory_space<vmem>> -> memref<128xi32, #tpu.memory_space<vmem>>
      %dma_start3A_190 = arith.constant 0 : i32
      %dma_start3A_191 = arith.constant 0 : i32
      %dma_start3A_192 = tpu.memref_slice %arg8[%dma_start3A_190, %dma_start3A_191] : memref<10240x32xf32, #tpu.memory_space<vmem_shared>> -> memref<10240x32xf32, #tpu.memory_space<vmem_shared>>
      tpu.enqueue_indirect_dma source(%dma_start3A_186 : memref<128x32xf32, #tpu.memory_space<vmem>>) target(%dma_start3A_192 : memref<10240x32xf32, #tpu.memory_space<vmem_shared>>) offsets(%dma_start3A_189 : memref<128xi32, #tpu.memory_space<vmem>>) semaphore(%arg10 : memref<!tpu.dma_semaphore, #tpu.memory_space<semaphore_mem>>) {add = true}
      %dma_wait3A_193 = arith.constant 0 : i32
      %dma_wait3A_194 = arith.constant 0 : i32
      %dma_wait3A_195 = tpu.memref_slice %arg7[%add3A_150, %dma_wait3A_193, %dma_wait3A_194] : memref<6x128x32xf32, #tpu.memory_space<vmem>> -> memref<1x128x32xf32, #tpu.memory_space<vmem>>
      %dma_wait3A_196 = tpu.memref_squeeze %dma_wait3A_195 : memref<1x128x32xf32, #tpu.memory_space<vmem>> -> memref<128x32xf32, #tpu.memory_space<vmem>>
      %dma_wait3A_197 = arith.constant 0 : i32
      %dma_wait3A_198 = tpu.memref_slice %arg6[%add3A_148, %dma_wait3A_197] : memref<79x128xi32, #tpu.memory_space<vmem>> -> memref<1x128xi32, #tpu.memory_space<vmem>>
      %dma_wait3A_199 = tpu.memref_squeeze %dma_wait3A_198 : memref<1x128xi32, #tpu.memory_space<vmem>> -> memref<128xi32, #tpu.memory_space<vmem>>
      %dma_wait3A_200 = arith.constant 0 : i32
      %dma_wait3A_201 = arith.constant 0 : i32
      %dma_wait3A_202 = tpu.memref_slice %arg8[%dma_wait3A_200, %dma_wait3A_201] : memref<10240x32xf32, #tpu.memory_space<vmem_shared>> -> memref<10240x32xf32, #tpu.memory_space<vmem_shared>>
      tpu.wait_indirect_dma semaphore(%arg10 : memref<!tpu.dma_semaphore, #tpu.memory_space<semaphore_mem>>) src(%dma_wait3A_196 : memref<128x32xf32, #tpu.memory_space<vmem>>) dst(%dma_wait3A_202 : memref<10240x32xf32, #tpu.memory_space<vmem_shared>>)
      %dma_wait3A_203 = arith.constant 0 : i32
      %dma_wait3A_204 = arith.constant 0 : i32
      %dma_wait3A_205 = tpu.memref_slice %arg7[%add3A_166, %dma_wait3A_203, %dma_wait3A_204] : memref<6x128x32xf32, #tpu.memory_space<vmem>> -> memref<1x128x32xf32, #tpu.memory_space<vmem>>
      %dma_wait3A_206 = tpu.memref_squeeze %dma_wait3A_205 : memref<1x128x32xf32, #tpu.memory_space<vmem>> -> memref<128x32xf32, #tpu.memory_space<vmem>>
      %dma_wait3A_207 = arith.constant 0 : i32
      %dma_wait3A_208 = tpu.memref_slice %arg6[%add3A_164, %dma_wait3A_207] : memref<79x128xi32, #tpu.memory_space<vmem>> -> memref<1x128xi32, #tpu.memory_space<vmem>>
      %dma_wait3A_209 = tpu.memref_squeeze %dma_wait3A_208 : memref<1x128xi32, #tpu.memory_space<vmem>> -> memref<128xi32, #tpu.memory_space<vmem>>
      %dma_wait3A_210 = arith.constant 0 : i32
      %dma_wait3A_211 = arith.constant 0 : i32
      %dma_wait3A_212 = tpu.memref_slice %arg8[%dma_wait3A_210, %dma_wait3A_211] : memref<10240x32xf32, #tpu.memory_space<vmem_shared>> -> memref<10240x32xf32, #tpu.memory_space<vmem_shared>>
      tpu.wait_indirect_dma semaphore(%arg10 : memref<!tpu.dma_semaphore, #tpu.memory_space<semaphore_mem>>) src(%dma_wait3A_206 : memref<128x32xf32, #tpu.memory_space<vmem>>) dst(%dma_wait3A_212 : memref<10240x32xf32, #tpu.memory_space<vmem_shared>>)
      %dma_wait3A_213 = arith.constant 0 : i32
      %dma_wait3A_214 = arith.constant 0 : i32
      %dma_wait3A_215 = tpu.memref_slice %arg7[%add3A_182, %dma_wait3A_213, %dma_wait3A_214] : memref<6x128x32xf32, #tpu.memory_space<vmem>> -> memref<1x128x32xf32, #tpu.memory_space<vmem>>
      %dma_wait3A_216 = tpu.memref_squeeze %dma_wait3A_215 : memref<1x128x32xf32, #tpu.memory_space<vmem>> -> memref<128x32xf32, #tpu.memory_space<vmem>>
      %dma_wait3A_217 = arith.constant 0 : i32
      %dma_wait3A_218 = tpu.memref_slice %arg6[%add3A_180, %dma_wait3A_217] : memref<79x128xi32, #tpu.memory_space<vmem>> -> memref<1x128xi32, #tpu.memory_space<vmem>>
      %dma_wait3A_219 = tpu.memref_squeeze %dma_wait3A_218 : memref<1x128xi32, #tpu.memory_space<vmem>> -> memref<128xi32, #tpu.memory_space<vmem>>
      %dma_wait3A_220 = arith.constant 0 : i32
      %dma_wait3A_221 = arith.constant 0 : i32
      %dma_wait3A_222 = tpu.memref_slice %arg8[%dma_wait3A_220, %dma_wait3A_221] : memref<10240x32xf32, #tpu.memory_space<vmem_shared>> -> memref<10240x32xf32, #tpu.memory_space<vmem_shared>>
      tpu.wait_indirect_dma semaphore(%arg10 : memref<!tpu.dma_semaphore, #tpu.memory_space<semaphore_mem>>) src(%dma_wait3A_216 : memref<128x32xf32, #tpu.memory_space<vmem>>) dst(%dma_wait3A_222 : memref<10240x32xf32, #tpu.memory_space<vmem_shared>>)
      %scan3A_223 = arith.constant 0 : i32
      scf.yield %scan3A_223 : i32
    }
    %scan3A_66 = arith.constant 26 : i32
    %lt3A_67 = arith.constant 4 : i32
    %lt3A_68 = arith.cmpi slt, %add3A, %lt3A_67 : i32
    %convert_element_type3A_69 = arith.extui %lt3A_68 : i1 to i32
    %cond3A_70 = arith.constant 0 : i32
    %cond3A_71 = arith.cmpi ne, %convert_element_type3A_69, %cond3A_70 : i32
    scf.if %cond3A_71 {
      %dma_start3A_77 = arith.constant 78 : i32
      %dma_start3A_78 = arith.constant 0 : i32
      %dma_start3A_79 = arith.constant 0 : i32
      %dma_start3A_80 = arith.constant 0 : i32
      %dma_start3A_81 = tpu.memref_slice %arg7[%dma_start3A_78, %dma_start3A_79, %dma_start3A_80] : memref<6x128x32xf32, #tpu.memory_space<vmem>> -> memref<1x128x32xf32, #tpu.memory_space<vmem>>
      %dma_start3A_82 = tpu.memref_squeeze %dma_start3A_81 : memref<1x128x32xf32, #tpu.memory_space<vmem>> -> memref<128x32xf32, #tpu.memory_space<vmem>>
      %dma_start3A_83 = arith.constant 0 : i32
      %dma_start3A_84 = tpu.memref_slice %arg5[%dma_start3A_77, %dma_start3A_83] : memref<79x128xi32, #tpu.memory_space<vmem>> -> memref<1x128xi32, #tpu.memory_space<vmem>>
      %dma_start3A_85 = tpu.memref_squeeze %dma_start3A_84 : memref<1x128xi32, #tpu.memory_space<vmem>> -> memref<128xi32, #tpu.memory_space<vmem>>
      %dma_start3A_86 = arith.constant 0 : i32
      %dma_start3A_87 = arith.constant 0 : i32
      %dma_start3A_88 = tpu.memref_slice %arg2[%dma_start3A_86, %dma_start3A_87] : memref<10240x32xf32, #tpu.memory_space<hbm>> -> memref<10240x32xf32, #tpu.memory_space<hbm>>
      tpu.enqueue_indirect_dma source(%dma_start3A_88 : memref<10240x32xf32, #tpu.memory_space<hbm>>) target(%dma_start3A_82 : memref<128x32xf32, #tpu.memory_space<vmem>>) offsets(%dma_start3A_85 : memref<128xi32, #tpu.memory_space<vmem>>) semaphore(%arg9 : memref<!tpu.dma_semaphore, #tpu.memory_space<semaphore_mem>>)
      %dma_wait3A = arith.constant 78 : i32
      %dma_wait3A_89 = arith.constant 0 : i32
      %dma_wait3A_90 = arith.constant 0 : i32
      %dma_wait3A_91 = arith.constant 0 : i32
      %dma_wait3A_92 = tpu.memref_slice %arg7[%dma_wait3A_89, %dma_wait3A_90, %dma_wait3A_91] : memref<6x128x32xf32, #tpu.memory_space<vmem>> -> memref<1x128x32xf32, #tpu.memory_space<vmem>>
      %dma_wait3A_93 = tpu.memref_squeeze %dma_wait3A_92 : memref<1x128x32xf32, #tpu.memory_space<vmem>> -> memref<128x32xf32, #tpu.memory_space<vmem>>
      %dma_wait3A_94 = arith.constant 0 : i32
      %dma_wait3A_95 = tpu.memref_slice %arg5[%dma_wait3A, %dma_wait3A_94] : memref<79x128xi32, #tpu.memory_space<vmem>> -> memref<1x128xi32, #tpu.memory_space<vmem>>
      %dma_wait3A_96 = tpu.memref_squeeze %dma_wait3A_95 : memref<1x128xi32, #tpu.memory_space<vmem>> -> memref<128xi32, #tpu.memory_space<vmem>>
      %dma_wait3A_97 = arith.constant 0 : i32
      %dma_wait3A_98 = arith.constant 0 : i32
      %dma_wait3A_99 = tpu.memref_slice %arg2[%dma_wait3A_97, %dma_wait3A_98] : memref<10240x32xf32, #tpu.memory_space<hbm>> -> memref<10240x32xf32, #tpu.memory_space<hbm>>
      tpu.wait_indirect_dma semaphore(%arg9 : memref<!tpu.dma_semaphore, #tpu.memory_space<semaphore_mem>>) src(%dma_wait3A_99 : memref<10240x32xf32, #tpu.memory_space<hbm>>) dst(%dma_wait3A_93 : memref<128x32xf32, #tpu.memory_space<vmem>>)
      %dma_start3A_100 = arith.constant 0 : i32
      %dma_start3A_101 = arith.constant 78 : i32
      %dma_start3A_102 = arith.constant 0 : i32
      %dma_start3A_103 = arith.constant 0 : i32
      %dma_start3A_104 = tpu.memref_slice %arg7[%dma_start3A_100, %dma_start3A_102, %dma_start3A_103] : memref<6x128x32xf32, #tpu.memory_space<vmem>> -> memref<1x128x32xf32, #tpu.memory_space<vmem>>
      %dma_start3A_105 = tpu.memref_squeeze %dma_start3A_104 : memref<1x128x32xf32, #tpu.memory_space<vmem>> -> memref<128x32xf32, #tpu.memory_space<vmem>>
      %dma_start3A_106 = arith.constant 0 : i32
      %dma_start3A_107 = tpu.memref_slice %arg6[%dma_start3A_101, %dma_start3A_106] : memref<79x128xi32, #tpu.memory_space<vmem>> -> memref<1x128xi32, #tpu.memory_space<vmem>>
      %dma_start3A_108 = tpu.memref_squeeze %dma_start3A_107 : memref<1x128xi32, #tpu.memory_space<vmem>> -> memref<128xi32, #tpu.memory_space<vmem>>
      %dma_start3A_109 = arith.constant 0 : i32
      %dma_start3A_110 = arith.constant 0 : i32
      %dma_start3A_111 = tpu.memref_slice %arg8[%dma_start3A_109, %dma_start3A_110] : memref<10240x32xf32, #tpu.memory_space<vmem_shared>> -> memref<10240x32xf32, #tpu.memory_space<vmem_shared>>
      tpu.enqueue_indirect_dma source(%dma_start3A_105 : memref<128x32xf32, #tpu.memory_space<vmem>>) target(%dma_start3A_111 : memref<10240x32xf32, #tpu.memory_space<vmem_shared>>) offsets(%dma_start3A_108 : memref<128xi32, #tpu.memory_space<vmem>>) semaphore(%arg10 : memref<!tpu.dma_semaphore, #tpu.memory_space<semaphore_mem>>) {add = true}
      %dma_wait3A_112 = arith.constant 0 : i32
      %dma_wait3A_113 = arith.constant 78 : i32
      %dma_wait3A_114 = arith.constant 0 : i32
      %dma_wait3A_115 = arith.constant 0 : i32
      %dma_wait3A_116 = tpu.memref_slice %arg7[%dma_wait3A_112, %dma_wait3A_114, %dma_wait3A_115] : memref<6x128x32xf32, #tpu.memory_space<vmem>> -> memref<1x128x32xf32, #tpu.memory_space<vmem>>
      %dma_wait3A_117 = tpu.memref_squeeze %dma_wait3A_116 : memref<1x128x32xf32, #tpu.memory_space<vmem>> -> memref<128x32xf32, #tpu.memory_space<vmem>>
      %dma_wait3A_118 = arith.constant 0 : i32
      %dma_wait3A_119 = tpu.memref_slice %arg6[%dma_wait3A_113, %dma_wait3A_118] : memref<79x128xi32, #tpu.memory_space<vmem>> -> memref<1x128xi32, #tpu.memory_space<vmem>>
      %dma_wait3A_120 = tpu.memref_squeeze %dma_wait3A_119 : memref<1x128xi32, #tpu.memory_space<vmem>> -> memref<128xi32, #tpu.memory_space<vmem>>
      %dma_wait3A_121 = arith.constant 0 : i32
      %dma_wait3A_122 = arith.constant 0 : i32
      %dma_wait3A_123 = tpu.memref_slice %arg8[%dma_wait3A_121, %dma_wait3A_122] : memref<10240x32xf32, #tpu.memory_space<vmem_shared>> -> memref<10240x32xf32, #tpu.memory_space<vmem_shared>>
      tpu.wait_indirect_dma semaphore(%arg10 : memref<!tpu.dma_semaphore, #tpu.memory_space<semaphore_mem>>) src(%dma_wait3A_117 : memref<128x32xf32, #tpu.memory_space<vmem>>) dst(%dma_wait3A_123 : memref<10240x32xf32, #tpu.memory_space<vmem_shared>>)
    } else {
    }
    %barrier3A_72 = arith.constant 0 : index
    tpu.barrier barrier_id(%barrier3A_72)
    %mul3A_73 = arith.constant 640 : i32
    %mul3A_74 = arith.muli %arg1, %mul3A_73 : i32
    %mul3A_75 = arith.constant 640 : i32
    %mul3A_76 = arith.muli %arg1, %mul3A_75 : i32
    "tpu.region"() ({
      %run_scoped3A_77 = tpu.sem_alloc : memref<!tpu.dma_semaphore, #tpu.memory_space<semaphore_mem>>
      %dma_start3A_78 = arith.constant 0 : i32
      %dma_start3A_79 = tpu.memref_slice %arg4[%arg0, %mul3A_76, %dma_start3A_78] : memref<2x10240x32xf32, #tpu.memory_space<hbm>> -> memref<1x640x32xf32, #tpu.memory_space<hbm>>
      %dma_start3A_80 = tpu.memref_squeeze %dma_start3A_79 : memref<1x640x32xf32, #tpu.memory_space<hbm>> -> memref<640x32xf32, #tpu.memory_space<hbm>>
      %dma_start3A_81 = arith.constant 0 : i32
      %dma_start3A_82 = tpu.memref_slice %arg8[%mul3A_74, %dma_start3A_81] : memref<10240x32xf32, #tpu.memory_space<vmem_shared>> -> memref<640x32xf32, #tpu.memory_space<vmem_shared>>
      tpu.enqueue_dma source(%dma_start3A_82 : memref<640x32xf32, #tpu.memory_space<vmem_shared>>) target(%dma_start3A_80 : memref<640x32xf32, #tpu.memory_space<hbm>>) target_semaphore(%run_scoped3A_77 : memref<!tpu.dma_semaphore, #tpu.memory_space<semaphore_mem>>)
      %dma_wait3A = arith.constant 0 : i32
      %dma_wait3A_83 = tpu.memref_slice %arg4[%arg0, %mul3A_76, %dma_wait3A] : memref<2x10240x32xf32, #tpu.memory_space<hbm>> -> memref<1x640x32xf32, #tpu.memory_space<hbm>>
      %dma_wait3A_84 = tpu.memref_squeeze %dma_wait3A_83 : memref<1x640x32xf32, #tpu.memory_space<hbm>> -> memref<640x32xf32, #tpu.memory_space<hbm>>
      %dma_wait3A_85 = arith.constant 0 : i32
      %dma_wait3A_86 = tpu.memref_slice %arg8[%mul3A_74, %dma_wait3A_85] : memref<10240x32xf32, #tpu.memory_space<vmem_shared>> -> memref<640x32xf32, #tpu.memory_space<vmem_shared>>
      tpu.wait_dma2 semaphore(%run_scoped3A_77 : memref<!tpu.dma_semaphore, #tpu.memory_space<semaphore_mem>>) src(%dma_wait3A_86 : memref<640x32xf32, #tpu.memory_space<vmem_shared>>) dst(%dma_wait3A_84 : memref<640x32xf32, #tpu.memory_space<hbm>>)
      tpu.yield
    }) : () -> ()
    return
  }
}

#map = affine_map<(d0, d1) -> (0, 0, 0)>
#map1 = affine_map<(d0, d1) -> (0, 0)>
module attributes {stable_mosaic.version = 14 : i64} {
  func.func @_deg_kernel(%arg0: i32, %arg1: i32, %arg2: memref<2x2500x128xi32, #tpu.memory_space<hbm>>, %arg3: memref<2x10240xf32, #tpu.memory_space<hbm>>, %arg4: memref<79x128xi32, #tpu.memory_space<vmem>>, %arg5: memref<128xf32, #tpu.memory_space<vmem>>, %arg6: memref<640xf32, #tpu.memory_space<vmem>>, %arg7: memref<10240xf32, #tpu.memory_space<vmem_shared>>, %arg8: memref<!tpu.dma_semaphore, #tpu.memory_space<semaphore_mem>>) attributes {dimension_semantics = [#tpu.dimension_semantics<core_parallel>, #tpu.dimension_semantics<subcore_parallel>], iteration_bounds = array<i64: 2, 16>, scalar_prefetch = 0 : i64, scratch_operands = 5 : i64, tpu.core_type = #tpu.core_type<sc_vector_subcore>, window_params = [{transform_indices = #map}, {transform_indices = #map1}]} {
    %mul3A = arith.constant 2 : i32
    %mul3A_0 = arith.muli %arg1, %mul3A : i32
    %add3A = arith.addi %mul3A_0, %arg0 : i32
    %lt3A = arith.constant 4 : i32
    %lt3A_1 = arith.cmpi slt, %add3A, %lt3A : i32
    %mul3A_2 = arith.constant 79 : i32
    %mul3A_3 = arith.muli %mul3A_2, %add3A : i32
    %mul3A_4 = arith.constant 78 : i32
    %mul3A_5 = arith.muli %mul3A_4, %add3A : i32
    %add3A_6 = arith.constant 4 : i32
    %add3A_7 = arith.addi %add3A_6, %mul3A_5 : i32
    %select_n3A = arith.select %lt3A_1, %mul3A_3, %add3A_7 : i32
    %scan3A = arith.constant 0 : i32
    %scan3A_8 = arith.constant 0 : i32
    %scan3A_9 = arith.constant 8 : i32
    %scan3A_10 = arith.addi %scan3A_8, %scan3A_9 : i32
    %scan3A_11 = arith.constant 1 : i32
    %scan3A_12 = scf.for %scan3A_43 = %scan3A_8 to %scan3A_10 step %scan3A_11 iter_args(%scan3A_44 = %scan3A) -> (i32)  : i32 {
      %broadcast_in_dim3A = arith.constant 0.000000e+00 : f32
      %broadcast_in_dim3A_45 = vector.broadcast %broadcast_in_dim3A : f32 to vector<16xf32>
      %add3A_46 = arith.constant 1.000000e+00 : f32
      %add3A_47 = vector.broadcast %add3A_46 : f32 to vector<16xf32>
      %add3A_48 = arith.addf %broadcast_in_dim3A_45, %add3A_47 : vector<16xf32>
      %mul3A_49 = arith.constant 16 : i32
      %mul3A_50 = arith.muli %scan3A_43, %mul3A_49 : i32
      %swap3A = arith.index_cast %mul3A_50 : i32 to index
      %swap3A_51 = tpu.vector_load %arg5[%swap3A] {strides = array<i32>} : memref<128xf32, #tpu.memory_space<vmem>>, vector<16xf32>,
      %swap3A_52 = vector.shape_cast %swap3A_51 : vector<16xf32> to vector<16xf32>
      %swap3A_53 = vector.shape_cast %add3A_48 : vector<16xf32> to vector<16xf32>
      tpu.vector_store %arg5[%swap3A], %swap3A_53 {strides = array<i32>} : memref<128xf32, #tpu.memory_space<vmem>>, vector<16xf32>,
      %scan3A_54 = arith.constant 0 : i32
      scf.yield %scan3A_54 : i32
    }
    %scan3A_13 = arith.constant 8 : i32
    %scan3A_14 = arith.constant 0 : i32
    %scan3A_15 = arith.constant 0 : i32
    %scan3A_16 = arith.constant 40 : i32
    %scan3A_17 = arith.addi %scan3A_15, %scan3A_16 : i32
    %scan3A_18 = arith.constant 1 : i32
    %scan3A_19 = scf.for %scan3A_43 = %scan3A_15 to %scan3A_17 step %scan3A_18 iter_args(%scan3A_44 = %scan3A_14) -> (i32)  : i32 {
      %broadcast_in_dim3A = arith.constant 0.000000e+00 : f32
      %broadcast_in_dim3A_45 = vector.broadcast %broadcast_in_dim3A : f32 to vector<16xf32>
      %mul3A_46 = arith.constant 16 : i32
      %mul3A_47 = arith.muli %scan3A_43, %mul3A_46 : i32
      %swap3A = arith.index_cast %mul3A_47 : i32 to index
      %swap3A_48 = tpu.vector_load %arg6[%swap3A] {strides = array<i32>} : memref<640xf32, #tpu.memory_space<vmem>>, vector<16xf32>,
      %swap3A_49 = vector.shape_cast %swap3A_48 : vector<16xf32> to vector<16xf32>
      %swap3A_50 = vector.shape_cast %broadcast_in_dim3A_45 : vector<16xf32> to vector<16xf32>
      tpu.vector_store %arg6[%swap3A], %swap3A_50 {strides = array<i32>} : memref<640xf32, #tpu.memory_space<vmem>>, vector<16xf32>,
      %scan3A_51 = arith.constant 0 : i32
      scf.yield %scan3A_51 : i32
    }
    %scan3A_20 = arith.constant 40 : i32
    %mul3A_21 = arith.constant 640 : i32
    %mul3A_22 = arith.muli %arg1, %mul3A_21 : i32
    "tpu.region"() ({
      %run_scoped3A_43 = tpu.sem_alloc : memref<!tpu.dma_semaphore, #tpu.memory_space<semaphore_mem>>
      %dma_start3A = tpu.memref_slice %arg7[%mul3A_22] : memref<10240xf32, #tpu.memory_space<vmem_shared>> -> memref<640xf32, #tpu.memory_space<vmem_shared>>
      %dma_start3A_44 = tpu.memref_slice %arg7[%mul3A_22] : memref<10240xf32, #tpu.memory_space<vmem_shared>> -> memref<640xf32, #tpu.memory_space<vmem_shared>>
      tpu.enqueue_dma source(%arg6 : memref<640xf32, #tpu.memory_space<vmem>>) target(%dma_start3A_44 : memref<640xf32, #tpu.memory_space<vmem_shared>>) target_semaphore(%run_scoped3A_43 : memref<!tpu.dma_semaphore, #tpu.memory_space<semaphore_mem>>)
      %dma_wait3A = tpu.memref_slice %arg7[%mul3A_22] : memref<10240xf32, #tpu.memory_space<vmem_shared>> -> memref<640xf32, #tpu.memory_space<vmem_shared>>
      %dma_wait3A_45 = tpu.memref_slice %arg7[%mul3A_22] : memref<10240xf32, #tpu.memory_space<vmem_shared>> -> memref<640xf32, #tpu.memory_space<vmem_shared>>
      tpu.wait_dma2 semaphore(%run_scoped3A_43 : memref<!tpu.dma_semaphore, #tpu.memory_space<semaphore_mem>>) src(%arg6 : memref<640xf32, #tpu.memory_space<vmem>>) dst(%dma_wait3A_45 : memref<640xf32, #tpu.memory_space<vmem_shared>>)
      tpu.yield
    }) : () -> ()
    %run_scoped3A = arith.constant 1 : i32
    "tpu.region"() ({
      %run_scoped3A_43 = tpu.sem_alloc : memref<!tpu.dma_semaphore, #tpu.memory_space<semaphore_mem>>
      %dma_start3A = arith.constant 0 : i32
      %dma_start3A_44 = arith.constant 0 : i32
      %dma_start3A_45 = tpu.memref_slice %arg4[%dma_start3A, %dma_start3A_44] : memref<79x128xi32, #tpu.memory_space<vmem>> -> memref<78x128xi32, #tpu.memory_space<vmem>>
      %dma_start3A_46 = arith.constant 0 : i32
      %dma_start3A_47 = tpu.memref_slice %arg2[%run_scoped3A, %select_n3A, %dma_start3A_46] : memref<2x2500x128xi32, #tpu.memory_space<hbm>> -> memref<1x78x128xi32, #tpu.memory_space<hbm>>
      %dma_start3A_48 = tpu.memref_squeeze %dma_start3A_47 : memref<1x78x128xi32, #tpu.memory_space<hbm>> -> memref<78x128xi32, #tpu.memory_space<hbm>>
      %dma_start3A_49 = arith.constant 0 : i32
      %dma_start3A_50 = arith.constant 0 : i32
      %dma_start3A_51 = tpu.memref_slice %arg4[%dma_start3A_49, %dma_start3A_50] : memref<79x128xi32, #tpu.memory_space<vmem>> -> memref<78x128xi32, #tpu.memory_space<vmem>>
      %dma_start3A_52 = arith.constant 0 : i32
      %dma_start3A_53 = tpu.memref_slice %arg2[%run_scoped3A, %select_n3A, %dma_start3A_52] : memref<2x2500x128xi32, #tpu.memory_space<hbm>> -> memref<1x78x128xi32, #tpu.memory_space<hbm>>
      %dma_start3A_54 = tpu.memref_squeeze %dma_start3A_53 : memref<1x78x128xi32, #tpu.memory_space<hbm>> -> memref<78x128xi32, #tpu.memory_space<hbm>>
      tpu.enqueue_dma source(%dma_start3A_54 : memref<78x128xi32, #tpu.memory_space<hbm>>) target(%dma_start3A_51 : memref<78x128xi32, #tpu.memory_space<vmem>>) target_semaphore(%run_scoped3A_43 : memref<!tpu.dma_semaphore, #tpu.memory_space<semaphore_mem>>)
      %dma_wait3A = arith.constant 0 : i32
      %dma_wait3A_55 = arith.constant 0 : i32
      %dma_wait3A_56 = tpu.memref_slice %arg4[%dma_wait3A, %dma_wait3A_55] : memref<79x128xi32, #tpu.memory_space<vmem>> -> memref<78x128xi32, #tpu.memory_space<vmem>>
      %dma_wait3A_57 = arith.constant 0 : i32
      %dma_wait3A_58 = tpu.memref_slice %arg2[%run_scoped3A, %select_n3A, %dma_wait3A_57] : memref<2x2500x128xi32, #tpu.memory_space<hbm>> -> memref<1x78x128xi32, #tpu.memory_space<hbm>>
      %dma_wait3A_59 = tpu.memref_squeeze %dma_wait3A_58 : memref<1x78x128xi32, #tpu.memory_space<hbm>> -> memref<78x128xi32, #tpu.memory_space<hbm>>
      %dma_wait3A_60 = arith.constant 0 : i32
      %dma_wait3A_61 = arith.constant 0 : i32
      %dma_wait3A_62 = tpu.memref_slice %arg4[%dma_wait3A_60, %dma_wait3A_61] : memref<79x128xi32, #tpu.memory_space<vmem>> -> memref<78x128xi32, #tpu.memory_space<vmem>>
      %dma_wait3A_63 = arith.constant 0 : i32
      %dma_wait3A_64 = tpu.memref_slice %arg2[%run_scoped3A, %select_n3A, %dma_wait3A_63] : memref<2x2500x128xi32, #tpu.memory_space<hbm>> -> memref<1x78x128xi32, #tpu.memory_space<hbm>>
      %dma_wait3A_65 = tpu.memref_squeeze %dma_wait3A_64 : memref<1x78x128xi32, #tpu.memory_space<hbm>> -> memref<78x128xi32, #tpu.memory_space<hbm>>
      tpu.wait_dma2 semaphore(%run_scoped3A_43 : memref<!tpu.dma_semaphore, #tpu.memory_space<semaphore_mem>>) src(%dma_wait3A_65 : memref<78x128xi32, #tpu.memory_space<hbm>>) dst(%dma_wait3A_62 : memref<78x128xi32, #tpu.memory_space<vmem>>)
      tpu.yield
    }) : () -> ()
    %lt3A_23 = arith.constant 4 : i32
    %lt3A_24 = arith.cmpi slt, %add3A, %lt3A_23 : i32
    %convert_element_type3A = arith.extui %lt3A_24 : i1 to i32
    %cond3A = arith.constant 0 : i32
    %cond3A_25 = arith.cmpi ne, %convert_element_type3A, %cond3A : i32
    scf.if %cond3A_25 {
      %add3A_43 = arith.constant 78 : i32
      %add3A_44 = arith.addi %select_n3A, %add3A_43 : i32
      %run_scoped3A_45 = arith.constant 1 : i32
      %run_scoped3A_46 = arith.constant 78 : i32
      "tpu.region"() ({
        %run_scoped3A_47 = tpu.sem_alloc : memref<!tpu.dma_semaphore, #tpu.memory_space<semaphore_mem>>
        %dma_start3A = arith.constant 0 : i32
        %dma_start3A_48 = tpu.memref_slice %arg4[%run_scoped3A_46, %dma_start3A] : memref<79x128xi32, #tpu.memory_space<vmem>> -> memref<1x128xi32, #tpu.memory_space<vmem>>
        %dma_start3A_49 = tpu.memref_squeeze %dma_start3A_48 : memref<1x128xi32, #tpu.memory_space<vmem>> -> memref<128xi32, #tpu.memory_space<vmem>>
        %dma_start3A_50 = arith.constant 0 : i32
        %dma_start3A_51 = tpu.memref_slice %arg2[%run_scoped3A_45, %add3A_44, %dma_start3A_50] : memref<2x2500x128xi32, #tpu.memory_space<hbm>> -> memref<1x1x128xi32, #tpu.memory_space<hbm>>
        %dma_start3A_52 = tpu.memref_squeeze %dma_start3A_51 : memref<1x1x128xi32, #tpu.memory_space<hbm>> -> memref<128xi32, #tpu.memory_space<hbm>>
        %dma_start3A_53 = arith.constant 0 : i32
        %dma_start3A_54 = tpu.memref_slice %arg4[%run_scoped3A_46, %dma_start3A_53] : memref<79x128xi32, #tpu.memory_space<vmem>> -> memref<1x128xi32, #tpu.memory_space<vmem>>
        %dma_start3A_55 = tpu.memref_squeeze %dma_start3A_54 : memref<1x128xi32, #tpu.memory_space<vmem>> -> memref<128xi32, #tpu.memory_space<vmem>>
        %dma_start3A_56 = arith.constant 0 : i32
        %dma_start3A_57 = tpu.memref_slice %arg2[%run_scoped3A_45, %add3A_44, %dma_start3A_56] : memref<2x2500x128xi32, #tpu.memory_space<hbm>> -> memref<1x1x128xi32, #tpu.memory_space<hbm>>
        %dma_start3A_58 = tpu.memref_squeeze %dma_start3A_57 : memref<1x1x128xi32, #tpu.memory_space<hbm>> -> memref<128xi32, #tpu.memory_space<hbm>>
        tpu.enqueue_dma source(%dma_start3A_58 : memref<128xi32, #tpu.memory_space<hbm>>) target(%dma_start3A_55 : memref<128xi32, #tpu.memory_space<vmem>>) target_semaphore(%run_scoped3A_47 : memref<!tpu.dma_semaphore, #tpu.memory_space<semaphore_mem>>)
        %dma_wait3A = arith.constant 0 : i32
        %dma_wait3A_59 = tpu.memref_slice %arg4[%run_scoped3A_46, %dma_wait3A] : memref<79x128xi32, #tpu.memory_space<vmem>> -> memref<1x128xi32, #tpu.memory_space<vmem>>
        %dma_wait3A_60 = tpu.memref_squeeze %dma_wait3A_59 : memref<1x128xi32, #tpu.memory_space<vmem>> -> memref<128xi32, #tpu.memory_space<vmem>>
        %dma_wait3A_61 = arith.constant 0 : i32
        %dma_wait3A_62 = tpu.memref_slice %arg2[%run_scoped3A_45, %add3A_44, %dma_wait3A_61] : memref<2x2500x128xi32, #tpu.memory_space<hbm>> -> memref<1x1x128xi32, #tpu.memory_space<hbm>>
        %dma_wait3A_63 = tpu.memref_squeeze %dma_wait3A_62 : memref<1x1x128xi32, #tpu.memory_space<hbm>> -> memref<128xi32, #tpu.memory_space<hbm>>
        %dma_wait3A_64 = arith.constant 0 : i32
        %dma_wait3A_65 = tpu.memref_slice %arg4[%run_scoped3A_46, %dma_wait3A_64] : memref<79x128xi32, #tpu.memory_space<vmem>> -> memref<1x128xi32, #tpu.memory_space<vmem>>
        %dma_wait3A_66 = tpu.memref_squeeze %dma_wait3A_65 : memref<1x128xi32, #tpu.memory_space<vmem>> -> memref<128xi32, #tpu.memory_space<vmem>>
        %dma_wait3A_67 = arith.constant 0 : i32
        %dma_wait3A_68 = tpu.memref_slice %arg2[%run_scoped3A_45, %add3A_44, %dma_wait3A_67] : memref<2x2500x128xi32, #tpu.memory_space<hbm>> -> memref<1x1x128xi32, #tpu.memory_space<hbm>>
        %dma_wait3A_69 = tpu.memref_squeeze %dma_wait3A_68 : memref<1x1x128xi32, #tpu.memory_space<hbm>> -> memref<128xi32, #tpu.memory_space<hbm>>
        tpu.wait_dma2 semaphore(%run_scoped3A_47 : memref<!tpu.dma_semaphore, #tpu.memory_space<semaphore_mem>>) src(%dma_wait3A_69 : memref<128xi32, #tpu.memory_space<hbm>>) dst(%dma_wait3A_66 : memref<128xi32, #tpu.memory_space<vmem>>)
        tpu.yield
      }) : () -> ()
    } else {
    }
    %barrier3A = arith.constant 0 : index
    tpu.barrier barrier_id(%barrier3A)
    %scan3A_26 = arith.constant 0 : i32
    %scan3A_27 = arith.constant 0 : i32
    %scan3A_28 = arith.constant 13 : i32
    %scan3A_29 = arith.addi %scan3A_27, %scan3A_28 : i32
    %scan3A_30 = arith.constant 1 : i32
    %scan3A_31 = scf.for %scan3A_43 = %scan3A_27 to %scan3A_29 step %scan3A_30 iter_args(%scan3A_44 = %scan3A_26) -> (i32)  : i32 {
      %mul3A_45 = arith.constant 6 : i32
      %mul3A_46 = arith.muli %scan3A_43, %mul3A_45 : i32
      %add3A_47 = arith.constant 0 : i32
      %add3A_48 = arith.addi %mul3A_46, %add3A_47 : i32
      %dma_start3A = arith.constant 0 : i32
      %dma_start3A_49 = tpu.memref_slice %arg4[%add3A_48, %dma_start3A] : memref<79x128xi32, #tpu.memory_space<vmem>> -> memref<1x128xi32, #tpu.memory_space<vmem>>
      %dma_start3A_50 = tpu.memref_squeeze %dma_start3A_49 : memref<1x128xi32, #tpu.memory_space<vmem>> -> memref<128xi32, #tpu.memory_space<vmem>>
      %dma_start3A_51 = arith.constant 0 : i32
      %dma_start3A_52 = tpu.memref_slice %arg7[%dma_start3A_51] : memref<10240xf32, #tpu.memory_space<vmem_shared>> -> memref<10240xf32, #tpu.memory_space<vmem_shared>>
      tpu.enqueue_indirect_dma source(%arg5 : memref<128xf32, #tpu.memory_space<vmem>>) target(%dma_start3A_52 : memref<10240xf32, #tpu.memory_space<vmem_shared>>) offsets(%dma_start3A_50 : memref<128xi32, #tpu.memory_space<vmem>>) semaphore(%arg8 : memref<!tpu.dma_semaphore, #tpu.memory_space<semaphore_mem>>) {add = true}
      %add3A_53 = arith.constant 1 : i32
      %add3A_54 = arith.addi %mul3A_46, %add3A_53 : i32
      %dma_start3A_55 = arith.constant 0 : i32
      %dma_start3A_56 = tpu.memref_slice %arg4[%add3A_54, %dma_start3A_55] : memref<79x128xi32, #tpu.memory_space<vmem>> -> memref<1x128xi32, #tpu.memory_space<vmem>>
      %dma_start3A_57 = tpu.memref_squeeze %dma_start3A_56 : memref<1x128xi32, #tpu.memory_space<vmem>> -> memref<128xi32, #tpu.memory_space<vmem>>
      %dma_start3A_58 = arith.constant 0 : i32
      %dma_start3A_59 = tpu.memref_slice %arg7[%dma_start3A_58] : memref<10240xf32, #tpu.memory_space<vmem_shared>> -> memref<10240xf32, #tpu.memory_space<vmem_shared>>
      tpu.enqueue_indirect_dma source(%arg5 : memref<128xf32, #tpu.memory_space<vmem>>) target(%dma_start3A_59 : memref<10240xf32, #tpu.memory_space<vmem_shared>>) offsets(%dma_start3A_57 : memref<128xi32, #tpu.memory_space<vmem>>) semaphore(%arg8 : memref<!tpu.dma_semaphore, #tpu.memory_space<semaphore_mem>>) {add = true}
      %add3A_60 = arith.constant 2 : i32
      %add3A_61 = arith.addi %mul3A_46, %add3A_60 : i32
      %dma_start3A_62 = arith.constant 0 : i32
      %dma_start3A_63 = tpu.memref_slice %arg4[%add3A_61, %dma_start3A_62] : memref<79x128xi32, #tpu.memory_space<vmem>> -> memref<1x128xi32, #tpu.memory_space<vmem>>
      %dma_start3A_64 = tpu.memref_squeeze %dma_start3A_63 : memref<1x128xi32, #tpu.memory_space<vmem>> -> memref<128xi32, #tpu.memory_space<vmem>>
      %dma_start3A_65 = arith.constant 0 : i32
      %dma_start3A_66 = tpu.memref_slice %arg7[%dma_start3A_65] : memref<10240xf32, #tpu.memory_space<vmem_shared>> -> memref<10240xf32, #tpu.memory_space<vmem_shared>>
      tpu.enqueue_indirect_dma source(%arg5 : memref<128xf32, #tpu.memory_space<vmem>>) target(%dma_start3A_66 : memref<10240xf32, #tpu.memory_space<vmem_shared>>) offsets(%dma_start3A_64 : memref<128xi32, #tpu.memory_space<vmem>>) semaphore(%arg8 : memref<!tpu.dma_semaphore, #tpu.memory_space<semaphore_mem>>) {add = true}
      %add3A_67 = arith.constant 3 : i32
      %add3A_68 = arith.addi %mul3A_46, %add3A_67 : i32
      %dma_start3A_69 = arith.constant 0 : i32
      %dma_start3A_70 = tpu.memref_slice %arg4[%add3A_68, %dma_start3A_69] : memref<79x128xi32, #tpu.memory_space<vmem>> -> memref<1x128xi32, #tpu.memory_space<vmem>>
      %dma_start3A_71 = tpu.memref_squeeze %dma_start3A_70 : memref<1x128xi32, #tpu.memory_space<vmem>> -> memref<128xi32, #tpu.memory_space<vmem>>
      %dma_start3A_72 = arith.constant 0 : i32
      %dma_start3A_73 = tpu.memref_slice %arg7[%dma_start3A_72] : memref<10240xf32, #tpu.memory_space<vmem_shared>> -> memref<10240xf32, #tpu.memory_space<vmem_shared>>
      tpu.enqueue_indirect_dma source(%arg5 : memref<128xf32, #tpu.memory_space<vmem>>) target(%dma_start3A_73 : memref<10240xf32, #tpu.memory_space<vmem_shared>>) offsets(%dma_start3A_71 : memref<128xi32, #tpu.memory_space<vmem>>) semaphore(%arg8 : memref<!tpu.dma_semaphore, #tpu.memory_space<semaphore_mem>>) {add = true}
      %add3A_74 = arith.constant 4 : i32
      %add3A_75 = arith.addi %mul3A_46, %add3A_74 : i32
      %dma_start3A_76 = arith.constant 0 : i32
      %dma_start3A_77 = tpu.memref_slice %arg4[%add3A_75, %dma_start3A_76] : memref<79x128xi32, #tpu.memory_space<vmem>> -> memref<1x128xi32, #tpu.memory_space<vmem>>
      %dma_start3A_78 = tpu.memref_squeeze %dma_start3A_77 : memref<1x128xi32, #tpu.memory_space<vmem>> -> memref<128xi32, #tpu.memory_space<vmem>>
      %dma_start3A_79 = arith.constant 0 : i32
      %dma_start3A_80 = tpu.memref_slice %arg7[%dma_start3A_79] : memref<10240xf32, #tpu.memory_space<vmem_shared>> -> memref<10240xf32, #tpu.memory_space<vmem_shared>>
      tpu.enqueue_indirect_dma source(%arg5 : memref<128xf32, #tpu.memory_space<vmem>>) target(%dma_start3A_80 : memref<10240xf32, #tpu.memory_space<vmem_shared>>) offsets(%dma_start3A_78 : memref<128xi32, #tpu.memory_space<vmem>>) semaphore(%arg8 : memref<!tpu.dma_semaphore, #tpu.memory_space<semaphore_mem>>) {add = true}
      %add3A_81 = arith.constant 5 : i32
      %add3A_82 = arith.addi %mul3A_46, %add3A_81 : i32
      %dma_start3A_83 = arith.constant 0 : i32
      %dma_start3A_84 = tpu.memref_slice %arg4[%add3A_82, %dma_start3A_83] : memref<79x128xi32, #tpu.memory_space<vmem>> -> memref<1x128xi32, #tpu.memory_space<vmem>>
      %dma_start3A_85 = tpu.memref_squeeze %dma_start3A_84 : memref<1x128xi32, #tpu.memory_space<vmem>> -> memref<128xi32, #tpu.memory_space<vmem>>
      %dma_start3A_86 = arith.constant 0 : i32
      %dma_start3A_87 = tpu.memref_slice %arg7[%dma_start3A_86] : memref<10240xf32, #tpu.memory_space<vmem_shared>> -> memref<10240xf32, #tpu.memory_space<vmem_shared>>
      tpu.enqueue_indirect_dma source(%arg5 : memref<128xf32, #tpu.memory_space<vmem>>) target(%dma_start3A_87 : memref<10240xf32, #tpu.memory_space<vmem_shared>>) offsets(%dma_start3A_85 : memref<128xi32, #tpu.memory_space<vmem>>) semaphore(%arg8 : memref<!tpu.dma_semaphore, #tpu.memory_space<semaphore_mem>>) {add = true}
      %dma_wait3A = arith.constant 0 : i32
      %dma_wait3A_88 = tpu.memref_slice %arg4[%add3A_48, %dma_wait3A] : memref<79x128xi32, #tpu.memory_space<vmem>> -> memref<1x128xi32, #tpu.memory_space<vmem>>
      %dma_wait3A_89 = tpu.memref_squeeze %dma_wait3A_88 : memref<1x128xi32, #tpu.memory_space<vmem>> -> memref<128xi32, #tpu.memory_space<vmem>>
      %dma_wait3A_90 = arith.constant 0 : i32
      %dma_wait3A_91 = tpu.memref_slice %arg7[%dma_wait3A_90] : memref<10240xf32, #tpu.memory_space<vmem_shared>> -> memref<10240xf32, #tpu.memory_space<vmem_shared>>
      tpu.wait_indirect_dma semaphore(%arg8 : memref<!tpu.dma_semaphore, #tpu.memory_space<semaphore_mem>>) src(%arg5 : memref<128xf32, #tpu.memory_space<vmem>>) dst(%dma_wait3A_91 : memref<10240xf32, #tpu.memory_space<vmem_shared>>)
      %dma_wait3A_92 = arith.constant 0 : i32
      %dma_wait3A_93 = tpu.memref_slice %arg4[%add3A_54, %dma_wait3A_92] : memref<79x128xi32, #tpu.memory_space<vmem>> -> memref<1x128xi32, #tpu.memory_space<vmem>>
      %dma_wait3A_94 = tpu.memref_squeeze %dma_wait3A_93 : memref<1x128xi32, #tpu.memory_space<vmem>> -> memref<128xi32, #tpu.memory_space<vmem>>
      %dma_wait3A_95 = arith.constant 0 : i32
      %dma_wait3A_96 = tpu.memref_slice %arg7[%dma_wait3A_95] : memref<10240xf32, #tpu.memory_space<vmem_shared>> -> memref<10240xf32, #tpu.memory_space<vmem_shared>>
      tpu.wait_indirect_dma semaphore(%arg8 : memref<!tpu.dma_semaphore, #tpu.memory_space<semaphore_mem>>) src(%arg5 : memref<128xf32, #tpu.memory_space<vmem>>) dst(%dma_wait3A_96 : memref<10240xf32, #tpu.memory_space<vmem_shared>>)
      %dma_wait3A_97 = arith.constant 0 : i32
      %dma_wait3A_98 = tpu.memref_slice %arg4[%add3A_61, %dma_wait3A_97] : memref<79x128xi32, #tpu.memory_space<vmem>> -> memref<1x128xi32, #tpu.memory_space<vmem>>
      %dma_wait3A_99 = tpu.memref_squeeze %dma_wait3A_98 : memref<1x128xi32, #tpu.memory_space<vmem>> -> memref<128xi32, #tpu.memory_space<vmem>>
      %dma_wait3A_100 = arith.constant 0 : i32
      %dma_wait3A_101 = tpu.memref_slice %arg7[%dma_wait3A_100] : memref<10240xf32, #tpu.memory_space<vmem_shared>> -> memref<10240xf32, #tpu.memory_space<vmem_shared>>
      tpu.wait_indirect_dma semaphore(%arg8 : memref<!tpu.dma_semaphore, #tpu.memory_space<semaphore_mem>>) src(%arg5 : memref<128xf32, #tpu.memory_space<vmem>>) dst(%dma_wait3A_101 : memref<10240xf32, #tpu.memory_space<vmem_shared>>)
      %dma_wait3A_102 = arith.constant 0 : i32
      %dma_wait3A_103 = tpu.memref_slice %arg4[%add3A_68, %dma_wait3A_102] : memref<79x128xi32, #tpu.memory_space<vmem>> -> memref<1x128xi32, #tpu.memory_space<vmem>>
      %dma_wait3A_104 = tpu.memref_squeeze %dma_wait3A_103 : memref<1x128xi32, #tpu.memory_space<vmem>> -> memref<128xi32, #tpu.memory_space<vmem>>
      %dma_wait3A_105 = arith.constant 0 : i32
      %dma_wait3A_106 = tpu.memref_slice %arg7[%dma_wait3A_105] : memref<10240xf32, #tpu.memory_space<vmem_shared>> -> memref<10240xf32, #tpu.memory_space<vmem_shared>>
      tpu.wait_indirect_dma semaphore(%arg8 : memref<!tpu.dma_semaphore, #tpu.memory_space<semaphore_mem>>) src(%arg5 : memref<128xf32, #tpu.memory_space<vmem>>) dst(%dma_wait3A_106 : memref<10240xf32, #tpu.memory_space<vmem_shared>>)
      %dma_wait3A_107 = arith.constant 0 : i32
      %dma_wait3A_108 = tpu.memref_slice %arg4[%add3A_75, %dma_wait3A_107] : memref<79x128xi32, #tpu.memory_space<vmem>> -> memref<1x128xi32, #tpu.memory_space<vmem>>
      %dma_wait3A_109 = tpu.memref_squeeze %dma_wait3A_108 : memref<1x128xi32, #tpu.memory_space<vmem>> -> memref<128xi32, #tpu.memory_space<vmem>>
      %dma_wait3A_110 = arith.constant 0 : i32
      %dma_wait3A_111 = tpu.memref_slice %arg7[%dma_wait3A_110] : memref<10240xf32, #tpu.memory_space<vmem_shared>> -> memref<10240xf32, #tpu.memory_space<vmem_shared>>
      tpu.wait_indirect_dma semaphore(%arg8 : memref<!tpu.dma_semaphore, #tpu.memory_space<semaphore_mem>>) src(%arg5 : memref<128xf32, #tpu.memory_space<vmem>>) dst(%dma_wait3A_111 : memref<10240xf32, #tpu.memory_space<vmem_shared>>)
      %dma_wait3A_112 = arith.constant 0 : i32
      %dma_wait3A_113 = tpu.memref_slice %arg4[%add3A_82, %dma_wait3A_112] : memref<79x128xi32, #tpu.memory_space<vmem>> -> memref<1x128xi32, #tpu.memory_space<vmem>>
      %dma_wait3A_114 = tpu.memref_squeeze %dma_wait3A_113 : memref<1x128xi32, #tpu.memory_space<vmem>> -> memref<128xi32, #tpu.memory_space<vmem>>
      %dma_wait3A_115 = arith.constant 0 : i32
      %dma_wait3A_116 = tpu.memref_slice %arg7[%dma_wait3A_115] : memref<10240xf32, #tpu.memory_space<vmem_shared>> -> memref<10240xf32, #tpu.memory_space<vmem_shared>>
      tpu.wait_indirect_dma semaphore(%arg8 : memref<!tpu.dma_semaphore, #tpu.memory_space<semaphore_mem>>) src(%arg5 : memref<128xf32, #tpu.memory_space<vmem>>) dst(%dma_wait3A_116 : memref<10240xf32, #tpu.memory_space<vmem_shared>>)
      %scan3A_117 = arith.constant 0 : i32
      scf.yield %scan3A_117 : i32
    }
    %scan3A_32 = arith.constant 13 : i32
    %lt3A_33 = arith.constant 4 : i32
    %lt3A_34 = arith.cmpi slt, %add3A, %lt3A_33 : i32
    %convert_element_type3A_35 = arith.extui %lt3A_34 : i1 to i32
    %cond3A_36 = arith.constant 0 : i32
    %cond3A_37 = arith.cmpi ne, %convert_element_type3A_35, %cond3A_36 : i32
    scf.if %cond3A_37 {
      %run_scoped3A_43 = arith.constant 78 : i32
      "tpu.region"() ({
        %run_scoped3A_44 = tpu.sem_alloc : memref<!tpu.dma_semaphore, #tpu.memory_space<semaphore_mem>>
        %dma_start3A = arith.constant 0 : i32
        %dma_start3A_45 = tpu.memref_slice %arg4[%run_scoped3A_43, %dma_start3A] : memref<79x128xi32, #tpu.memory_space<vmem>> -> memref<1x128xi32, #tpu.memory_space<vmem>>
        %dma_start3A_46 = tpu.memref_squeeze %dma_start3A_45 : memref<1x128xi32, #tpu.memory_space<vmem>> -> memref<128xi32, #tpu.memory_space<vmem>>
        %dma_start3A_47 = arith.constant 0 : i32
        %dma_start3A_48 = tpu.memref_slice %arg7[%dma_start3A_47] : memref<10240xf32, #tpu.memory_space<vmem_shared>> -> memref<10240xf32, #tpu.memory_space<vmem_shared>>
        tpu.enqueue_indirect_dma source(%arg5 : memref<128xf32, #tpu.memory_space<vmem>>) target(%dma_start3A_48 : memref<10240xf32, #tpu.memory_space<vmem_shared>>) offsets(%dma_start3A_46 : memref<128xi32, #tpu.memory_space<vmem>>) semaphore(%run_scoped3A_44 : memref<!tpu.dma_semaphore, #tpu.memory_space<semaphore_mem>>) {add = true}
        %dma_wait3A = arith.constant 0 : i32
        %dma_wait3A_49 = tpu.memref_slice %arg4[%run_scoped3A_43, %dma_wait3A] : memref<79x128xi32, #tpu.memory_space<vmem>> -> memref<1x128xi32, #tpu.memory_space<vmem>>
        %dma_wait3A_50 = tpu.memref_squeeze %dma_wait3A_49 : memref<1x128xi32, #tpu.memory_space<vmem>> -> memref<128xi32, #tpu.memory_space<vmem>>
        %dma_wait3A_51 = arith.constant 0 : i32
        %dma_wait3A_52 = tpu.memref_slice %arg7[%dma_wait3A_51] : memref<10240xf32, #tpu.memory_space<vmem_shared>> -> memref<10240xf32, #tpu.memory_space<vmem_shared>>
        tpu.wait_indirect_dma semaphore(%run_scoped3A_44 : memref<!tpu.dma_semaphore, #tpu.memory_space<semaphore_mem>>) src(%arg5 : memref<128xf32, #tpu.memory_space<vmem>>) dst(%dma_wait3A_52 : memref<10240xf32, #tpu.memory_space<vmem_shared>>)
        tpu.yield
      }) : () -> ()
    } else {
    }
    %barrier3A_38 = arith.constant 0 : index
    tpu.barrier barrier_id(%barrier3A_38)
    %mul3A_39 = arith.constant 640 : i32
    %mul3A_40 = arith.muli %arg1, %mul3A_39 : i32
    %mul3A_41 = arith.constant 640 : i32
    %mul3A_42 = arith.muli %arg1, %mul3A_41 : i32
    "tpu.region"() ({
      %run_scoped3A_43 = tpu.sem_alloc : memref<!tpu.dma_semaphore, #tpu.memory_space<semaphore_mem>>
      %dma_start3A = tpu.memref_slice %arg3[%arg0, %mul3A_42] : memref<2x10240xf32, #tpu.memory_space<hbm>> -> memref<1x640xf32, #tpu.memory_space<hbm>>
      %dma_start3A_44 = tpu.memref_squeeze %dma_start3A : memref<1x640xf32, #tpu.memory_space<hbm>> -> memref<640xf32, #tpu.memory_space<hbm>>
      %dma_start3A_45 = tpu.memref_slice %arg7[%mul3A_40] : memref<10240xf32, #tpu.memory_space<vmem_shared>> -> memref<640xf32, #tpu.memory_space<vmem_shared>>
      tpu.enqueue_dma source(%dma_start3A_45 : memref<640xf32, #tpu.memory_space<vmem_shared>>) target(%dma_start3A_44 : memref<640xf32, #tpu.memory_space<hbm>>) target_semaphore(%run_scoped3A_43 : memref<!tpu.dma_semaphore, #tpu.memory_space<semaphore_mem>>)
      %dma_wait3A = tpu.memref_slice %arg3[%arg0, %mul3A_42] : memref<2x10240xf32, #tpu.memory_space<hbm>> -> memref<1x640xf32, #tpu.memory_space<hbm>>
      %dma_wait3A_46 = tpu.memref_squeeze %dma_wait3A : memref<1x640xf32, #tpu.memory_space<hbm>> -> memref<640xf32, #tpu.memory_space<hbm>>
      %dma_wait3A_47 = tpu.memref_slice %arg7[%mul3A_40] : memref<10240xf32, #tpu.memory_space<vmem_shared>> -> memref<640xf32, #tpu.memory_space<vmem_shared>>
      tpu.wait_dma2 semaphore(%run_scoped3A_43 : memref<!tpu.dma_semaphore, #tpu.memory_space<semaphore_mem>>) src(%dma_wait3A_47 : memref<640xf32, #tpu.memory_space<vmem_shared>>) dst(%dma_wait3A_46 : memref<640xf32, #tpu.memory_space<hbm>>)
      tpu.yield
    }) : () -> ()
    return
  }
}

#map = affine_map<(d0, d1) -> (0)>
#map1 = affine_map<(d0, d1) -> (0, 0, 0)>
#map2 = affine_map<(d0, d1) -> (0, 0)>
module attributes {stable_mosaic.version = 14 : i64} {
  func.func @_agg_scal_kernel(%arg0: i32, %arg1: i32, %arg2: memref<10240xf32, #tpu.memory_space<hbm>>, %arg3: memref<2x2500x128xi32, #tpu.memory_space<hbm>>, %arg4: memref<2x10240xf32, #tpu.memory_space<hbm>>, %arg5: memref<79x128xi32, #tpu.memory_space<vmem>>, %arg6: memref<79x128xi32, #tpu.memory_space<vmem>>, %arg7: memref<10240xf32, #tpu.memory_space<vmem>>, %arg8: memref<10240xf32, #tpu.memory_space<vmem>>, %arg9: memref<16x640xf32, #tpu.memory_space<vmem>>, %arg10: memref<16x10240xf32, #tpu.memory_space<vmem_shared>>, %arg11: memref<!tpu.dma_semaphore, #tpu.memory_space<semaphore_mem>>) attributes {dimension_semantics = [#tpu.dimension_semantics<core_parallel>, #tpu.dimension_semantics<subcore_parallel>], iteration_bounds = array<i64: 2, 16>, scalar_prefetch = 0 : i64, scratch_operands = 7 : i64, tpu.core_type = #tpu.core_type<sc_vector_subcore>, window_params = [{transform_indices = #map}, {transform_indices = #map1}, {transform_indices = #map2}]} {
    %mul3A = arith.constant 2 : i32
    %mul3A_0 = arith.muli %arg1, %mul3A : i32
    %add3A = arith.addi %mul3A_0, %arg0 : i32
    %lt3A = arith.constant 4 : i32
    %lt3A_1 = arith.cmpi slt, %add3A, %lt3A : i32
    %mul3A_2 = arith.constant 79 : i32
    %mul3A_3 = arith.muli %mul3A_2, %add3A : i32
    %mul3A_4 = arith.constant 78 : i32
    %mul3A_5 = arith.muli %mul3A_4, %add3A : i32
    %add3A_6 = arith.constant 4 : i32
    %add3A_7 = arith.addi %add3A_6, %mul3A_5 : i32
    %select_n3A = arith.select %lt3A_1, %mul3A_3, %add3A_7 : i32
    tpu.enqueue_dma source(%arg2 : memref<10240xf32, #tpu.memory_space<hbm>>) target(%arg7 : memref<10240xf32, #tpu.memory_space<vmem>>) target_semaphore(%arg11 : memref<!tpu.dma_semaphore, #tpu.memory_space<semaphore_mem>>)
    %dma_start3A = arith.constant 0 : i32
    %dma_start3A_8 = arith.constant 0 : i32
    %dma_start3A_9 = arith.constant 0 : i32
    %dma_start3A_10 = tpu.memref_slice %arg5[%dma_start3A_8, %dma_start3A_9] : memref<79x128xi32, #tpu.memory_space<vmem>> -> memref<78x128xi32, #tpu.memory_space<vmem>>
    %dma_start3A_11 = arith.constant 0 : i32
    %dma_start3A_12 = tpu.memref_slice %arg3[%dma_start3A, %select_n3A, %dma_start3A_11] : memref<2x2500x128xi32, #tpu.memory_space<hbm>> -> memref<1x78x128xi32, #tpu.memory_space<hbm>>
    %dma_start3A_13 = tpu.memref_squeeze %dma_start3A_12 : memref<1x78x128xi32, #tpu.memory_space<hbm>> -> memref<78x128xi32, #tpu.memory_space<hbm>>
    %dma_start3A_14 = arith.constant 0 : i32
    %dma_start3A_15 = arith.constant 0 : i32
    %dma_start3A_16 = tpu.memref_slice %arg5[%dma_start3A_14, %dma_start3A_15] : memref<79x128xi32, #tpu.memory_space<vmem>> -> memref<78x128xi32, #tpu.memory_space<vmem>>
    %dma_start3A_17 = arith.constant 0 : i32
    %dma_start3A_18 = tpu.memref_slice %arg3[%dma_start3A, %select_n3A, %dma_start3A_17] : memref<2x2500x128xi32, #tpu.memory_space<hbm>> -> memref<1x78x128xi32, #tpu.memory_space<hbm>>
    %dma_start3A_19 = tpu.memref_squeeze %dma_start3A_18 : memref<1x78x128xi32, #tpu.memory_space<hbm>> -> memref<78x128xi32, #tpu.memory_space<hbm>>
    tpu.enqueue_dma source(%dma_start3A_19 : memref<78x128xi32, #tpu.memory_space<hbm>>) target(%dma_start3A_16 : memref<78x128xi32, #tpu.memory_space<vmem>>) target_semaphore(%arg11 : memref<!tpu.dma_semaphore, #tpu.memory_space<semaphore_mem>>)
    %dma_start3A_20 = arith.constant 1 : i32
    %dma_start3A_21 = arith.constant 0 : i32
    %dma_start3A_22 = arith.constant 0 : i32
    %dma_start3A_23 = tpu.memref_slice %arg6[%dma_start3A_21, %dma_start3A_22] : memref<79x128xi32, #tpu.memory_space<vmem>> -> memref<78x128xi32, #tpu.memory_space<vmem>>
    %dma_start3A_24 = arith.constant 0 : i32
    %dma_start3A_25 = tpu.memref_slice %arg3[%dma_start3A_20, %select_n3A, %dma_start3A_24] : memref<2x2500x128xi32, #tpu.memory_space<hbm>> -> memref<1x78x128xi32, #tpu.memory_space<hbm>>
    %dma_start3A_26 = tpu.memref_squeeze %dma_start3A_25 : memref<1x78x128xi32, #tpu.memory_space<hbm>> -> memref<78x128xi32, #tpu.memory_space<hbm>>
    %dma_start3A_27 = arith.constant 0 : i32
    %dma_start3A_28 = arith.constant 0 : i32
    %dma_start3A_29 = tpu.memref_slice %arg6[%dma_start3A_27, %dma_start3A_28] : memref<79x128xi32, #tpu.memory_space<vmem>> -> memref<78x128xi32, #tpu.memory_space<vmem>>
    %dma_start3A_30 = arith.constant 0 : i32
    %dma_start3A_31 = tpu.memref_slice %arg3[%dma_start3A_20, %select_n3A, %dma_start3A_30] : memref<2x2500x128xi32, #tpu.memory_space<hbm>> -> memref<1x78x128xi32, #tpu.memory_space<hbm>>
    %dma_start3A_32 = tpu.memref_squeeze %dma_start3A_31 : memref<1x78x128xi32, #tpu.memory_space<hbm>> -> memref<78x128xi32, #tpu.memory_space<hbm>>
    tpu.enqueue_dma source(%dma_start3A_32 : memref<78x128xi32, #tpu.memory_space<hbm>>) target(%dma_start3A_29 : memref<78x128xi32, #tpu.memory_space<vmem>>) target_semaphore(%arg11 : memref<!tpu.dma_semaphore, #tpu.memory_space<semaphore_mem>>)
    %lt3A_33 = arith.constant 4 : i32
    %lt3A_34 = arith.cmpi slt, %add3A, %lt3A_33 : i32
    %convert_element_type3A = arith.extui %lt3A_34 : i1 to i32
    %cond3A = arith.constant 0 : i32
    %cond3A_35 = arith.cmpi ne, %convert_element_type3A, %cond3A : i32
    scf.if %cond3A_35 {
      %add3A_151 = arith.constant 78 : i32
      %add3A_152 = arith.addi %select_n3A, %add3A_151 : i32
      %run_scoped3A_153 = arith.constant 0 : i32
      %run_scoped3A_154 = arith.constant 78 : i32
      "tpu.region"() ({
        %run_scoped3A_159 = tpu.sem_alloc : memref<!tpu.dma_semaphore, #tpu.memory_space<semaphore_mem>>
        %dma_start3A_160 = arith.constant 0 : i32
        %dma_start3A_161 = tpu.memref_slice %arg5[%run_scoped3A_154, %dma_start3A_160] : memref<79x128xi32, #tpu.memory_space<vmem>> -> memref<1x128xi32, #tpu.memory_space<vmem>>
        %dma_start3A_162 = tpu.memref_squeeze %dma_start3A_161 : memref<1x128xi32, #tpu.memory_space<vmem>> -> memref<128xi32, #tpu.memory_space<vmem>>
        %dma_start3A_163 = arith.constant 0 : i32
        %dma_start3A_164 = tpu.memref_slice %arg3[%run_scoped3A_153, %add3A_152, %dma_start3A_163] : memref<2x2500x128xi32, #tpu.memory_space<hbm>> -> memref<1x1x128xi32, #tpu.memory_space<hbm>>
        %dma_start3A_165 = tpu.memref_squeeze %dma_start3A_164 : memref<1x1x128xi32, #tpu.memory_space<hbm>> -> memref<128xi32, #tpu.memory_space<hbm>>
        %dma_start3A_166 = arith.constant 0 : i32
        %dma_start3A_167 = tpu.memref_slice %arg5[%run_scoped3A_154, %dma_start3A_166] : memref<79x128xi32, #tpu.memory_space<vmem>> -> memref<1x128xi32, #tpu.memory_space<vmem>>
        %dma_start3A_168 = tpu.memref_squeeze %dma_start3A_167 : memref<1x128xi32, #tpu.memory_space<vmem>> -> memref<128xi32, #tpu.memory_space<vmem>>
        %dma_start3A_169 = arith.constant 0 : i32
        %dma_start3A_170 = tpu.memref_slice %arg3[%run_scoped3A_153, %add3A_152, %dma_start3A_169] : memref<2x2500x128xi32, #tpu.memory_space<hbm>> -> memref<1x1x128xi32, #tpu.memory_space<hbm>>
        %dma_start3A_171 = tpu.memref_squeeze %dma_start3A_170 : memref<1x1x128xi32, #tpu.memory_space<hbm>> -> memref<128xi32, #tpu.memory_space<hbm>>
        tpu.enqueue_dma source(%dma_start3A_171 : memref<128xi32, #tpu.memory_space<hbm>>) target(%dma_start3A_168 : memref<128xi32, #tpu.memory_space<vmem>>) target_semaphore(%run_scoped3A_159 : memref<!tpu.dma_semaphore, #tpu.memory_space<semaphore_mem>>)
        %dma_wait3A_172 = arith.constant 0 : i32
        %dma_wait3A_173 = tpu.memref_slice %arg5[%run_scoped3A_154, %dma_wait3A_172] : memref<79x128xi32, #tpu.memory_space<vmem>> -> memref<1x128xi32, #tpu.memory_space<vmem>>
        %dma_wait3A_174 = tpu.memref_squeeze %dma_wait3A_173 : memref<1x128xi32, #tpu.memory_space<vmem>> -> memref<128xi32, #tpu.memory_space<vmem>>
        %dma_wait3A_175 = arith.constant 0 : i32
        %dma_wait3A_176 = tpu.memref_slice %arg3[%run_scoped3A_153, %add3A_152, %dma_wait3A_175] : memref<2x2500x128xi32, #tpu.memory_space<hbm>> -> memref<1x1x128xi32, #tpu.memory_space<hbm>>
        %dma_wait3A_177 = tpu.memref_squeeze %dma_wait3A_176 : memref<1x1x128xi32, #tpu.memory_space<hbm>> -> memref<128xi32, #tpu.memory_space<hbm>>
        %dma_wait3A_178 = arith.constant 0 : i32
        %dma_wait3A_179 = tpu.memref_slice %arg5[%run_scoped3A_154, %dma_wait3A_178] : memref<79x128xi32, #tpu.memory_space<vmem>> -> memref<1x128xi32, #tpu.memory_space<vmem>>
        %dma_wait3A_180 = tpu.memref_squeeze %dma_wait3A_179 : memref<1x128xi32, #tpu.memory_space<vmem>> -> memref<128xi32, #tpu.memory_space<vmem>>
        %dma_wait3A_181 = arith.constant 0 : i32
        %dma_wait3A_182 = tpu.memref_slice %arg3[%run_scoped3A_153, %add3A_152, %dma_wait3A_181] : memref<2x2500x128xi32, #tpu.memory_space<hbm>> -> memref<1x1x128xi32, #tpu.memory_space<hbm>>
        %dma_wait3A_183 = tpu.memref_squeeze %dma_wait3A_182 : memref<1x1x128xi32, #tpu.memory_space<hbm>> -> memref<128xi32, #tpu.memory_space<hbm>>
        tpu.wait_dma2 semaphore(%run_scoped3A_159 : memref<!tpu.dma_semaphore, #tpu.memory_space<semaphore_mem>>) src(%dma_wait3A_183 : memref<128xi32, #tpu.memory_space<hbm>>) dst(%dma_wait3A_180 : memref<128xi32, #tpu.memory_space<vmem>>)
        tpu.yield
      }) : () -> ()
      %add3A_155 = arith.constant 78 : i32
      %add3A_156 = arith.addi %select_n3A, %add3A_155 : i32
      %run_scoped3A_157 = arith.constant 1 : i32
      %run_scoped3A_158 = arith.constant 78 : i32
      "tpu.region"() ({
        %run_scoped3A_159 = tpu.sem_alloc : memref<!tpu.dma_semaphore, #tpu.memory_space<semaphore_mem>>
        %dma_start3A_160 = arith.constant 0 : i32
        %dma_start3A_161 = tpu.memref_slice %arg6[%run_scoped3A_158, %dma_start3A_160] : memref<79x128xi32, #tpu.memory_space<vmem>> -> memref<1x128xi32, #tpu.memory_space<vmem>>
        %dma_start3A_162 = tpu.memref_squeeze %dma_start3A_161 : memref<1x128xi32, #tpu.memory_space<vmem>> -> memref<128xi32, #tpu.memory_space<vmem>>
        %dma_start3A_163 = arith.constant 0 : i32
        %dma_start3A_164 = tpu.memref_slice %arg3[%run_scoped3A_157, %add3A_156, %dma_start3A_163] : memref<2x2500x128xi32, #tpu.memory_space<hbm>> -> memref<1x1x128xi32, #tpu.memory_space<hbm>>
        %dma_start3A_165 = tpu.memref_squeeze %dma_start3A_164 : memref<1x1x128xi32, #tpu.memory_space<hbm>> -> memref<128xi32, #tpu.memory_space<hbm>>
        %dma_start3A_166 = arith.constant 0 : i32
        %dma_start3A_167 = tpu.memref_slice %arg6[%run_scoped3A_158, %dma_start3A_166] : memref<79x128xi32, #tpu.memory_space<vmem>> -> memref<1x128xi32, #tpu.memory_space<vmem>>
        %dma_start3A_168 = tpu.memref_squeeze %dma_start3A_167 : memref<1x128xi32, #tpu.memory_space<vmem>> -> memref<128xi32, #tpu.memory_space<vmem>>
        %dma_start3A_169 = arith.constant 0 : i32
        %dma_start3A_170 = tpu.memref_slice %arg3[%run_scoped3A_157, %add3A_156, %dma_start3A_169] : memref<2x2500x128xi32, #tpu.memory_space<hbm>> -> memref<1x1x128xi32, #tpu.memory_space<hbm>>
        %dma_start3A_171 = tpu.memref_squeeze %dma_start3A_170 : memref<1x1x128xi32, #tpu.memory_space<hbm>> -> memref<128xi32, #tpu.memory_space<hbm>>
        tpu.enqueue_dma source(%dma_start3A_171 : memref<128xi32, #tpu.memory_space<hbm>>) target(%dma_start3A_168 : memref<128xi32, #tpu.memory_space<vmem>>) target_semaphore(%run_scoped3A_159 : memref<!tpu.dma_semaphore, #tpu.memory_space<semaphore_mem>>)
        %dma_wait3A_172 = arith.constant 0 : i32
        %dma_wait3A_173 = tpu.memref_slice %arg6[%run_scoped3A_158, %dma_wait3A_172] : memref<79x128xi32, #tpu.memory_space<vmem>> -> memref<1x128xi32, #tpu.memory_space<vmem>>
        %dma_wait3A_174 = tpu.memref_squeeze %dma_wait3A_173 : memref<1x128xi32, #tpu.memory_space<vmem>> -> memref<128xi32, #tpu.memory_space<vmem>>
        %dma_wait3A_175 = arith.constant 0 : i32
        %dma_wait3A_176 = tpu.memref_slice %arg3[%run_scoped3A_157, %add3A_156, %dma_wait3A_175] : memref<2x2500x128xi32, #tpu.memory_space<hbm>> -> memref<1x1x128xi32, #tpu.memory_space<hbm>>
        %dma_wait3A_177 = tpu.memref_squeeze %dma_wait3A_176 : memref<1x1x128xi32, #tpu.memory_space<hbm>> -> memref<128xi32, #tpu.memory_space<hbm>>
        %dma_wait3A_178 = arith.constant 0 : i32
        %dma_wait3A_179 = tpu.memref_slice %arg6[%run_scoped3A_158, %dma_wait3A_178] : memref<79x128xi32, #tpu.memory_space<vmem>> -> memref<1x128xi32, #tpu.memory_space<vmem>>
        %dma_wait3A_180 = tpu.memref_squeeze %dma_wait3A_179 : memref<1x128xi32, #tpu.memory_space<vmem>> -> memref<128xi32, #tpu.memory_space<vmem>>
        %dma_wait3A_181 = arith.constant 0 : i32
        %dma_wait3A_182 = tpu.memref_slice %arg3[%run_scoped3A_157, %add3A_156, %dma_wait3A_181] : memref<2x2500x128xi32, #tpu.memory_space<hbm>> -> memref<1x1x128xi32, #tpu.memory_space<hbm>>
        %dma_wait3A_183 = tpu.memref_squeeze %dma_wait3A_182 : memref<1x1x128xi32, #tpu.memory_space<hbm>> -> memref<128xi32, #tpu.memory_space<hbm>>
        tpu.wait_dma2 semaphore(%run_scoped3A_159 : memref<!tpu.dma_semaphore, #tpu.memory_space<semaphore_mem>>) src(%dma_wait3A_183 : memref<128xi32, #tpu.memory_space<hbm>>) dst(%dma_wait3A_180 : memref<128xi32, #tpu.memory_space<vmem>>)
        tpu.yield
      }) : () -> ()
    } else {
    }
    %scan3A = arith.constant 0 : i32
    %scan3A_36 = arith.constant 0 : i32
    %scan3A_37 = arith.constant 640 : i32
    %scan3A_38 = arith.addi %scan3A_36, %scan3A_37 : i32
    %scan3A_39 = arith.constant 1 : i32
    %scan3A_40 = scf.for %scan3A_151 = %scan3A_36 to %scan3A_38 step %scan3A_39 iter_args(%scan3A_152 = %scan3A) -> (i32)  : i32 {
      %broadcast_in_dim3A = arith.constant 0.000000e+00 : f32
      %broadcast_in_dim3A_153 = vector.broadcast %broadcast_in_dim3A : f32 to vector<16xf32>
      %mul3A_154 = arith.constant 16 : i32
      %mul3A_155 = arith.muli %scan3A_151, %mul3A_154 : i32
      %swap3A = arith.index_cast %mul3A_155 : i32 to index
      %swap3A_156 = tpu.vector_load %arg8[%swap3A] {strides = array<i32>} : memref<10240xf32, #tpu.memory_space<vmem>>, vector<16xf32>,
      tpu.vector_store %arg8[%swap3A], %broadcast_in_dim3A_153 {strides = array<i32>} : memref<10240xf32, #tpu.memory_space<vmem>>, vector<16xf32>,
      %scan3A_157 = arith.constant 0 : i32
      scf.yield %scan3A_157 : i32
    }
    %scan3A_41 = arith.constant 640 : i32
    tpu.wait_dma2 semaphore(%arg11 : memref<!tpu.dma_semaphore, #tpu.memory_space<semaphore_mem>>) src(%arg2 : memref<10240xf32, #tpu.memory_space<hbm>>) dst(%arg7 : memref<10240xf32, #tpu.memory_space<vmem>>)
    %dma_wait3A = arith.constant 0 : i32
    %dma_wait3A_42 = arith.constant 0 : i32
    %dma_wait3A_43 = arith.constant 0 : i32
    %dma_wait3A_44 = tpu.memref_slice %arg5[%dma_wait3A_42, %dma_wait3A_43] : memref<79x128xi32, #tpu.memory_space<vmem>> -> memref<78x128xi32, #tpu.memory_space<vmem>>
    %dma_wait3A_45 = arith.constant 0 : i32
    %dma_wait3A_46 = tpu.memref_slice %arg3[%dma_wait3A, %select_n3A, %dma_wait3A_45] : memref<2x2500x128xi32, #tpu.memory_space<hbm>> -> memref<1x78x128xi32, #tpu.memory_space<hbm>>
    %dma_wait3A_47 = tpu.memref_squeeze %dma_wait3A_46 : memref<1x78x128xi32, #tpu.memory_space<hbm>> -> memref<78x128xi32, #tpu.memory_space<hbm>>
    %dma_wait3A_48 = arith.constant 0 : i32
    %dma_wait3A_49 = arith.constant 0 : i32
    %dma_wait3A_50 = tpu.memref_slice %arg5[%dma_wait3A_48, %dma_wait3A_49] : memref<79x128xi32, #tpu.memory_space<vmem>> -> memref<78x128xi32, #tpu.memory_space<vmem>>
    %dma_wait3A_51 = arith.constant 0 : i32
    %dma_wait3A_52 = tpu.memref_slice %arg3[%dma_wait3A, %select_n3A, %dma_wait3A_51] : memref<2x2500x128xi32, #tpu.memory_space<hbm>> -> memref<1x78x128xi32, #tpu.memory_space<hbm>>
    %dma_wait3A_53 = tpu.memref_squeeze %dma_wait3A_52 : memref<1x78x128xi32, #tpu.memory_space<hbm>> -> memref<78x128xi32, #tpu.memory_space<hbm>>
    tpu.wait_dma2 semaphore(%arg11 : memref<!tpu.dma_semaphore, #tpu.memory_space<semaphore_mem>>) src(%dma_wait3A_53 : memref<78x128xi32, #tpu.memory_space<hbm>>) dst(%dma_wait3A_50 : memref<78x128xi32, #tpu.memory_space<vmem>>)
    %dma_wait3A_54 = arith.constant 1 : i32
    %dma_wait3A_55 = arith.constant 0 : i32
    %dma_wait3A_56 = arith.constant 0 : i32
    %dma_wait3A_57 = tpu.memref_slice %arg6[%dma_wait3A_55, %dma_wait3A_56] : memref<79x128xi32, #tpu.memory_space<vmem>> -> memref<78x128xi32, #tpu.memory_space<vmem>>
    %dma_wait3A_58 = arith.constant 0 : i32
    %dma_wait3A_59 = tpu.memref_slice %arg3[%dma_wait3A_54, %select_n3A, %dma_wait3A_58] : memref<2x2500x128xi32, #tpu.memory_space<hbm>> -> memref<1x78x128xi32, #tpu.memory_space<hbm>>
    %dma_wait3A_60 = tpu.memref_squeeze %dma_wait3A_59 : memref<1x78x128xi32, #tpu.memory_space<hbm>> -> memref<78x128xi32, #tpu.memory_space<hbm>>
    %dma_wait3A_61 = arith.constant 0 : i32
    %dma_wait3A_62 = arith.constant 0 : i32
    %dma_wait3A_63 = tpu.memref_slice %arg6[%dma_wait3A_61, %dma_wait3A_62] : memref<79x128xi32, #tpu.memory_space<vmem>> -> memref<78x128xi32, #tpu.memory_space<vmem>>
    %dma_wait3A_64 = arith.constant 0 : i32
    %dma_wait3A_65 = tpu.memref_slice %arg3[%dma_wait3A_54, %select_n3A, %dma_wait3A_64] : memref<2x2500x128xi32, #tpu.memory_space<hbm>> -> memref<1x78x128xi32, #tpu.memory_space<hbm>>
    %dma_wait3A_66 = tpu.memref_squeeze %dma_wait3A_65 : memref<1x78x128xi32, #tpu.memory_space<hbm>> -> memref<78x128xi32, #tpu.memory_space<hbm>>
    tpu.wait_dma2 semaphore(%arg11 : memref<!tpu.dma_semaphore, #tpu.memory_space<semaphore_mem>>) src(%dma_wait3A_66 : memref<78x128xi32, #tpu.memory_space<hbm>>) dst(%dma_wait3A_63 : memref<78x128xi32, #tpu.memory_space<vmem>>)
    %scan3A_67 = arith.constant 0 : i32
    %scan3A_68 = arith.constant 0 : i32
    %scan3A_69 = arith.constant 78 : i32
    %scan3A_70 = arith.addi %scan3A_68, %scan3A_69 : i32
    %scan3A_71 = arith.constant 1 : i32
    %scan3A_72 = scf.for %scan3A_151 = %scan3A_68 to %scan3A_70 step %scan3A_71 iter_args(%scan3A_152 = %scan3A_67) -> (i32)  : i32 {
      %scan3A_153 = arith.constant 0 : i32
      %scan3A_154 = arith.constant 0 : i32
      %scan3A_155 = arith.constant 8 : i32
      %scan3A_156 = arith.addi %scan3A_154, %scan3A_155 : i32
      %scan3A_157 = arith.constant 1 : i32
      %scan3A_158 = scf.for %scan3A_161 = %scan3A_154 to %scan3A_156 step %scan3A_157 iter_args(%scan3A_162 = %scan3A_153) -> (i32)  : i32 {
        %mul3A_163 = arith.constant 16 : i32
        %mul3A_164 = arith.muli %scan3A_161, %mul3A_163 : i32
        %get3A = arith.index_cast %scan3A_151 : i32 to index
        %get3A_165 = arith.index_cast %mul3A_164 : i32 to index
        %get3A_166 = tpu.vector_load %arg5[%get3A, %get3A_165] {strides = array<i32>} : memref<79x128xi32, #tpu.memory_space<vmem>>, vector<16xi32>,
        %mul3A_167 = arith.constant 16 : i32
        %mul3A_168 = arith.muli %scan3A_161, %mul3A_167 : i32
        %get3A_169 = arith.index_cast %scan3A_151 : i32 to index
        %get3A_170 = arith.index_cast %mul3A_168 : i32 to index
        %get3A_171 = tpu.vector_load %arg6[%get3A_169, %get3A_170] {strides = array<i32>} : memref<79x128xi32, #tpu.memory_space<vmem>>, vector<16xi32>,
        %gather3A = tpu.vector_load_idx %arg7[%get3A_166] : memref<10240xf32, #tpu.memory_space<vmem>>[vector<16xi32>], vector<16xf32>,
        tpu.vector_store_idx %arg8[%get3A_171], %gather3A {add = true} : memref<10240xf32, #tpu.memory_space<vmem>>[vector<16xi32>], vector<16xf32>,
        %scan3A_172 = arith.constant 0 : i32
        scf.yield %scan3A_172 : i32
      }
      %scan3A_159 = arith.constant 8 : i32
      %scan3A_160 = arith.constant 0 : i32
      scf.yield %scan3A_160 : i32
    }
    %scan3A_73 = arith.constant 78 : i32
    %lt3A_74 = arith.constant 4 : i32
    %lt3A_75 = arith.cmpi slt, %add3A, %lt3A_74 : i32
    %convert_element_type3A_76 = arith.extui %lt3A_75 : i1 to i32
    %cond3A_77 = arith.constant 0 : i32
    %cond3A_78 = arith.cmpi ne, %convert_element_type3A_76, %cond3A_77 : i32
    scf.if %cond3A_78 {
      %scan3A_151 = arith.constant 0 : i32
      %scan3A_152 = arith.constant 0 : i32
      %scan3A_153 = arith.constant 8 : i32
      %scan3A_154 = arith.addi %scan3A_152, %scan3A_153 : i32
      %scan3A_155 = arith.constant 1 : i32
      %scan3A_156 = scf.for %scan3A_158 = %scan3A_152 to %scan3A_154 step %scan3A_155 iter_args(%scan3A_159 = %scan3A_151) -> (i32)  : i32 {
        %mul3A_160 = arith.constant 16 : i32
        %mul3A_161 = arith.muli %scan3A_158, %mul3A_160 : i32
        %get3A = arith.constant 78 : i32
        %get3A_162 = arith.index_cast %get3A : i32 to index
        %get3A_163 = arith.index_cast %mul3A_161 : i32 to index
        %get3A_164 = tpu.vector_load %arg5[%get3A_162, %get3A_163] {strides = array<i32>} : memref<79x128xi32, #tpu.memory_space<vmem>>, vector<16xi32>,
        %mul3A_165 = arith.constant 16 : i32
        %mul3A_166 = arith.muli %scan3A_158, %mul3A_165 : i32
        %get3A_167 = arith.constant 78 : i32
        %get3A_168 = arith.index_cast %get3A_167 : i32 to index
        %get3A_169 = arith.index_cast %mul3A_166 : i32 to index
        %get3A_170 = tpu.vector_load %arg6[%get3A_168, %get3A_169] {strides = array<i32>} : memref<79x128xi32, #tpu.memory_space<vmem>>, vector<16xi32>,
        %gather3A = tpu.vector_load_idx %arg7[%get3A_164] : memref<10240xf32, #tpu.memory_space<vmem>>[vector<16xi32>], vector<16xf32>,
        tpu.vector_store_idx %arg8[%get3A_170], %gather3A {add = true} : memref<10240xf32, #tpu.memory_space<vmem>>[vector<16xi32>], vector<16xf32>,
        %scan3A_171 = arith.constant 0 : i32
        scf.yield %scan3A_171 : i32
      }
      %scan3A_157 = arith.constant 8 : i32
    } else {
    }
    "tpu.region"() ({
      %run_scoped3A_151 = tpu.sem_alloc : memref<!tpu.dma_semaphore, #tpu.memory_space<semaphore_mem>>
      %dma_start3A_152 = arith.constant 0 : i32
      %dma_start3A_153 = tpu.memref_slice %arg10[%arg1, %dma_start3A_152] : memref<16x10240xf32, #tpu.memory_space<vmem_shared>> -> memref<1x10240xf32, #tpu.memory_space<vmem_shared>>
      %dma_start3A_154 = tpu.memref_squeeze %dma_start3A_153 : memref<1x10240xf32, #tpu.memory_space<vmem_shared>> -> memref<10240xf32, #tpu.memory_space<vmem_shared>>
      %dma_start3A_155 = arith.constant 0 : i32
      %dma_start3A_156 = tpu.memref_slice %arg10[%arg1, %dma_start3A_155] : memref<16x10240xf32, #tpu.memory_space<vmem_shared>> -> memref<1x10240xf32, #tpu.memory_space<vmem_shared>>
      %dma_start3A_157 = tpu.memref_squeeze %dma_start3A_156 : memref<1x10240xf32, #tpu.memory_space<vmem_shared>> -> memref<10240xf32, #tpu.memory_space<vmem_shared>>
      tpu.enqueue_dma source(%arg8 : memref<10240xf32, #tpu.memory_space<vmem>>) target(%dma_start3A_157 : memref<10240xf32, #tpu.memory_space<vmem_shared>>) target_semaphore(%run_scoped3A_151 : memref<!tpu.dma_semaphore, #tpu.memory_space<semaphore_mem>>)
      %dma_wait3A_158 = arith.constant 0 : i32
      %dma_wait3A_159 = tpu.memref_slice %arg10[%arg1, %dma_wait3A_158] : memref<16x10240xf32, #tpu.memory_space<vmem_shared>> -> memref<1x10240xf32, #tpu.memory_space<vmem_shared>>
      %dma_wait3A_160 = tpu.memref_squeeze %dma_wait3A_159 : memref<1x10240xf32, #tpu.memory_space<vmem_shared>> -> memref<10240xf32, #tpu.memory_space<vmem_shared>>
      %dma_wait3A_161 = arith.constant 0 : i32
      %dma_wait3A_162 = tpu.memref_slice %arg10[%arg1, %dma_wait3A_161] : memref<16x10240xf32, #tpu.memory_space<vmem_shared>> -> memref<1x10240xf32, #tpu.memory_space<vmem_shared>>
      %dma_wait3A_163 = tpu.memref_squeeze %dma_wait3A_162 : memref<1x10240xf32, #tpu.memory_space<vmem_shared>> -> memref<10240xf32, #tpu.memory_space<vmem_shared>>
      tpu.wait_dma2 semaphore(%run_scoped3A_151 : memref<!tpu.dma_semaphore, #tpu.memory_space<semaphore_mem>>) src(%arg8 : memref<10240xf32, #tpu.memory_space<vmem>>) dst(%dma_wait3A_163 : memref<10240xf32, #tpu.memory_space<vmem_shared>>)
      tpu.yield
    }) : () -> ()
    %barrier3A = arith.constant 0 : index
    tpu.barrier barrier_id(%barrier3A)
    %mul3A_79 = arith.constant 640 : i32
    %mul3A_80 = arith.muli %arg1, %mul3A_79 : i32
    %run_scoped3A = arith.constant 0 : i32
    %run_scoped3A_81 = arith.constant 0 : i32
    "tpu.region"() ({
      %run_scoped3A_151 = tpu.sem_alloc : memref<!tpu.dma_semaphore, #tpu.memory_space<semaphore_mem>>
      %dma_start3A_152 = arith.constant 0 : i32
      %dma_start3A_153 = tpu.memref_slice %arg9[%run_scoped3A_81, %dma_start3A_152] : memref<16x640xf32, #tpu.memory_space<vmem>> -> memref<1x640xf32, #tpu.memory_space<vmem>>
      %dma_start3A_154 = tpu.memref_squeeze %dma_start3A_153 : memref<1x640xf32, #tpu.memory_space<vmem>> -> memref<640xf32, #tpu.memory_space<vmem>>
      %dma_start3A_155 = tpu.memref_slice %arg10[%run_scoped3A, %mul3A_80] : memref<16x10240xf32, #tpu.memory_space<vmem_shared>> -> memref<1x640xf32, #tpu.memory_space<vmem_shared>>
      %dma_start3A_156 = tpu.memref_squeeze %dma_start3A_155 : memref<1x640xf32, #tpu.memory_space<vmem_shared>> -> memref<640xf32, #tpu.memory_space<vmem_shared>>
      %dma_start3A_157 = arith.constant 0 : i32
      %dma_start3A_158 = tpu.memref_slice %arg9[%run_scoped3A_81, %dma_start3A_157] : memref<16x640xf32, #tpu.memory_space<vmem>> -> memref<1x640xf32, #tpu.memory_space<vmem>>
      %dma_start3A_159 = tpu.memref_squeeze %dma_start3A_158 : memref<1x640xf32, #tpu.memory_space<vmem>> -> memref<640xf32, #tpu.memory_space<vmem>>
      %dma_start3A_160 = tpu.memref_slice %arg10[%run_scoped3A, %mul3A_80] : memref<16x10240xf32, #tpu.memory_space<vmem_shared>> -> memref<1x640xf32, #tpu.memory_space<vmem_shared>>
      %dma_start3A_161 = tpu.memref_squeeze %dma_start3A_160 : memref<1x640xf32, #tpu.memory_space<vmem_shared>> -> memref<640xf32, #tpu.memory_space<vmem_shared>>
      tpu.enqueue_dma source(%dma_start3A_161 : memref<640xf32, #tpu.memory_space<vmem_shared>>) target(%dma_start3A_159 : memref<640xf32, #tpu.memory_space<vmem>>) target_semaphore(%run_scoped3A_151 : memref<!tpu.dma_semaphore, #tpu.memory_space<semaphore_mem>>)
      %dma_wait3A_162 = arith.constant 0 : i32
      %dma_wait3A_163 = tpu.memref_slice %arg9[%run_scoped3A_81, %dma_wait3A_162] : memref<16x640xf32, #tpu.memory_space<vmem>> -> memref<1x640xf32, #tpu.memory_space<vmem>>
      %dma_wait3A_164 = tpu.memref_squeeze %dma_wait3A_163 : memref<1x640xf32, #tpu.memory_space<vmem>> -> memref<640xf32, #tpu.memory_space<vmem>>
      %dma_wait3A_165 = tpu.memref_slice %arg10[%run_scoped3A, %mul3A_80] : memref<16x10240xf32, #tpu.memory_space<vmem_shared>> -> memref<1x640xf32, #tpu.memory_space<vmem_shared>>
      %dma_wait3A_166 = tpu.memref_squeeze %dma_wait3A_165 : memref<1x640xf32, #tpu.memory_space<vmem_shared>> -> memref<640xf32, #tpu.memory_space<vmem_shared>>
      %dma_wait3A_167 = arith.constant 0 : i32
      %dma_wait3A_168 = tpu.memref_slice %arg9[%run_scoped3A_81, %dma_wait3A_167] : memref<16x640xf32, #tpu.memory_space<vmem>> -> memref<1x640xf32, #tpu.memory_space<vmem>>
      %dma_wait3A_169 = tpu.memref_squeeze %dma_wait3A_168 : memref<1x640xf32, #tpu.memory_space<vmem>> -> memref<640xf32, #tpu.memory_space<vmem>>
      %dma_wait3A_170 = tpu.memref_slice %arg10[%run_scoped3A, %mul3A_80] : memref<16x10240xf32, #tpu.memory_space<vmem_shared>> -> memref<1x640xf32, #tpu.memory_space<vmem_shared>>
      %dma_wait3A_171 = tpu.memref_squeeze %dma_wait3A_170 : memref<1x640xf32, #tpu.memory_space<vmem_shared>> -> memref<640xf32, #tpu.memory_space<vmem_shared>>
      tpu.wait_dma2 semaphore(%run_scoped3A_151 : memref<!tpu.dma_semaphore, #tpu.memory_space<semaphore_mem>>) src(%dma_wait3A_171 : memref<640xf32, #tpu.memory_space<vmem_shared>>) dst(%dma_wait3A_169 : memref<640xf32, #tpu.memory_space<vmem>>)
      tpu.yield
    }) : () -> ()
    %mul3A_82 = arith.constant 640 : i32
    %mul3A_83 = arith.muli %arg1, %mul3A_82 : i32
    %run_scoped3A_84 = arith.constant 1 : i32
    %run_scoped3A_85 = arith.constant 1 : i32
    "tpu.region"() ({
      %run_scoped3A_151 = tpu.sem_alloc : memref<!tpu.dma_semaphore, #tpu.memory_space<semaphore_mem>>
      %dma_start3A_152 = arith.constant 0 : i32
      %dma_start3A_153 = tpu.memref_slice %arg9[%run_scoped3A_85, %dma_start3A_152] : memref<16x640xf32, #tpu.memory_space<vmem>> -> memref<1x640xf32, #tpu.memory_space<vmem>>
      %dma_start3A_154 = tpu.memref_squeeze %dma_start3A_153 : memref<1x640xf32, #tpu.memory_space<vmem>> -> memref<640xf32, #tpu.memory_space<vmem>>
      %dma_start3A_155 = tpu.memref_slice %arg10[%run_scoped3A_84, %mul3A_83] : memref<16x10240xf32, #tpu.memory_space<vmem_shared>> -> memref<1x640xf32, #tpu.memory_space<vmem_shared>>
      %dma_start3A_156 = tpu.memref_squeeze %dma_start3A_155 : memref<1x640xf32, #tpu.memory_space<vmem_shared>> -> memref<640xf32, #tpu.memory_space<vmem_shared>>
      %dma_start3A_157 = arith.constant 0 : i32
      %dma_start3A_158 = tpu.memref_slice %arg9[%run_scoped3A_85, %dma_start3A_157] : memref<16x640xf32, #tpu.memory_space<vmem>> -> memref<1x640xf32, #tpu.memory_space<vmem>>
      %dma_start3A_159 = tpu.memref_squeeze %dma_start3A_158 : memref<1x640xf32, #tpu.memory_space<vmem>> -> memref<640xf32, #tpu.memory_space<vmem>>
      %dma_start3A_160 = tpu.memref_slice %arg10[%run_scoped3A_84, %mul3A_83] : memref<16x10240xf32, #tpu.memory_space<vmem_shared>> -> memref<1x640xf32, #tpu.memory_space<vmem_shared>>
      %dma_start3A_161 = tpu.memref_squeeze %dma_start3A_160 : memref<1x640xf32, #tpu.memory_space<vmem_shared>> -> memref<640xf32, #tpu.memory_space<vmem_shared>>
      tpu.enqueue_dma source(%dma_start3A_161 : memref<640xf32, #tpu.memory_space<vmem_shared>>) target(%dma_start3A_159 : memref<640xf32, #tpu.memory_space<vmem>>) target_semaphore(%run_scoped3A_151 : memref<!tpu.dma_semaphore, #tpu.memory_space<semaphore_mem>>)
      %dma_wait3A_162 = arith.constant 0 : i32
      %dma_wait3A_163 = tpu.memref_slice %arg9[%run_scoped3A_85, %dma_wait3A_162] : memref<16x640xf32, #tpu.memory_space<vmem>> -> memref<1x640xf32, #tpu.memory_space<vmem>>
      %dma_wait3A_164 = tpu.memref_squeeze %dma_wait3A_163 : memref<1x640xf32, #tpu.memory_space<vmem>> -> memref<640xf32, #tpu.memory_space<vmem>>
      %dma_wait3A_165 = tpu.memref_slice %arg10[%run_scoped3A_84, %mul3A_83] : memref<16x10240xf32, #tpu.memory_space<vmem_shared>> -> memref<1x640xf32, #tpu.memory_space<vmem_shared>>
      %dma_wait3A_166 = tpu.memref_squeeze %dma_wait3A_165 : memref<1x640xf32, #tpu.memory_space<vmem_shared>> -> memref<640xf32, #tpu.memory_space<vmem_shared>>
      %dma_wait3A_167 = arith.constant 0 : i32
      %dma_wait3A_168 = tpu.memref_slice %arg9[%run_scoped3A_85, %dma_wait3A_167] : memref<16x640xf32, #tpu.memory_space<vmem>> -> memref<1x640xf32, #tpu.memory_space<vmem>>
      %dma_wait3A_169 = tpu.memref_squeeze %dma_wait3A_168 : memref<1x640xf32, #tpu.memory_space<vmem>> -> memref<640xf32, #tpu.memory_space<vmem>>
      %dma_wait3A_170 = tpu.memref_slice %arg10[%run_scoped3A_84, %mul3A_83] : memref<16x10240xf32, #tpu.memory_space<vmem_shared>> -> memref<1x640xf32, #tpu.memory_space<vmem_shared>>
      %dma_wait3A_171 = tpu.memref_squeeze %dma_wait3A_170 : memref<1x640xf32, #tpu.memory_space<vmem_shared>> -> memref<640xf32, #tpu.memory_space<vmem_shared>>
      tpu.wait_dma2 semaphore(%run_scoped3A_151 : memref<!tpu.dma_semaphore, #tpu.memory_space<semaphore_mem>>) src(%dma_wait3A_171 : memref<640xf32, #tpu.memory_space<vmem_shared>>) dst(%dma_wait3A_169 : memref<640xf32, #tpu.memory_space<vmem>>)
      tpu.yield
    }) : () -> ()
    %mul3A_86 = arith.constant 640 : i32
    %mul3A_87 = arith.muli %arg1, %mul3A_86 : i32
    %run_scoped3A_88 = arith.constant 2 : i32
    %run_scoped3A_89 = arith.constant 2 : i32
    "tpu.region"() ({
      %run_scoped3A_151 = tpu.sem_alloc : memref<!tpu.dma_semaphore, #tpu.memory_space<semaphore_mem>>
      %dma_start3A_152 = arith.constant 0 : i32
      %dma_start3A_153 = tpu.memref_slice %arg9[%run_scoped3A_89, %dma_start3A_152] : memref<16x640xf32, #tpu.memory_space<vmem>> -> memref<1x640xf32, #tpu.memory_space<vmem>>
      %dma_start3A_154 = tpu.memref_squeeze %dma_start3A_153 : memref<1x640xf32, #tpu.memory_space<vmem>> -> memref<640xf32, #tpu.memory_space<vmem>>
      %dma_start3A_155 = tpu.memref_slice %arg10[%run_scoped3A_88, %mul3A_87] : memref<16x10240xf32, #tpu.memory_space<vmem_shared>> -> memref<1x640xf32, #tpu.memory_space<vmem_shared>>
      %dma_start3A_156 = tpu.memref_squeeze %dma_start3A_155 : memref<1x640xf32, #tpu.memory_space<vmem_shared>> -> memref<640xf32, #tpu.memory_space<vmem_shared>>
      %dma_start3A_157 = arith.constant 0 : i32
      %dma_start3A_158 = tpu.memref_slice %arg9[%run_scoped3A_89, %dma_start3A_157] : memref<16x640xf32, #tpu.memory_space<vmem>> -> memref<1x640xf32, #tpu.memory_space<vmem>>
      %dma_start3A_159 = tpu.memref_squeeze %dma_start3A_158 : memref<1x640xf32, #tpu.memory_space<vmem>> -> memref<640xf32, #tpu.memory_space<vmem>>
      %dma_start3A_160 = tpu.memref_slice %arg10[%run_scoped3A_88, %mul3A_87] : memref<16x10240xf32, #tpu.memory_space<vmem_shared>> -> memref<1x640xf32, #tpu.memory_space<vmem_shared>>
      %dma_start3A_161 = tpu.memref_squeeze %dma_start3A_160 : memref<1x640xf32, #tpu.memory_space<vmem_shared>> -> memref<640xf32, #tpu.memory_space<vmem_shared>>
      tpu.enqueue_dma source(%dma_start3A_161 : memref<640xf32, #tpu.memory_space<vmem_shared>>) target(%dma_start3A_159 : memref<640xf32, #tpu.memory_space<vmem>>) target_semaphore(%run_scoped3A_151 : memref<!tpu.dma_semaphore, #tpu.memory_space<semaphore_mem>>)
      %dma_wait3A_162 = arith.constant 0 : i32
      %dma_wait3A_163 = tpu.memref_slice %arg9[%run_scoped3A_89, %dma_wait3A_162] : memref<16x640xf32, #tpu.memory_space<vmem>> -> memref<1x640xf32, #tpu.memory_space<vmem>>
      %dma_wait3A_164 = tpu.memref_squeeze %dma_wait3A_163 : memref<1x640xf32, #tpu.memory_space<vmem>> -> memref<640xf32, #tpu.memory_space<vmem>>
      %dma_wait3A_165 = tpu.memref_slice %arg10[%run_scoped3A_88, %mul3A_87] : memref<16x10240xf32, #tpu.memory_space<vmem_shared>> -> memref<1x640xf32, #tpu.memory_space<vmem_shared>>
      %dma_wait3A_166 = tpu.memref_squeeze %dma_wait3A_165 : memref<1x640xf32, #tpu.memory_space<vmem_shared>> -> memref<640xf32, #tpu.memory_space<vmem_shared>>
      %dma_wait3A_167 = arith.constant 0 : i32
      %dma_wait3A_168 = tpu.memref_slice %arg9[%run_scoped3A_89, %dma_wait3A_167] : memref<16x640xf32, #tpu.memory_space<vmem>> -> memref<1x640xf32, #tpu.memory_space<vmem>>
      %dma_wait3A_169 = tpu.memref_squeeze %dma_wait3A_168 : memref<1x640xf32, #tpu.memory_space<vmem>> -> memref<640xf32, #tpu.memory_space<vmem>>
      %dma_wait3A_170 = tpu.memref_slice %arg10[%run_scoped3A_88, %mul3A_87] : memref<16x10240xf32, #tpu.memory_space<vmem_shared>> -> memref<1x640xf32, #tpu.memory_space<vmem_shared>>
      %dma_wait3A_171 = tpu.memref_squeeze %dma_wait3A_170 : memref<1x640xf32, #tpu.memory_space<vmem_shared>> -> memref<640xf32, #tpu.memory_space<vmem_shared>>
      tpu.wait_dma2 semaphore(%run_scoped3A_151 : memref<!tpu.dma_semaphore, #tpu.memory_space<semaphore_mem>>) src(%dma_wait3A_171 : memref<640xf32, #tpu.memory_space<vmem_shared>>) dst(%dma_wait3A_169 : memref<640xf32, #tpu.memory_space<vmem>>)
      tpu.yield
    }) : () -> ()
    %mul3A_90 = arith.constant 640 : i32
    %mul3A_91 = arith.muli %arg1, %mul3A_90 : i32
    %run_scoped3A_92 = arith.constant 3 : i32
    %run_scoped3A_93 = arith.constant 3 : i32
    "tpu.region"() ({
      %run_scoped3A_151 = tpu.sem_alloc : memref<!tpu.dma_semaphore, #tpu.memory_space<semaphore_mem>>
      %dma_start3A_152 = arith.constant 0 : i32
      %dma_start3A_153 = tpu.memref_slice %arg9[%run_scoped3A_93, %dma_start3A_152] : memref<16x640xf32, #tpu.memory_space<vmem>> -> memref<1x640xf32, #tpu.memory_space<vmem>>
      %dma_start3A_154 = tpu.memref_squeeze %dma_start3A_153 : memref<1x640xf32, #tpu.memory_space<vmem>> -> memref<640xf32, #tpu.memory_space<vmem>>
      %dma_start3A_155 = tpu.memref_slice %arg10[%run_scoped3A_92, %mul3A_91] : memref<16x10240xf32, #tpu.memory_space<vmem_shared>> -> memref<1x640xf32, #tpu.memory_space<vmem_shared>>
      %dma_start3A_156 = tpu.memref_squeeze %dma_start3A_155 : memref<1x640xf32, #tpu.memory_space<vmem_shared>> -> memref<640xf32, #tpu.memory_space<vmem_shared>>
      %dma_start3A_157 = arith.constant 0 : i32
      %dma_start3A_158 = tpu.memref_slice %arg9[%run_scoped3A_93, %dma_start3A_157] : memref<16x640xf32, #tpu.memory_space<vmem>> -> memref<1x640xf32, #tpu.memory_space<vmem>>
      %dma_start3A_159 = tpu.memref_squeeze %dma_start3A_158 : memref<1x640xf32, #tpu.memory_space<vmem>> -> memref<640xf32, #tpu.memory_space<vmem>>
      %dma_start3A_160 = tpu.memref_slice %arg10[%run_scoped3A_92, %mul3A_91] : memref<16x10240xf32, #tpu.memory_space<vmem_shared>> -> memref<1x640xf32, #tpu.memory_space<vmem_shared>>
      %dma_start3A_161 = tpu.memref_squeeze %dma_start3A_160 : memref<1x640xf32, #tpu.memory_space<vmem_shared>> -> memref<640xf32, #tpu.memory_space<vmem_shared>>
      tpu.enqueue_dma source(%dma_start3A_161 : memref<640xf32, #tpu.memory_space<vmem_shared>>) target(%dma_start3A_159 : memref<640xf32, #tpu.memory_space<vmem>>) target_semaphore(%run_scoped3A_151 : memref<!tpu.dma_semaphore, #tpu.memory_space<semaphore_mem>>)
      %dma_wait3A_162 = arith.constant 0 : i32
      %dma_wait3A_163 = tpu.memref_slice %arg9[%run_scoped3A_93, %dma_wait3A_162] : memref<16x640xf32, #tpu.memory_space<vmem>> -> memref<1x640xf32, #tpu.memory_space<vmem>>
      %dma_wait3A_164 = tpu.memref_squeeze %dma_wait3A_163 : memref<1x640xf32, #tpu.memory_space<vmem>> -> memref<640xf32, #tpu.memory_space<vmem>>
      %dma_wait3A_165 = tpu.memref_slice %arg10[%run_scoped3A_92, %mul3A_91] : memref<16x10240xf32, #tpu.memory_space<vmem_shared>> -> memref<1x640xf32, #tpu.memory_space<vmem_shared>>
      %dma_wait3A_166 = tpu.memref_squeeze %dma_wait3A_165 : memref<1x640xf32, #tpu.memory_space<vmem_shared>> -> memref<640xf32, #tpu.memory_space<vmem_shared>>
      %dma_wait3A_167 = arith.constant 0 : i32
      %dma_wait3A_168 = tpu.memref_slice %arg9[%run_scoped3A_93, %dma_wait3A_167] : memref<16x640xf32, #tpu.memory_space<vmem>> -> memref<1x640xf32, #tpu.memory_space<vmem>>
      %dma_wait3A_169 = tpu.memref_squeeze %dma_wait3A_168 : memref<1x640xf32, #tpu.memory_space<vmem>> -> memref<640xf32, #tpu.memory_space<vmem>>
      %dma_wait3A_170 = tpu.memref_slice %arg10[%run_scoped3A_92, %mul3A_91] : memref<16x10240xf32, #tpu.memory_space<vmem_shared>> -> memref<1x640xf32, #tpu.memory_space<vmem_shared>>
      %dma_wait3A_171 = tpu.memref_squeeze %dma_wait3A_170 : memref<1x640xf32, #tpu.memory_space<vmem_shared>> -> memref<640xf32, #tpu.memory_space<vmem_shared>>
      tpu.wait_dma2 semaphore(%run_scoped3A_151 : memref<!tpu.dma_semaphore, #tpu.memory_space<semaphore_mem>>) src(%dma_wait3A_171 : memref<640xf32, #tpu.memory_space<vmem_shared>>) dst(%dma_wait3A_169 : memref<640xf32, #tpu.memory_space<vmem>>)
      tpu.yield
    }) : () -> ()
    %mul3A_94 = arith.constant 640 : i32
    %mul3A_95 = arith.muli %arg1, %mul3A_94 : i32
    %run_scoped3A_96 = arith.constant 4 : i32
    %run_scoped3A_97 = arith.constant 4 : i32
    "tpu.region"() ({
      %run_scoped3A_151 = tpu.sem_alloc : memref<!tpu.dma_semaphore, #tpu.memory_space<semaphore_mem>>
      %dma_start3A_152 = arith.constant 0 : i32
      %dma_start3A_153 = tpu.memref_slice %arg9[%run_scoped3A_97, %dma_start3A_152] : memref<16x640xf32, #tpu.memory_space<vmem>> -> memref<1x640xf32, #tpu.memory_space<vmem>>
      %dma_start3A_154 = tpu.memref_squeeze %dma_start3A_153 : memref<1x640xf32, #tpu.memory_space<vmem>> -> memref<640xf32, #tpu.memory_space<vmem>>
      %dma_start3A_155 = tpu.memref_slice %arg10[%run_scoped3A_96, %mul3A_95] : memref<16x10240xf32, #tpu.memory_space<vmem_shared>> -> memref<1x640xf32, #tpu.memory_space<vmem_shared>>
      %dma_start3A_156 = tpu.memref_squeeze %dma_start3A_155 : memref<1x640xf32, #tpu.memory_space<vmem_shared>> -> memref<640xf32, #tpu.memory_space<vmem_shared>>
      %dma_start3A_157 = arith.constant 0 : i32
      %dma_start3A_158 = tpu.memref_slice %arg9[%run_scoped3A_97, %dma_start3A_157] : memref<16x640xf32, #tpu.memory_space<vmem>> -> memref<1x640xf32, #tpu.memory_space<vmem>>
      %dma_start3A_159 = tpu.memref_squeeze %dma_start3A_158 : memref<1x640xf32, #tpu.memory_space<vmem>> -> memref<640xf32, #tpu.memory_space<vmem>>
      %dma_start3A_160 = tpu.memref_slice %arg10[%run_scoped3A_96, %mul3A_95] : memref<16x10240xf32, #tpu.memory_space<vmem_shared>> -> memref<1x640xf32, #tpu.memory_space<vmem_shared>>
      %dma_start3A_161 = tpu.memref_squeeze %dma_start3A_160 : memref<1x640xf32, #tpu.memory_space<vmem_shared>> -> memref<640xf32, #tpu.memory_space<vmem_shared>>
      tpu.enqueue_dma source(%dma_start3A_161 : memref<640xf32, #tpu.memory_space<vmem_shared>>) target(%dma_start3A_159 : memref<640xf32, #tpu.memory_space<vmem>>) target_semaphore(%run_scoped3A_151 : memref<!tpu.dma_semaphore, #tpu.memory_space<semaphore_mem>>)
      %dma_wait3A_162 = arith.constant 0 : i32
      %dma_wait3A_163 = tpu.memref_slice %arg9[%run_scoped3A_97, %dma_wait3A_162] : memref<16x640xf32, #tpu.memory_space<vmem>> -> memref<1x640xf32, #tpu.memory_space<vmem>>
      %dma_wait3A_164 = tpu.memref_squeeze %dma_wait3A_163 : memref<1x640xf32, #tpu.memory_space<vmem>> -> memref<640xf32, #tpu.memory_space<vmem>>
      %dma_wait3A_165 = tpu.memref_slice %arg10[%run_scoped3A_96, %mul3A_95] : memref<16x10240xf32, #tpu.memory_space<vmem_shared>> -> memref<1x640xf32, #tpu.memory_space<vmem_shared>>
      %dma_wait3A_166 = tpu.memref_squeeze %dma_wait3A_165 : memref<1x640xf32, #tpu.memory_space<vmem_shared>> -> memref<640xf32, #tpu.memory_space<vmem_shared>>
      %dma_wait3A_167 = arith.constant 0 : i32
      %dma_wait3A_168 = tpu.memref_slice %arg9[%run_scoped3A_97, %dma_wait3A_167] : memref<16x640xf32, #tpu.memory_space<vmem>> -> memref<1x640xf32, #tpu.memory_space<vmem>>
      %dma_wait3A_169 = tpu.memref_squeeze %dma_wait3A_168 : memref<1x640xf32, #tpu.memory_space<vmem>> -> memref<640xf32, #tpu.memory_space<vmem>>
      %dma_wait3A_170 = tpu.memref_slice %arg10[%run_scoped3A_96, %mul3A_95] : memref<16x10240xf32, #tpu.memory_space<vmem_shared>> -> memref<1x640xf32, #tpu.memory_space<vmem_shared>>
      %dma_wait3A_171 = tpu.memref_squeeze %dma_wait3A_170 : memref<1x640xf32, #tpu.memory_space<vmem_shared>> -> memref<640xf32, #tpu.memory_space<vmem_shared>>
      tpu.wait_dma2 semaphore(%run_scoped3A_151 : memref<!tpu.dma_semaphore, #tpu.memory_space<semaphore_mem>>) src(%dma_wait3A_171 : memref<640xf32, #tpu.memory_space<vmem_shared>>) dst(%dma_wait3A_169 : memref<640xf32, #tpu.memory_space<vmem>>)
      tpu.yield
    }) : () -> ()
    %mul3A_98 = arith.constant 640 : i32
    %mul3A_99 = arith.muli %arg1, %mul3A_98 : i32
    %run_scoped3A_100 = arith.constant 5 : i32
    %run_scoped3A_101 = arith.constant 5 : i32
    "tpu.region"() ({
      %run_scoped3A_151 = tpu.sem_alloc : memref<!tpu.dma_semaphore, #tpu.memory_space<semaphore_mem>>
      %dma_start3A_152 = arith.constant 0 : i32
      %dma_start3A_153 = tpu.memref_slice %arg9[%run_scoped3A_101, %dma_start3A_152] : memref<16x640xf32, #tpu.memory_space<vmem>> -> memref<1x640xf32, #tpu.memory_space<vmem>>
      %dma_start3A_154 = tpu.memref_squeeze %dma_start3A_153 : memref<1x640xf32, #tpu.memory_space<vmem>> -> memref<640xf32, #tpu.memory_space<vmem>>
      %dma_start3A_155 = tpu.memref_slice %arg10[%run_scoped3A_100, %mul3A_99] : memref<16x10240xf32, #tpu.memory_space<vmem_shared>> -> memref<1x640xf32, #tpu.memory_space<vmem_shared>>
      %dma_start3A_156 = tpu.memref_squeeze %dma_start3A_155 : memref<1x640xf32, #tpu.memory_space<vmem_shared>> -> memref<640xf32, #tpu.memory_space<vmem_shared>>
      %dma_start3A_157 = arith.constant 0 : i32
      %dma_start3A_158 = tpu.memref_slice %arg9[%run_scoped3A_101, %dma_start3A_157] : memref<16x640xf32, #tpu.memory_space<vmem>> -> memref<1x640xf32, #tpu.memory_space<vmem>>
      %dma_start3A_159 = tpu.memref_squeeze %dma_start3A_158 : memref<1x640xf32, #tpu.memory_space<vmem>> -> memref<640xf32, #tpu.memory_space<vmem>>
      %dma_start3A_160 = tpu.memref_slice %arg10[%run_scoped3A_100, %mul3A_99] : memref<16x10240xf32, #tpu.memory_space<vmem_shared>> -> memref<1x640xf32, #tpu.memory_space<vmem_shared>>
      %dma_start3A_161 = tpu.memref_squeeze %dma_start3A_160 : memref<1x640xf32, #tpu.memory_space<vmem_shared>> -> memref<640xf32, #tpu.memory_space<vmem_shared>>
      tpu.enqueue_dma source(%dma_start3A_161 : memref<640xf32, #tpu.memory_space<vmem_shared>>) target(%dma_start3A_159 : memref<640xf32, #tpu.memory_space<vmem>>) target_semaphore(%run_scoped3A_151 : memref<!tpu.dma_semaphore, #tpu.memory_space<semaphore_mem>>)
      %dma_wait3A_162 = arith.constant 0 : i32
      %dma_wait3A_163 = tpu.memref_slice %arg9[%run_scoped3A_101, %dma_wait3A_162] : memref<16x640xf32, #tpu.memory_space<vmem>> -> memref<1x640xf32, #tpu.memory_space<vmem>>
      %dma_wait3A_164 = tpu.memref_squeeze %dma_wait3A_163 : memref<1x640xf32, #tpu.memory_space<vmem>> -> memref<640xf32, #tpu.memory_space<vmem>>
      %dma_wait3A_165 = tpu.memref_slice %arg10[%run_scoped3A_100, %mul3A_99] : memref<16x10240xf32, #tpu.memory_space<vmem_shared>> -> memref<1x640xf32, #tpu.memory_space<vmem_shared>>
      %dma_wait3A_166 = tpu.memref_squeeze %dma_wait3A_165 : memref<1x640xf32, #tpu.memory_space<vmem_shared>> -> memref<640xf32, #tpu.memory_space<vmem_shared>>
      %dma_wait3A_167 = arith.constant 0 : i32
      %dma_wait3A_168 = tpu.memref_slice %arg9[%run_scoped3A_101, %dma_wait3A_167] : memref<16x640xf32, #tpu.memory_space<vmem>> -> memref<1x640xf32, #tpu.memory_space<vmem>>
      %dma_wait3A_169 = tpu.memref_squeeze %dma_wait3A_168 : memref<1x640xf32, #tpu.memory_space<vmem>> -> memref<640xf32, #tpu.memory_space<vmem>>
      %dma_wait3A_170 = tpu.memref_slice %arg10[%run_scoped3A_100, %mul3A_99] : memref<16x10240xf32, #tpu.memory_space<vmem_shared>> -> memref<1x640xf32, #tpu.memory_space<vmem_shared>>
      %dma_wait3A_171 = tpu.memref_squeeze %dma_wait3A_170 : memref<1x640xf32, #tpu.memory_space<vmem_shared>> -> memref<640xf32, #tpu.memory_space<vmem_shared>>
      tpu.wait_dma2 semaphore(%run_scoped3A_151 : memref<!tpu.dma_semaphore, #tpu.memory_space<semaphore_mem>>) src(%dma_wait3A_171 : memref<640xf32, #tpu.memory_space<vmem_shared>>) dst(%dma_wait3A_169 : memref<640xf32, #tpu.memory_space<vmem>>)
      tpu.yield
    }) : () -> ()
    %mul3A_102 = arith.constant 640 : i32
    %mul3A_103 = arith.muli %arg1, %mul3A_102 : i32
    %run_scoped3A_104 = arith.constant 6 : i32
    %run_scoped3A_105 = arith.constant 6 : i32
    "tpu.region"() ({
      %run_scoped3A_151 = tpu.sem_alloc : memref<!tpu.dma_semaphore, #tpu.memory_space<semaphore_mem>>
      %dma_start3A_152 = arith.constant 0 : i32
      %dma_start3A_153 = tpu.memref_slice %arg9[%run_scoped3A_105, %dma_start3A_152] : memref<16x640xf32, #tpu.memory_space<vmem>> -> memref<1x640xf32, #tpu.memory_space<vmem>>
      %dma_start3A_154 = tpu.memref_squeeze %dma_start3A_153 : memref<1x640xf32, #tpu.memory_space<vmem>> -> memref<640xf32, #tpu.memory_space<vmem>>
      %dma_start3A_155 = tpu.memref_slice %arg10[%run_scoped3A_104, %mul3A_103] : memref<16x10240xf32, #tpu.memory_space<vmem_shared>> -> memref<1x640xf32, #tpu.memory_space<vmem_shared>>
      %dma_start3A_156 = tpu.memref_squeeze %dma_start3A_155 : memref<1x640xf32, #tpu.memory_space<vmem_shared>> -> memref<640xf32, #tpu.memory_space<vmem_shared>>
      %dma_start3A_157 = arith.constant 0 : i32
      %dma_start3A_158 = tpu.memref_slice %arg9[%run_scoped3A_105, %dma_start3A_157] : memref<16x640xf32, #tpu.memory_space<vmem>> -> memref<1x640xf32, #tpu.memory_space<vmem>>
      %dma_start3A_159 = tpu.memref_squeeze %dma_start3A_158 : memref<1x640xf32, #tpu.memory_space<vmem>> -> memref<640xf32, #tpu.memory_space<vmem>>
      %dma_start3A_160 = tpu.memref_slice %arg10[%run_scoped3A_104, %mul3A_103] : memref<16x10240xf32, #tpu.memory_space<vmem_shared>> -> memref<1x640xf32, #tpu.memory_space<vmem_shared>>
      %dma_start3A_161 = tpu.memref_squeeze %dma_start3A_160 : memref<1x640xf32, #tpu.memory_space<vmem_shared>> -> memref<640xf32, #tpu.memory_space<vmem_shared>>
      tpu.enqueue_dma source(%dma_start3A_161 : memref<640xf32, #tpu.memory_space<vmem_shared>>) target(%dma_start3A_159 : memref<640xf32, #tpu.memory_space<vmem>>) target_semaphore(%run_scoped3A_151 : memref<!tpu.dma_semaphore, #tpu.memory_space<semaphore_mem>>)
      %dma_wait3A_162 = arith.constant 0 : i32
      %dma_wait3A_163 = tpu.memref_slice %arg9[%run_scoped3A_105, %dma_wait3A_162] : memref<16x640xf32, #tpu.memory_space<vmem>> -> memref<1x640xf32, #tpu.memory_space<vmem>>
      %dma_wait3A_164 = tpu.memref_squeeze %dma_wait3A_163 : memref<1x640xf32, #tpu.memory_space<vmem>> -> memref<640xf32, #tpu.memory_space<vmem>>
      %dma_wait3A_165 = tpu.memref_slice %arg10[%run_scoped3A_104, %mul3A_103] : memref<16x10240xf32, #tpu.memory_space<vmem_shared>> -> memref<1x640xf32, #tpu.memory_space<vmem_shared>>
      %dma_wait3A_166 = tpu.memref_squeeze %dma_wait3A_165 : memref<1x640xf32, #tpu.memory_space<vmem_shared>> -> memref<640xf32, #tpu.memory_space<vmem_shared>>
      %dma_wait3A_167 = arith.constant 0 : i32
      %dma_wait3A_168 = tpu.memref_slice %arg9[%run_scoped3A_105, %dma_wait3A_167] : memref<16x640xf32, #tpu.memory_space<vmem>> -> memref<1x640xf32, #tpu.memory_space<vmem>>
      %dma_wait3A_169 = tpu.memref_squeeze %dma_wait3A_168 : memref<1x640xf32, #tpu.memory_space<vmem>> -> memref<640xf32, #tpu.memory_space<vmem>>
      %dma_wait3A_170 = tpu.memref_slice %arg10[%run_scoped3A_104, %mul3A_103] : memref<16x10240xf32, #tpu.memory_space<vmem_shared>> -> memref<1x640xf32, #tpu.memory_space<vmem_shared>>
      %dma_wait3A_171 = tpu.memref_squeeze %dma_wait3A_170 : memref<1x640xf32, #tpu.memory_space<vmem_shared>> -> memref<640xf32, #tpu.memory_space<vmem_shared>>
      tpu.wait_dma2 semaphore(%run_scoped3A_151 : memref<!tpu.dma_semaphore, #tpu.memory_space<semaphore_mem>>) src(%dma_wait3A_171 : memref<640xf32, #tpu.memory_space<vmem_shared>>) dst(%dma_wait3A_169 : memref<640xf32, #tpu.memory_space<vmem>>)
      tpu.yield
    }) : () -> ()
    %mul3A_106 = arith.constant 640 : i32
    %mul3A_107 = arith.muli %arg1, %mul3A_106 : i32
    %run_scoped3A_108 = arith.constant 7 : i32
    %run_scoped3A_109 = arith.constant 7 : i32
    "tpu.region"() ({
      %run_scoped3A_151 = tpu.sem_alloc : memref<!tpu.dma_semaphore, #tpu.memory_space<semaphore_mem>>
      %dma_start3A_152 = arith.constant 0 : i32
      %dma_start3A_153 = tpu.memref_slice %arg9[%run_scoped3A_109, %dma_start3A_152] : memref<16x640xf32, #tpu.memory_space<vmem>> -> memref<1x640xf32, #tpu.memory_space<vmem>>
      %dma_start3A_154 = tpu.memref_squeeze %dma_start3A_153 : memref<1x640xf32, #tpu.memory_space<vmem>> -> memref<640xf32, #tpu.memory_space<vmem>>
      %dma_start3A_155 = tpu.memref_slice %arg10[%run_scoped3A_108, %mul3A_107] : memref<16x10240xf32, #tpu.memory_space<vmem_shared>> -> memref<1x640xf32, #tpu.memory_space<vmem_shared>>
      %dma_start3A_156 = tpu.memref_squeeze %dma_start3A_155 : memref<1x640xf32, #tpu.memory_space<vmem_shared>> -> memref<640xf32, #tpu.memory_space<vmem_shared>>
      %dma_start3A_157 = arith.constant 0 : i32
      %dma_start3A_158 = tpu.memref_slice %arg9[%run_scoped3A_109, %dma_start3A_157] : memref<16x640xf32, #tpu.memory_space<vmem>> -> memref<1x640xf32, #tpu.memory_space<vmem>>
      %dma_start3A_159 = tpu.memref_squeeze %dma_start3A_158 : memref<1x640xf32, #tpu.memory_space<vmem>> -> memref<640xf32, #tpu.memory_space<vmem>>
      %dma_start3A_160 = tpu.memref_slice %arg10[%run_scoped3A_108, %mul3A_107] : memref<16x10240xf32, #tpu.memory_space<vmem_shared>> -> memref<1x640xf32, #tpu.memory_space<vmem_shared>>
      %dma_start3A_161 = tpu.memref_squeeze %dma_start3A_160 : memref<1x640xf32, #tpu.memory_space<vmem_shared>> -> memref<640xf32, #tpu.memory_space<vmem_shared>>
      tpu.enqueue_dma source(%dma_start3A_161 : memref<640xf32, #tpu.memory_space<vmem_shared>>) target(%dma_start3A_159 : memref<640xf32, #tpu.memory_space<vmem>>) target_semaphore(%run_scoped3A_151 : memref<!tpu.dma_semaphore, #tpu.memory_space<semaphore_mem>>)
      %dma_wait3A_162 = arith.constant 0 : i32
      %dma_wait3A_163 = tpu.memref_slice %arg9[%run_scoped3A_109, %dma_wait3A_162] : memref<16x640xf32, #tpu.memory_space<vmem>> -> memref<1x640xf32, #tpu.memory_space<vmem>>
      %dma_wait3A_164 = tpu.memref_squeeze %dma_wait3A_163 : memref<1x640xf32, #tpu.memory_space<vmem>> -> memref<640xf32, #tpu.memory_space<vmem>>
      %dma_wait3A_165 = tpu.memref_slice %arg10[%run_scoped3A_108, %mul3A_107] : memref<16x10240xf32, #tpu.memory_space<vmem_shared>> -> memref<1x640xf32, #tpu.memory_space<vmem_shared>>
      %dma_wait3A_166 = tpu.memref_squeeze %dma_wait3A_165 : memref<1x640xf32, #tpu.memory_space<vmem_shared>> -> memref<640xf32, #tpu.memory_space<vmem_shared>>
      %dma_wait3A_167 = arith.constant 0 : i32
      %dma_wait3A_168 = tpu.memref_slice %arg9[%run_scoped3A_109, %dma_wait3A_167] : memref<16x640xf32, #tpu.memory_space<vmem>> -> memref<1x640xf32, #tpu.memory_space<vmem>>
      %dma_wait3A_169 = tpu.memref_squeeze %dma_wait3A_168 : memref<1x640xf32, #tpu.memory_space<vmem>> -> memref<640xf32, #tpu.memory_space<vmem>>
      %dma_wait3A_170 = tpu.memref_slice %arg10[%run_scoped3A_108, %mul3A_107] : memref<16x10240xf32, #tpu.memory_space<vmem_shared>> -> memref<1x640xf32, #tpu.memory_space<vmem_shared>>
      %dma_wait3A_171 = tpu.memref_squeeze %dma_wait3A_170 : memref<1x640xf32, #tpu.memory_space<vmem_shared>> -> memref<640xf32, #tpu.memory_space<vmem_shared>>
      tpu.wait_dma2 semaphore(%run_scoped3A_151 : memref<!tpu.dma_semaphore, #tpu.memory_space<semaphore_mem>>) src(%dma_wait3A_171 : memref<640xf32, #tpu.memory_space<vmem_shared>>) dst(%dma_wait3A_169 : memref<640xf32, #tpu.memory_space<vmem>>)
      tpu.yield
    }) : () -> ()
    %mul3A_110 = arith.constant 640 : i32
    %mul3A_111 = arith.muli %arg1, %mul3A_110 : i32
    %run_scoped3A_112 = arith.constant 8 : i32
    %run_scoped3A_113 = arith.constant 8 : i32
    "tpu.region"() ({
      %run_scoped3A_151 = tpu.sem_alloc : memref<!tpu.dma_semaphore, #tpu.memory_space<semaphore_mem>>
      %dma_start3A_152 = arith.constant 0 : i32
      %dma_start3A_153 = tpu.memref_slice %arg9[%run_scoped3A_113, %dma_start3A_152] : memref<16x640xf32, #tpu.memory_space<vmem>> -> memref<1x640xf32, #tpu.memory_space<vmem>>
      %dma_start3A_154 = tpu.memref_squeeze %dma_start3A_153 : memref<1x640xf32, #tpu.memory_space<vmem>> -> memref<640xf32, #tpu.memory_space<vmem>>
      %dma_start3A_155 = tpu.memref_slice %arg10[%run_scoped3A_112, %mul3A_111] : memref<16x10240xf32, #tpu.memory_space<vmem_shared>> -> memref<1x640xf32, #tpu.memory_space<vmem_shared>>
      %dma_start3A_156 = tpu.memref_squeeze %dma_start3A_155 : memref<1x640xf32, #tpu.memory_space<vmem_shared>> -> memref<640xf32, #tpu.memory_space<vmem_shared>>
      %dma_start3A_157 = arith.constant 0 : i32
      %dma_start3A_158 = tpu.memref_slice %arg9[%run_scoped3A_113, %dma_start3A_157] : memref<16x640xf32, #tpu.memory_space<vmem>> -> memref<1x640xf32, #tpu.memory_space<vmem>>
      %dma_start3A_159 = tpu.memref_squeeze %dma_start3A_158 : memref<1x640xf32, #tpu.memory_space<vmem>> -> memref<640xf32, #tpu.memory_space<vmem>>
      %dma_start3A_160 = tpu.memref_slice %arg10[%run_scoped3A_112, %mul3A_111] : memref<16x10240xf32, #tpu.memory_space<vmem_shared>> -> memref<1x640xf32, #tpu.memory_space<vmem_shared>>
      %dma_start3A_161 = tpu.memref_squeeze %dma_start3A_160 : memref<1x640xf32, #tpu.memory_space<vmem_shared>> -> memref<640xf32, #tpu.memory_space<vmem_shared>>
      tpu.enqueue_dma source(%dma_start3A_161 : memref<640xf32, #tpu.memory_space<vmem_shared>>) target(%dma_start3A_159 : memref<640xf32, #tpu.memory_space<vmem>>) target_semaphore(%run_scoped3A_151 : memref<!tpu.dma_semaphore, #tpu.memory_space<semaphore_mem>>)
      %dma_wait3A_162 = arith.constant 0 : i32
      %dma_wait3A_163 = tpu.memref_slice %arg9[%run_scoped3A_113, %dma_wait3A_162] : memref<16x640xf32, #tpu.memory_space<vmem>> -> memref<1x640xf32, #tpu.memory_space<vmem>>
      %dma_wait3A_164 = tpu.memref_squeeze %dma_wait3A_163 : memref<1x640xf32, #tpu.memory_space<vmem>> -> memref<640xf32, #tpu.memory_space<vmem>>
      %dma_wait3A_165 = tpu.memref_slice %arg10[%run_scoped3A_112, %mul3A_111] : memref<16x10240xf32, #tpu.memory_space<vmem_shared>> -> memref<1x640xf32, #tpu.memory_space<vmem_shared>>
      %dma_wait3A_166 = tpu.memref_squeeze %dma_wait3A_165 : memref<1x640xf32, #tpu.memory_space<vmem_shared>> -> memref<640xf32, #tpu.memory_space<vmem_shared>>
      %dma_wait3A_167 = arith.constant 0 : i32
      %dma_wait3A_168 = tpu.memref_slice %arg9[%run_scoped3A_113, %dma_wait3A_167] : memref<16x640xf32, #tpu.memory_space<vmem>> -> memref<1x640xf32, #tpu.memory_space<vmem>>
      %dma_wait3A_169 = tpu.memref_squeeze %dma_wait3A_168 : memref<1x640xf32, #tpu.memory_space<vmem>> -> memref<640xf32, #tpu.memory_space<vmem>>
      %dma_wait3A_170 = tpu.memref_slice %arg10[%run_scoped3A_112, %mul3A_111] : memref<16x10240xf32, #tpu.memory_space<vmem_shared>> -> memref<1x640xf32, #tpu.memory_space<vmem_shared>>
      %dma_wait3A_171 = tpu.memref_squeeze %dma_wait3A_170 : memref<1x640xf32, #tpu.memory_space<vmem_shared>> -> memref<640xf32, #tpu.memory_space<vmem_shared>>
      tpu.wait_dma2 semaphore(%run_scoped3A_151 : memref<!tpu.dma_semaphore, #tpu.memory_space<semaphore_mem>>) src(%dma_wait3A_171 : memref<640xf32, #tpu.memory_space<vmem_shared>>) dst(%dma_wait3A_169 : memref<640xf32, #tpu.memory_space<vmem>>)
      tpu.yield
    }) : () -> ()
    %mul3A_114 = arith.constant 640 : i32
    %mul3A_115 = arith.muli %arg1, %mul3A_114 : i32
    %run_scoped3A_116 = arith.constant 9 : i32
    %run_scoped3A_117 = arith.constant 9 : i32
    "tpu.region"() ({
      %run_scoped3A_151 = tpu.sem_alloc : memref<!tpu.dma_semaphore, #tpu.memory_space<semaphore_mem>>
      %dma_start3A_152 = arith.constant 0 : i32
      %dma_start3A_153 = tpu.memref_slice %arg9[%run_scoped3A_117, %dma_start3A_152] : memref<16x640xf32, #tpu.memory_space<vmem>> -> memref<1x640xf32, #tpu.memory_space<vmem>>
      %dma_start3A_154 = tpu.memref_squeeze %dma_start3A_153 : memref<1x640xf32, #tpu.memory_space<vmem>> -> memref<640xf32, #tpu.memory_space<vmem>>
      %dma_start3A_155 = tpu.memref_slice %arg10[%run_scoped3A_116, %mul3A_115] : memref<16x10240xf32, #tpu.memory_space<vmem_shared>> -> memref<1x640xf32, #tpu.memory_space<vmem_shared>>
      %dma_start3A_156 = tpu.memref_squeeze %dma_start3A_155 : memref<1x640xf32, #tpu.memory_space<vmem_shared>> -> memref<640xf32, #tpu.memory_space<vmem_shared>>
      %dma_start3A_157 = arith.constant 0 : i32
      %dma_start3A_158 = tpu.memref_slice %arg9[%run_scoped3A_117, %dma_start3A_157] : memref<16x640xf32, #tpu.memory_space<vmem>> -> memref<1x640xf32, #tpu.memory_space<vmem>>
      %dma_start3A_159 = tpu.memref_squeeze %dma_start3A_158 : memref<1x640xf32, #tpu.memory_space<vmem>> -> memref<640xf32, #tpu.memory_space<vmem>>
      %dma_start3A_160 = tpu.memref_slice %arg10[%run_scoped3A_116, %mul3A_115] : memref<16x10240xf32, #tpu.memory_space<vmem_shared>> -> memref<1x640xf32, #tpu.memory_space<vmem_shared>>
      %dma_start3A_161 = tpu.memref_squeeze %dma_start3A_160 : memref<1x640xf32, #tpu.memory_space<vmem_shared>> -> memref<640xf32, #tpu.memory_space<vmem_shared>>
      tpu.enqueue_dma source(%dma_start3A_161 : memref<640xf32, #tpu.memory_space<vmem_shared>>) target(%dma_start3A_159 : memref<640xf32, #tpu.memory_space<vmem>>) target_semaphore(%run_scoped3A_151 : memref<!tpu.dma_semaphore, #tpu.memory_space<semaphore_mem>>)
      %dma_wait3A_162 = arith.constant 0 : i32
      %dma_wait3A_163 = tpu.memref_slice %arg9[%run_scoped3A_117, %dma_wait3A_162] : memref<16x640xf32, #tpu.memory_space<vmem>> -> memref<1x640xf32, #tpu.memory_space<vmem>>
      %dma_wait3A_164 = tpu.memref_squeeze %dma_wait3A_163 : memref<1x640xf32, #tpu.memory_space<vmem>> -> memref<640xf32, #tpu.memory_space<vmem>>
      %dma_wait3A_165 = tpu.memref_slice %arg10[%run_scoped3A_116, %mul3A_115] : memref<16x10240xf32, #tpu.memory_space<vmem_shared>> -> memref<1x640xf32, #tpu.memory_space<vmem_shared>>
      %dma_wait3A_166 = tpu.memref_squeeze %dma_wait3A_165 : memref<1x640xf32, #tpu.memory_space<vmem_shared>> -> memref<640xf32, #tpu.memory_space<vmem_shared>>
      %dma_wait3A_167 = arith.constant 0 : i32
      %dma_wait3A_168 = tpu.memref_slice %arg9[%run_scoped3A_117, %dma_wait3A_167] : memref<16x640xf32, #tpu.memory_space<vmem>> -> memref<1x640xf32, #tpu.memory_space<vmem>>
      %dma_wait3A_169 = tpu.memref_squeeze %dma_wait3A_168 : memref<1x640xf32, #tpu.memory_space<vmem>> -> memref<640xf32, #tpu.memory_space<vmem>>
      %dma_wait3A_170 = tpu.memref_slice %arg10[%run_scoped3A_116, %mul3A_115] : memref<16x10240xf32, #tpu.memory_space<vmem_shared>> -> memref<1x640xf32, #tpu.memory_space<vmem_shared>>
      %dma_wait3A_171 = tpu.memref_squeeze %dma_wait3A_170 : memref<1x640xf32, #tpu.memory_space<vmem_shared>> -> memref<640xf32, #tpu.memory_space<vmem_shared>>
      tpu.wait_dma2 semaphore(%run_scoped3A_151 : memref<!tpu.dma_semaphore, #tpu.memory_space<semaphore_mem>>) src(%dma_wait3A_171 : memref<640xf32, #tpu.memory_space<vmem_shared>>) dst(%dma_wait3A_169 : memref<640xf32, #tpu.memory_space<vmem>>)
      tpu.yield
    }) : () -> ()
    %mul3A_118 = arith.constant 640 : i32
    %mul3A_119 = arith.muli %arg1, %mul3A_118 : i32
    %run_scoped3A_120 = arith.constant 10 : i32
    %run_scoped3A_121 = arith.constant 10 : i32
    "tpu.region"() ({
      %run_scoped3A_151 = tpu.sem_alloc : memref<!tpu.dma_semaphore, #tpu.memory_space<semaphore_mem>>
      %dma_start3A_152 = arith.constant 0 : i32
      %dma_start3A_153 = tpu.memref_slice %arg9[%run_scoped3A_121, %dma_start3A_152] : memref<16x640xf32, #tpu.memory_space<vmem>> -> memref<1x640xf32, #tpu.memory_space<vmem>>
      %dma_start3A_154 = tpu.memref_squeeze %dma_start3A_153 : memref<1x640xf32, #tpu.memory_space<vmem>> -> memref<640xf32, #tpu.memory_space<vmem>>
      %dma_start3A_155 = tpu.memref_slice %arg10[%run_scoped3A_120, %mul3A_119] : memref<16x10240xf32, #tpu.memory_space<vmem_shared>> -> memref<1x640xf32, #tpu.memory_space<vmem_shared>>
      %dma_start3A_156 = tpu.memref_squeeze %dma_start3A_155 : memref<1x640xf32, #tpu.memory_space<vmem_shared>> -> memref<640xf32, #tpu.memory_space<vmem_shared>>
      %dma_start3A_157 = arith.constant 0 : i32
      %dma_start3A_158 = tpu.memref_slice %arg9[%run_scoped3A_121, %dma_start3A_157] : memref<16x640xf32, #tpu.memory_space<vmem>> -> memref<1x640xf32, #tpu.memory_space<vmem>>
      %dma_start3A_159 = tpu.memref_squeeze %dma_start3A_158 : memref<1x640xf32, #tpu.memory_space<vmem>> -> memref<640xf32, #tpu.memory_space<vmem>>
      %dma_start3A_160 = tpu.memref_slice %arg10[%run_scoped3A_120, %mul3A_119] : memref<16x10240xf32, #tpu.memory_space<vmem_shared>> -> memref<1x640xf32, #tpu.memory_space<vmem_shared>>
      %dma_start3A_161 = tpu.memref_squeeze %dma_start3A_160 : memref<1x640xf32, #tpu.memory_space<vmem_shared>> -> memref<640xf32, #tpu.memory_space<vmem_shared>>
      tpu.enqueue_dma source(%dma_start3A_161 : memref<640xf32, #tpu.memory_space<vmem_shared>>) target(%dma_start3A_159 : memref<640xf32, #tpu.memory_space<vmem>>) target_semaphore(%run_scoped3A_151 : memref<!tpu.dma_semaphore, #tpu.memory_space<semaphore_mem>>)
      %dma_wait3A_162 = arith.constant 0 : i32
      %dma_wait3A_163 = tpu.memref_slice %arg9[%run_scoped3A_121, %dma_wait3A_162] : memref<16x640xf32, #tpu.memory_space<vmem>> -> memref<1x640xf32, #tpu.memory_space<vmem>>
      %dma_wait3A_164 = tpu.memref_squeeze %dma_wait3A_163 : memref<1x640xf32, #tpu.memory_space<vmem>> -> memref<640xf32, #tpu.memory_space<vmem>>
      %dma_wait3A_165 = tpu.memref_slice %arg10[%run_scoped3A_120, %mul3A_119] : memref<16x10240xf32, #tpu.memory_space<vmem_shared>> -> memref<1x640xf32, #tpu.memory_space<vmem_shared>>
      %dma_wait3A_166 = tpu.memref_squeeze %dma_wait3A_165 : memref<1x640xf32, #tpu.memory_space<vmem_shared>> -> memref<640xf32, #tpu.memory_space<vmem_shared>>
      %dma_wait3A_167 = arith.constant 0 : i32
      %dma_wait3A_168 = tpu.memref_slice %arg9[%run_scoped3A_121, %dma_wait3A_167] : memref<16x640xf32, #tpu.memory_space<vmem>> -> memref<1x640xf32, #tpu.memory_space<vmem>>
      %dma_wait3A_169 = tpu.memref_squeeze %dma_wait3A_168 : memref<1x640xf32, #tpu.memory_space<vmem>> -> memref<640xf32, #tpu.memory_space<vmem>>
      %dma_wait3A_170 = tpu.memref_slice %arg10[%run_scoped3A_120, %mul3A_119] : memref<16x10240xf32, #tpu.memory_space<vmem_shared>> -> memref<1x640xf32, #tpu.memory_space<vmem_shared>>
      %dma_wait3A_171 = tpu.memref_squeeze %dma_wait3A_170 : memref<1x640xf32, #tpu.memory_space<vmem_shared>> -> memref<640xf32, #tpu.memory_space<vmem_shared>>
      tpu.wait_dma2 semaphore(%run_scoped3A_151 : memref<!tpu.dma_semaphore, #tpu.memory_space<semaphore_mem>>) src(%dma_wait3A_171 : memref<640xf32, #tpu.memory_space<vmem_shared>>) dst(%dma_wait3A_169 : memref<640xf32, #tpu.memory_space<vmem>>)
      tpu.yield
    }) : () -> ()
    %mul3A_122 = arith.constant 640 : i32
    %mul3A_123 = arith.muli %arg1, %mul3A_122 : i32
    %run_scoped3A_124 = arith.constant 11 : i32
    %run_scoped3A_125 = arith.constant 11 : i32
    "tpu.region"() ({
      %run_scoped3A_151 = tpu.sem_alloc : memref<!tpu.dma_semaphore, #tpu.memory_space<semaphore_mem>>
      %dma_start3A_152 = arith.constant 0 : i32
      %dma_start3A_153 = tpu.memref_slice %arg9[%run_scoped3A_125, %dma_start3A_152] : memref<16x640xf32, #tpu.memory_space<vmem>> -> memref<1x640xf32, #tpu.memory_space<vmem>>
      %dma_start3A_154 = tpu.memref_squeeze %dma_start3A_153 : memref<1x640xf32, #tpu.memory_space<vmem>> -> memref<640xf32, #tpu.memory_space<vmem>>
      %dma_start3A_155 = tpu.memref_slice %arg10[%run_scoped3A_124, %mul3A_123] : memref<16x10240xf32, #tpu.memory_space<vmem_shared>> -> memref<1x640xf32, #tpu.memory_space<vmem_shared>>
      %dma_start3A_156 = tpu.memref_squeeze %dma_start3A_155 : memref<1x640xf32, #tpu.memory_space<vmem_shared>> -> memref<640xf32, #tpu.memory_space<vmem_shared>>
      %dma_start3A_157 = arith.constant 0 : i32
      %dma_start3A_158 = tpu.memref_slice %arg9[%run_scoped3A_125, %dma_start3A_157] : memref<16x640xf32, #tpu.memory_space<vmem>> -> memref<1x640xf32, #tpu.memory_space<vmem>>
      %dma_start3A_159 = tpu.memref_squeeze %dma_start3A_158 : memref<1x640xf32, #tpu.memory_space<vmem>> -> memref<640xf32, #tpu.memory_space<vmem>>
      %dma_start3A_160 = tpu.memref_slice %arg10[%run_scoped3A_124, %mul3A_123] : memref<16x10240xf32, #tpu.memory_space<vmem_shared>> -> memref<1x640xf32, #tpu.memory_space<vmem_shared>>
      %dma_start3A_161 = tpu.memref_squeeze %dma_start3A_160 : memref<1x640xf32, #tpu.memory_space<vmem_shared>> -> memref<640xf32, #tpu.memory_space<vmem_shared>>
      tpu.enqueue_dma source(%dma_start3A_161 : memref<640xf32, #tpu.memory_space<vmem_shared>>) target(%dma_start3A_159 : memref<640xf32, #tpu.memory_space<vmem>>) target_semaphore(%run_scoped3A_151 : memref<!tpu.dma_semaphore, #tpu.memory_space<semaphore_mem>>)
      %dma_wait3A_162 = arith.constant 0 : i32
      %dma_wait3A_163 = tpu.memref_slice %arg9[%run_scoped3A_125, %dma_wait3A_162] : memref<16x640xf32, #tpu.memory_space<vmem>> -> memref<1x640xf32, #tpu.memory_space<vmem>>
      %dma_wait3A_164 = tpu.memref_squeeze %dma_wait3A_163 : memref<1x640xf32, #tpu.memory_space<vmem>> -> memref<640xf32, #tpu.memory_space<vmem>>
      %dma_wait3A_165 = tpu.memref_slice %arg10[%run_scoped3A_124, %mul3A_123] : memref<16x10240xf32, #tpu.memory_space<vmem_shared>> -> memref<1x640xf32, #tpu.memory_space<vmem_shared>>
      %dma_wait3A_166 = tpu.memref_squeeze %dma_wait3A_165 : memref<1x640xf32, #tpu.memory_space<vmem_shared>> -> memref<640xf32, #tpu.memory_space<vmem_shared>>
      %dma_wait3A_167 = arith.constant 0 : i32
      %dma_wait3A_168 = tpu.memref_slice %arg9[%run_scoped3A_125, %dma_wait3A_167] : memref<16x640xf32, #tpu.memory_space<vmem>> -> memref<1x640xf32, #tpu.memory_space<vmem>>
      %dma_wait3A_169 = tpu.memref_squeeze %dma_wait3A_168 : memref<1x640xf32, #tpu.memory_space<vmem>> -> memref<640xf32, #tpu.memory_space<vmem>>
      %dma_wait3A_170 = tpu.memref_slice %arg10[%run_scoped3A_124, %mul3A_123] : memref<16x10240xf32, #tpu.memory_space<vmem_shared>> -> memref<1x640xf32, #tpu.memory_space<vmem_shared>>
      %dma_wait3A_171 = tpu.memref_squeeze %dma_wait3A_170 : memref<1x640xf32, #tpu.memory_space<vmem_shared>> -> memref<640xf32, #tpu.memory_space<vmem_shared>>
      tpu.wait_dma2 semaphore(%run_scoped3A_151 : memref<!tpu.dma_semaphore, #tpu.memory_space<semaphore_mem>>) src(%dma_wait3A_171 : memref<640xf32, #tpu.memory_space<vmem_shared>>) dst(%dma_wait3A_169 : memref<640xf32, #tpu.memory_space<vmem>>)
      tpu.yield
    }) : () -> ()
    %mul3A_126 = arith.constant 640 : i32
    %mul3A_127 = arith.muli %arg1, %mul3A_126 : i32
    %run_scoped3A_128 = arith.constant 12 : i32
    %run_scoped3A_129 = arith.constant 12 : i32
    "tpu.region"() ({
      %run_scoped3A_151 = tpu.sem_alloc : memref<!tpu.dma_semaphore, #tpu.memory_space<semaphore_mem>>
      %dma_start3A_152 = arith.constant 0 : i32
      %dma_start3A_153 = tpu.memref_slice %arg9[%run_scoped3A_129, %dma_start3A_152] : memref<16x640xf32, #tpu.memory_space<vmem>> -> memref<1x640xf32, #tpu.memory_space<vmem>>
      %dma_start3A_154 = tpu.memref_squeeze %dma_start3A_153 : memref<1x640xf32, #tpu.memory_space<vmem>> -> memref<640xf32, #tpu.memory_space<vmem>>
      %dma_start3A_155 = tpu.memref_slice %arg10[%run_scoped3A_128, %mul3A_127] : memref<16x10240xf32, #tpu.memory_space<vmem_shared>> -> memref<1x640xf32, #tpu.memory_space<vmem_shared>>
      %dma_start3A_156 = tpu.memref_squeeze %dma_start3A_155 : memref<1x640xf32, #tpu.memory_space<vmem_shared>> -> memref<640xf32, #tpu.memory_space<vmem_shared>>
      %dma_start3A_157 = arith.constant 0 : i32
      %dma_start3A_158 = tpu.memref_slice %arg9[%run_scoped3A_129, %dma_start3A_157] : memref<16x640xf32, #tpu.memory_space<vmem>> -> memref<1x640xf32, #tpu.memory_space<vmem>>
      %dma_start3A_159 = tpu.memref_squeeze %dma_start3A_158 : memref<1x640xf32, #tpu.memory_space<vmem>> -> memref<640xf32, #tpu.memory_space<vmem>>
      %dma_start3A_160 = tpu.memref_slice %arg10[%run_scoped3A_128, %mul3A_127] : memref<16x10240xf32, #tpu.memory_space<vmem_shared>> -> memref<1x640xf32, #tpu.memory_space<vmem_shared>>
      %dma_start3A_161 = tpu.memref_squeeze %dma_start3A_160 : memref<1x640xf32, #tpu.memory_space<vmem_shared>> -> memref<640xf32, #tpu.memory_space<vmem_shared>>
      tpu.enqueue_dma source(%dma_start3A_161 : memref<640xf32, #tpu.memory_space<vmem_shared>>) target(%dma_start3A_159 : memref<640xf32, #tpu.memory_space<vmem>>) target_semaphore(%run_scoped3A_151 : memref<!tpu.dma_semaphore, #tpu.memory_space<semaphore_mem>>)
      %dma_wait3A_162 = arith.constant 0 : i32
      %dma_wait3A_163 = tpu.memref_slice %arg9[%run_scoped3A_129, %dma_wait3A_162] : memref<16x640xf32, #tpu.memory_space<vmem>> -> memref<1x640xf32, #tpu.memory_space<vmem>>
      %dma_wait3A_164 = tpu.memref_squeeze %dma_wait3A_163 : memref<1x640xf32, #tpu.memory_space<vmem>> -> memref<640xf32, #tpu.memory_space<vmem>>
      %dma_wait3A_165 = tpu.memref_slice %arg10[%run_scoped3A_128, %mul3A_127] : memref<16x10240xf32, #tpu.memory_space<vmem_shared>> -> memref<1x640xf32, #tpu.memory_space<vmem_shared>>
      %dma_wait3A_166 = tpu.memref_squeeze %dma_wait3A_165 : memref<1x640xf32, #tpu.memory_space<vmem_shared>> -> memref<640xf32, #tpu.memory_space<vmem_shared>>
      %dma_wait3A_167 = arith.constant 0 : i32
      %dma_wait3A_168 = tpu.memref_slice %arg9[%run_scoped3A_129, %dma_wait3A_167] : memref<16x640xf32, #tpu.memory_space<vmem>> -> memref<1x640xf32, #tpu.memory_space<vmem>>
      %dma_wait3A_169 = tpu.memref_squeeze %dma_wait3A_168 : memref<1x640xf32, #tpu.memory_space<vmem>> -> memref<640xf32, #tpu.memory_space<vmem>>
      %dma_wait3A_170 = tpu.memref_slice %arg10[%run_scoped3A_128, %mul3A_127] : memref<16x10240xf32, #tpu.memory_space<vmem_shared>> -> memref<1x640xf32, #tpu.memory_space<vmem_shared>>
      %dma_wait3A_171 = tpu.memref_squeeze %dma_wait3A_170 : memref<1x640xf32, #tpu.memory_space<vmem_shared>> -> memref<640xf32, #tpu.memory_space<vmem_shared>>
      tpu.wait_dma2 semaphore(%run_scoped3A_151 : memref<!tpu.dma_semaphore, #tpu.memory_space<semaphore_mem>>) src(%dma_wait3A_171 : memref<640xf32, #tpu.memory_space<vmem_shared>>) dst(%dma_wait3A_169 : memref<640xf32, #tpu.memory_space<vmem>>)
      tpu.yield
    }) : () -> ()
    %mul3A_130 = arith.constant 640 : i32
    %mul3A_131 = arith.muli %arg1, %mul3A_130 : i32
    %run_scoped3A_132 = arith.constant 13 : i32
    %run_scoped3A_133 = arith.constant 13 : i32
    "tpu.region"() ({
      %run_scoped3A_151 = tpu.sem_alloc : memref<!tpu.dma_semaphore, #tpu.memory_space<semaphore_mem>>
      %dma_start3A_152 = arith.constant 0 : i32
      %dma_start3A_153 = tpu.memref_slice %arg9[%run_scoped3A_133, %dma_start3A_152] : memref<16x640xf32, #tpu.memory_space<vmem>> -> memref<1x640xf32, #tpu.memory_space<vmem>>
      %dma_start3A_154 = tpu.memref_squeeze %dma_start3A_153 : memref<1x640xf32, #tpu.memory_space<vmem>> -> memref<640xf32, #tpu.memory_space<vmem>>
      %dma_start3A_155 = tpu.memref_slice %arg10[%run_scoped3A_132, %mul3A_131] : memref<16x10240xf32, #tpu.memory_space<vmem_shared>> -> memref<1x640xf32, #tpu.memory_space<vmem_shared>>
      %dma_start3A_156 = tpu.memref_squeeze %dma_start3A_155 : memref<1x640xf32, #tpu.memory_space<vmem_shared>> -> memref<640xf32, #tpu.memory_space<vmem_shared>>
      %dma_start3A_157 = arith.constant 0 : i32
      %dma_start3A_158 = tpu.memref_slice %arg9[%run_scoped3A_133, %dma_start3A_157] : memref<16x640xf32, #tpu.memory_space<vmem>> -> memref<1x640xf32, #tpu.memory_space<vmem>>
      %dma_start3A_159 = tpu.memref_squeeze %dma_start3A_158 : memref<1x640xf32, #tpu.memory_space<vmem>> -> memref<640xf32, #tpu.memory_space<vmem>>
      %dma_start3A_160 = tpu.memref_slice %arg10[%run_scoped3A_132, %mul3A_131] : memref<16x10240xf32, #tpu.memory_space<vmem_shared>> -> memref<1x640xf32, #tpu.memory_space<vmem_shared>>
      %dma_start3A_161 = tpu.memref_squeeze %dma_start3A_160 : memref<1x640xf32, #tpu.memory_space<vmem_shared>> -> memref<640xf32, #tpu.memory_space<vmem_shared>>
      tpu.enqueue_dma source(%dma_start3A_161 : memref<640xf32, #tpu.memory_space<vmem_shared>>) target(%dma_start3A_159 : memref<640xf32, #tpu.memory_space<vmem>>) target_semaphore(%run_scoped3A_151 : memref<!tpu.dma_semaphore, #tpu.memory_space<semaphore_mem>>)
      %dma_wait3A_162 = arith.constant 0 : i32
      %dma_wait3A_163 = tpu.memref_slice %arg9[%run_scoped3A_133, %dma_wait3A_162] : memref<16x640xf32, #tpu.memory_space<vmem>> -> memref<1x640xf32, #tpu.memory_space<vmem>>
      %dma_wait3A_164 = tpu.memref_squeeze %dma_wait3A_163 : memref<1x640xf32, #tpu.memory_space<vmem>> -> memref<640xf32, #tpu.memory_space<vmem>>
      %dma_wait3A_165 = tpu.memref_slice %arg10[%run_scoped3A_132, %mul3A_131] : memref<16x10240xf32, #tpu.memory_space<vmem_shared>> -> memref<1x640xf32, #tpu.memory_space<vmem_shared>>
      %dma_wait3A_166 = tpu.memref_squeeze %dma_wait3A_165 : memref<1x640xf32, #tpu.memory_space<vmem_shared>> -> memref<640xf32, #tpu.memory_space<vmem_shared>>
      %dma_wait3A_167 = arith.constant 0 : i32
      %dma_wait3A_168 = tpu.memref_slice %arg9[%run_scoped3A_133, %dma_wait3A_167] : memref<16x640xf32, #tpu.memory_space<vmem>> -> memref<1x640xf32, #tpu.memory_space<vmem>>
      %dma_wait3A_169 = tpu.memref_squeeze %dma_wait3A_168 : memref<1x640xf32, #tpu.memory_space<vmem>> -> memref<640xf32, #tpu.memory_space<vmem>>
      %dma_wait3A_170 = tpu.memref_slice %arg10[%run_scoped3A_132, %mul3A_131] : memref<16x10240xf32, #tpu.memory_space<vmem_shared>> -> memref<1x640xf32, #tpu.memory_space<vmem_shared>>
      %dma_wait3A_171 = tpu.memref_squeeze %dma_wait3A_170 : memref<1x640xf32, #tpu.memory_space<vmem_shared>> -> memref<640xf32, #tpu.memory_space<vmem_shared>>
      tpu.wait_dma2 semaphore(%run_scoped3A_151 : memref<!tpu.dma_semaphore, #tpu.memory_space<semaphore_mem>>) src(%dma_wait3A_171 : memref<640xf32, #tpu.memory_space<vmem_shared>>) dst(%dma_wait3A_169 : memref<640xf32, #tpu.memory_space<vmem>>)
      tpu.yield
    }) : () -> ()
    %mul3A_134 = arith.constant 640 : i32
    %mul3A_135 = arith.muli %arg1, %mul3A_134 : i32
    %run_scoped3A_136 = arith.constant 14 : i32
    %run_scoped3A_137 = arith.constant 14 : i32
    "tpu.region"() ({
      %run_scoped3A_151 = tpu.sem_alloc : memref<!tpu.dma_semaphore, #tpu.memory_space<semaphore_mem>>
      %dma_start3A_152 = arith.constant 0 : i32
      %dma_start3A_153 = tpu.memref_slice %arg9[%run_scoped3A_137, %dma_start3A_152] : memref<16x640xf32, #tpu.memory_space<vmem>> -> memref<1x640xf32, #tpu.memory_space<vmem>>
      %dma_start3A_154 = tpu.memref_squeeze %dma_start3A_153 : memref<1x640xf32, #tpu.memory_space<vmem>> -> memref<640xf32, #tpu.memory_space<vmem>>
      %dma_start3A_155 = tpu.memref_slice %arg10[%run_scoped3A_136, %mul3A_135] : memref<16x10240xf32, #tpu.memory_space<vmem_shared>> -> memref<1x640xf32, #tpu.memory_space<vmem_shared>>
      %dma_start3A_156 = tpu.memref_squeeze %dma_start3A_155 : memref<1x640xf32, #tpu.memory_space<vmem_shared>> -> memref<640xf32, #tpu.memory_space<vmem_shared>>
      %dma_start3A_157 = arith.constant 0 : i32
      %dma_start3A_158 = tpu.memref_slice %arg9[%run_scoped3A_137, %dma_start3A_157] : memref<16x640xf32, #tpu.memory_space<vmem>> -> memref<1x640xf32, #tpu.memory_space<vmem>>
      %dma_start3A_159 = tpu.memref_squeeze %dma_start3A_158 : memref<1x640xf32, #tpu.memory_space<vmem>> -> memref<640xf32, #tpu.memory_space<vmem>>
      %dma_start3A_160 = tpu.memref_slice %arg10[%run_scoped3A_136, %mul3A_135] : memref<16x10240xf32, #tpu.memory_space<vmem_shared>> -> memref<1x640xf32, #tpu.memory_space<vmem_shared>>
      %dma_start3A_161 = tpu.memref_squeeze %dma_start3A_160 : memref<1x640xf32, #tpu.memory_space<vmem_shared>> -> memref<640xf32, #tpu.memory_space<vmem_shared>>
      tpu.enqueue_dma source(%dma_start3A_161 : memref<640xf32, #tpu.memory_space<vmem_shared>>) target(%dma_start3A_159 : memref<640xf32, #tpu.memory_space<vmem>>) target_semaphore(%run_scoped3A_151 : memref<!tpu.dma_semaphore, #tpu.memory_space<semaphore_mem>>)
      %dma_wait3A_162 = arith.constant 0 : i32
      %dma_wait3A_163 = tpu.memref_slice %arg9[%run_scoped3A_137, %dma_wait3A_162] : memref<16x640xf32, #tpu.memory_space<vmem>> -> memref<1x640xf32, #tpu.memory_space<vmem>>
      %dma_wait3A_164 = tpu.memref_squeeze %dma_wait3A_163 : memref<1x640xf32, #tpu.memory_space<vmem>> -> memref<640xf32, #tpu.memory_space<vmem>>
      %dma_wait3A_165 = tpu.memref_slice %arg10[%run_scoped3A_136, %mul3A_135] : memref<16x10240xf32, #tpu.memory_space<vmem_shared>> -> memref<1x640xf32, #tpu.memory_space<vmem_shared>>
      %dma_wait3A_166 = tpu.memref_squeeze %dma_wait3A_165 : memref<1x640xf32, #tpu.memory_space<vmem_shared>> -> memref<640xf32, #tpu.memory_space<vmem_shared>>
      %dma_wait3A_167 = arith.constant 0 : i32
      %dma_wait3A_168 = tpu.memref_slice %arg9[%run_scoped3A_137, %dma_wait3A_167] : memref<16x640xf32, #tpu.memory_space<vmem>> -> memref<1x640xf32, #tpu.memory_space<vmem>>
      %dma_wait3A_169 = tpu.memref_squeeze %dma_wait3A_168 : memref<1x640xf32, #tpu.memory_space<vmem>> -> memref<640xf32, #tpu.memory_space<vmem>>
      %dma_wait3A_170 = tpu.memref_slice %arg10[%run_scoped3A_136, %mul3A_135] : memref<16x10240xf32, #tpu.memory_space<vmem_shared>> -> memref<1x640xf32, #tpu.memory_space<vmem_shared>>
      %dma_wait3A_171 = tpu.memref_squeeze %dma_wait3A_170 : memref<1x640xf32, #tpu.memory_space<vmem_shared>> -> memref<640xf32, #tpu.memory_space<vmem_shared>>
      tpu.wait_dma2 semaphore(%run_scoped3A_151 : memref<!tpu.dma_semaphore, #tpu.memory_space<semaphore_mem>>) src(%dma_wait3A_171 : memref<640xf32, #tpu.memory_space<vmem_shared>>) dst(%dma_wait3A_169 : memref<640xf32, #tpu.memory_space<vmem>>)
      tpu.yield
    }) : () -> ()
    %mul3A_138 = arith.constant 640 : i32
    %mul3A_139 = arith.muli %arg1, %mul3A_138 : i32
    %run_scoped3A_140 = arith.constant 15 : i32
    %run_scoped3A_141 = arith.constant 15 : i32
    "tpu.region"() ({
      %run_scoped3A_151 = tpu.sem_alloc : memref<!tpu.dma_semaphore, #tpu.memory_space<semaphore_mem>>
      %dma_start3A_152 = arith.constant 0 : i32
      %dma_start3A_153 = tpu.memref_slice %arg9[%run_scoped3A_141, %dma_start3A_152] : memref<16x640xf32, #tpu.memory_space<vmem>> -> memref<1x640xf32, #tpu.memory_space<vmem>>
      %dma_start3A_154 = tpu.memref_squeeze %dma_start3A_153 : memref<1x640xf32, #tpu.memory_space<vmem>> -> memref<640xf32, #tpu.memory_space<vmem>>
      %dma_start3A_155 = tpu.memref_slice %arg10[%run_scoped3A_140, %mul3A_139] : memref<16x10240xf32, #tpu.memory_space<vmem_shared>> -> memref<1x640xf32, #tpu.memory_space<vmem_shared>>
      %dma_start3A_156 = tpu.memref_squeeze %dma_start3A_155 : memref<1x640xf32, #tpu.memory_space<vmem_shared>> -> memref<640xf32, #tpu.memory_space<vmem_shared>>
      %dma_start3A_157 = arith.constant 0 : i32
      %dma_start3A_158 = tpu.memref_slice %arg9[%run_scoped3A_141, %dma_start3A_157] : memref<16x640xf32, #tpu.memory_space<vmem>> -> memref<1x640xf32, #tpu.memory_space<vmem>>
      %dma_start3A_159 = tpu.memref_squeeze %dma_start3A_158 : memref<1x640xf32, #tpu.memory_space<vmem>> -> memref<640xf32, #tpu.memory_space<vmem>>
      %dma_start3A_160 = tpu.memref_slice %arg10[%run_scoped3A_140, %mul3A_139] : memref<16x10240xf32, #tpu.memory_space<vmem_shared>> -> memref<1x640xf32, #tpu.memory_space<vmem_shared>>
      %dma_start3A_161 = tpu.memref_squeeze %dma_start3A_160 : memref<1x640xf32, #tpu.memory_space<vmem_shared>> -> memref<640xf32, #tpu.memory_space<vmem_shared>>
      tpu.enqueue_dma source(%dma_start3A_161 : memref<640xf32, #tpu.memory_space<vmem_shared>>) target(%dma_start3A_159 : memref<640xf32, #tpu.memory_space<vmem>>) target_semaphore(%run_scoped3A_151 : memref<!tpu.dma_semaphore, #tpu.memory_space<semaphore_mem>>)
      %dma_wait3A_162 = arith.constant 0 : i32
      %dma_wait3A_163 = tpu.memref_slice %arg9[%run_scoped3A_141, %dma_wait3A_162] : memref<16x640xf32, #tpu.memory_space<vmem>> -> memref<1x640xf32, #tpu.memory_space<vmem>>
      %dma_wait3A_164 = tpu.memref_squeeze %dma_wait3A_163 : memref<1x640xf32, #tpu.memory_space<vmem>> -> memref<640xf32, #tpu.memory_space<vmem>>
      %dma_wait3A_165 = tpu.memref_slice %arg10[%run_scoped3A_140, %mul3A_139] : memref<16x10240xf32, #tpu.memory_space<vmem_shared>> -> memref<1x640xf32, #tpu.memory_space<vmem_shared>>
      %dma_wait3A_166 = tpu.memref_squeeze %dma_wait3A_165 : memref<1x640xf32, #tpu.memory_space<vmem_shared>> -> memref<640xf32, #tpu.memory_space<vmem_shared>>
      %dma_wait3A_167 = arith.constant 0 : i32
      %dma_wait3A_168 = tpu.memref_slice %arg9[%run_scoped3A_141, %dma_wait3A_167] : memref<16x640xf32, #tpu.memory_space<vmem>> -> memref<1x640xf32, #tpu.memory_space<vmem>>
      %dma_wait3A_169 = tpu.memref_squeeze %dma_wait3A_168 : memref<1x640xf32, #tpu.memory_space<vmem>> -> memref<640xf32, #tpu.memory_space<vmem>>
      %dma_wait3A_170 = tpu.memref_slice %arg10[%run_scoped3A_140, %mul3A_139] : memref<16x10240xf32, #tpu.memory_space<vmem_shared>> -> memref<1x640xf32, #tpu.memory_space<vmem_shared>>
      %dma_wait3A_171 = tpu.memref_squeeze %dma_wait3A_170 : memref<1x640xf32, #tpu.memory_space<vmem_shared>> -> memref<640xf32, #tpu.memory_space<vmem_shared>>
      tpu.wait_dma2 semaphore(%run_scoped3A_151 : memref<!tpu.dma_semaphore, #tpu.memory_space<semaphore_mem>>) src(%dma_wait3A_171 : memref<640xf32, #tpu.memory_space<vmem_shared>>) dst(%dma_wait3A_169 : memref<640xf32, #tpu.memory_space<vmem>>)
      tpu.yield
    }) : () -> ()
    %scan3A_142 = arith.constant 0 : i32
    %scan3A_143 = arith.constant 0 : i32
    %scan3A_144 = arith.constant 40 : i32
    %scan3A_145 = arith.addi %scan3A_143, %scan3A_144 : i32
    %scan3A_146 = arith.constant 1 : i32
    %scan3A_147 = scf.for %scan3A_151 = %scan3A_143 to %scan3A_145 step %scan3A_146 iter_args(%scan3A_152 = %scan3A_142) -> (i32)  : i32 {
      %mul3A_153 = arith.constant 16 : i32
      %mul3A_154 = arith.muli %scan3A_151, %mul3A_153 : i32
      %get3A = arith.constant 0 : i32
      %get3A_155 = arith.index_cast %get3A : i32 to index
      %get3A_156 = arith.index_cast %mul3A_154 : i32 to index
      %get3A_157 = tpu.vector_load %arg9[%get3A_155, %get3A_156] {strides = array<i32>} : memref<16x640xf32, #tpu.memory_space<vmem>>, vector<16xf32>,
      %mul3A_158 = arith.constant 16 : i32
      %mul3A_159 = arith.muli %scan3A_151, %mul3A_158 : i32
      %get3A_160 = arith.constant 1 : i32
      %get3A_161 = arith.index_cast %get3A_160 : i32 to index
      %get3A_162 = arith.index_cast %mul3A_159 : i32 to index
      %get3A_163 = tpu.vector_load %arg9[%get3A_161, %get3A_162] {strides = array<i32>} : memref<16x640xf32, #tpu.memory_space<vmem>>, vector<16xf32>,
      %add3A_164 = arith.addf %get3A_157, %get3A_163 : vector<16xf32>
      %mul3A_165 = arith.constant 16 : i32
      %mul3A_166 = arith.muli %scan3A_151, %mul3A_165 : i32
      %get3A_167 = arith.constant 2 : i32
      %get3A_168 = arith.index_cast %get3A_167 : i32 to index
      %get3A_169 = arith.index_cast %mul3A_166 : i32 to index
      %get3A_170 = tpu.vector_load %arg9[%get3A_168, %get3A_169] {strides = array<i32>} : memref<16x640xf32, #tpu.memory_space<vmem>>, vector<16xf32>,
      %add3A_171 = arith.addf %add3A_164, %get3A_170 : vector<16xf32>
      %mul3A_172 = arith.constant 16 : i32
      %mul3A_173 = arith.muli %scan3A_151, %mul3A_172 : i32
      %get3A_174 = arith.constant 3 : i32
      %get3A_175 = arith.index_cast %get3A_174 : i32 to index
      %get3A_176 = arith.index_cast %mul3A_173 : i32 to index
      %get3A_177 = tpu.vector_load %arg9[%get3A_175, %get3A_176] {strides = array<i32>} : memref<16x640xf32, #tpu.memory_space<vmem>>, vector<16xf32>,
      %add3A_178 = arith.addf %add3A_171, %get3A_177 : vector<16xf32>
      %mul3A_179 = arith.constant 16 : i32
      %mul3A_180 = arith.muli %scan3A_151, %mul3A_179 : i32
      %get3A_181 = arith.constant 4 : i32
      %get3A_182 = arith.index_cast %get3A_181 : i32 to index
      %get3A_183 = arith.index_cast %mul3A_180 : i32 to index
      %get3A_184 = tpu.vector_load %arg9[%get3A_182, %get3A_183] {strides = array<i32>} : memref<16x640xf32, #tpu.memory_space<vmem>>, vector<16xf32>,
      %add3A_185 = arith.addf %add3A_178, %get3A_184 : vector<16xf32>
      %mul3A_186 = arith.constant 16 : i32
      %mul3A_187 = arith.muli %scan3A_151, %mul3A_186 : i32
      %get3A_188 = arith.constant 5 : i32
      %get3A_189 = arith.index_cast %get3A_188 : i32 to index
      %get3A_190 = arith.index_cast %mul3A_187 : i32 to index
      %get3A_191 = tpu.vector_load %arg9[%get3A_189, %get3A_190] {strides = array<i32>} : memref<16x640xf32, #tpu.memory_space<vmem>>, vector<16xf32>,
      %add3A_192 = arith.addf %add3A_185, %get3A_191 : vector<16xf32>
      %mul3A_193 = arith.constant 16 : i32
      %mul3A_194 = arith.muli %scan3A_151, %mul3A_193 : i32
      %get3A_195 = arith.constant 6 : i32
      %get3A_196 = arith.index_cast %get3A_195 : i32 to index
      %get3A_197 = arith.index_cast %mul3A_194 : i32 to index
      %get3A_198 = tpu.vector_load %arg9[%get3A_196, %get3A_197] {strides = array<i32>} : memref<16x640xf32, #tpu.memory_space<vmem>>, vector<16xf32>,
      %add3A_199 = arith.addf %add3A_192, %get3A_198 : vector<16xf32>
      %mul3A_200 = arith.constant 16 : i32
      %mul3A_201 = arith.muli %scan3A_151, %mul3A_200 : i32
      %get3A_202 = arith.constant 7 : i32
      %get3A_203 = arith.index_cast %get3A_202 : i32 to index
      %get3A_204 = arith.index_cast %mul3A_201 : i32 to index
      %get3A_205 = tpu.vector_load %arg9[%get3A_203, %get3A_204] {strides = array<i32>} : memref<16x640xf32, #tpu.memory_space<vmem>>, vector<16xf32>,
      %add3A_206 = arith.addf %add3A_199, %get3A_205 : vector<16xf32>
      %mul3A_207 = arith.constant 16 : i32
      %mul3A_208 = arith.muli %scan3A_151, %mul3A_207 : i32
      %get3A_209 = arith.constant 8 : i32
      %get3A_210 = arith.index_cast %get3A_209 : i32 to index
      %get3A_211 = arith.index_cast %mul3A_208 : i32 to index
      %get3A_212 = tpu.vector_load %arg9[%get3A_210, %get3A_211] {strides = array<i32>} : memref<16x640xf32, #tpu.memory_space<vmem>>, vector<16xf32>,
      %add3A_213 = arith.addf %add3A_206, %get3A_212 : vector<16xf32>
      %mul3A_214 = arith.constant 16 : i32
      %mul3A_215 = arith.muli %scan3A_151, %mul3A_214 : i32
      %get3A_216 = arith.constant 9 : i32
      %get3A_217 = arith.index_cast %get3A_216 : i32 to index
      %get3A_218 = arith.index_cast %mul3A_215 : i32 to index
      %get3A_219 = tpu.vector_load %arg9[%get3A_217, %get3A_218] {strides = array<i32>} : memref<16x640xf32, #tpu.memory_space<vmem>>, vector<16xf32>,
      %add3A_220 = arith.addf %add3A_213, %get3A_219 : vector<16xf32>
      %mul3A_221 = arith.constant 16 : i32
      %mul3A_222 = arith.muli %scan3A_151, %mul3A_221 : i32
      %get3A_223 = arith.constant 10 : i32
      %get3A_224 = arith.index_cast %get3A_223 : i32 to index
      %get3A_225 = arith.index_cast %mul3A_222 : i32 to index
      %get3A_226 = tpu.vector_load %arg9[%get3A_224, %get3A_225] {strides = array<i32>} : memref<16x640xf32, #tpu.memory_space<vmem>>, vector<16xf32>,
      %add3A_227 = arith.addf %add3A_220, %get3A_226 : vector<16xf32>
      %mul3A_228 = arith.constant 16 : i32
      %mul3A_229 = arith.muli %scan3A_151, %mul3A_228 : i32
      %get3A_230 = arith.constant 11 : i32
      %get3A_231 = arith.index_cast %get3A_230 : i32 to index
      %get3A_232 = arith.index_cast %mul3A_229 : i32 to index
      %get3A_233 = tpu.vector_load %arg9[%get3A_231, %get3A_232] {strides = array<i32>} : memref<16x640xf32, #tpu.memory_space<vmem>>, vector<16xf32>,
      %add3A_234 = arith.addf %add3A_227, %get3A_233 : vector<16xf32>
      %mul3A_235 = arith.constant 16 : i32
      %mul3A_236 = arith.muli %scan3A_151, %mul3A_235 : i32
      %get3A_237 = arith.constant 12 : i32
      %get3A_238 = arith.index_cast %get3A_237 : i32 to index
      %get3A_239 = arith.index_cast %mul3A_236 : i32 to index
      %get3A_240 = tpu.vector_load %arg9[%get3A_238, %get3A_239] {strides = array<i32>} : memref<16x640xf32, #tpu.memory_space<vmem>>, vector<16xf32>,
      %add3A_241 = arith.addf %add3A_234, %get3A_240 : vector<16xf32>
      %mul3A_242 = arith.constant 16 : i32
      %mul3A_243 = arith.muli %scan3A_151, %mul3A_242 : i32
      %get3A_244 = arith.constant 13 : i32
      %get3A_245 = arith.index_cast %get3A_244 : i32 to index
      %get3A_246 = arith.index_cast %mul3A_243 : i32 to index
      %get3A_247 = tpu.vector_load %arg9[%get3A_245, %get3A_246] {strides = array<i32>} : memref<16x640xf32, #tpu.memory_space<vmem>>, vector<16xf32>,
      %add3A_248 = arith.addf %add3A_241, %get3A_247 : vector<16xf32>
      %mul3A_249 = arith.constant 16 : i32
      %mul3A_250 = arith.muli %scan3A_151, %mul3A_249 : i32
      %get3A_251 = arith.constant 14 : i32
      %get3A_252 = arith.index_cast %get3A_251 : i32 to index
      %get3A_253 = arith.index_cast %mul3A_250 : i32 to index
      %get3A_254 = tpu.vector_load %arg9[%get3A_252, %get3A_253] {strides = array<i32>} : memref<16x640xf32, #tpu.memory_space<vmem>>, vector<16xf32>,
      %add3A_255 = arith.addf %add3A_248, %get3A_254 : vector<16xf32>
      %mul3A_256 = arith.constant 16 : i32
      %mul3A_257 = arith.muli %scan3A_151, %mul3A_256 : i32
      %get3A_258 = arith.constant 15 : i32
      %get3A_259 = arith.index_cast %get3A_258 : i32 to index
      %get3A_260 = arith.index_cast %mul3A_257 : i32 to index
      %get3A_261 = tpu.vector_load %arg9[%get3A_259, %get3A_260] {strides = array<i32>} : memref<16x640xf32, #tpu.memory_space<vmem>>, vector<16xf32>,
      %add3A_262 = arith.addf %add3A_255, %get3A_261 : vector<16xf32>
      %mul3A_263 = arith.constant 16 : i32
      %mul3A_264 = arith.muli %scan3A_151, %mul3A_263 : i32
      %swap3A = arith.index_cast %mul3A_264 : i32 to index
      %swap3A_265 = tpu.vector_load %arg8[%swap3A] {strides = array<i32>} : memref<10240xf32, #tpu.memory_space<vmem>>, vector<16xf32>,
      tpu.vector_store %arg8[%swap3A], %add3A_262 {strides = array<i32>} : memref<10240xf32, #tpu.memory_space<vmem>>, vector<16xf32>,
      %scan3A_266 = arith.constant 0 : i32
      scf.yield %scan3A_266 : i32
    }
    %scan3A_148 = arith.constant 40 : i32
    %mul3A_149 = arith.constant 640 : i32
    %mul3A_150 = arith.muli %arg1, %mul3A_149 : i32
    "tpu.region"() ({
      %run_scoped3A_151 = tpu.sem_alloc : memref<!tpu.dma_semaphore, #tpu.memory_space<semaphore_mem>>
      %dma_start3A_152 = arith.constant 0 : i32
      %dma_start3A_153 = tpu.memref_slice %arg8[%dma_start3A_152] : memref<10240xf32, #tpu.memory_space<vmem>> -> memref<640xf32, #tpu.memory_space<vmem>>
      %dma_start3A_154 = tpu.memref_slice %arg4[%arg0, %mul3A_150] : memref<2x10240xf32, #tpu.memory_space<hbm>> -> memref<1x640xf32, #tpu.memory_space<hbm>>
      %dma_start3A_155 = tpu.memref_squeeze %dma_start3A_154 : memref<1x640xf32, #tpu.memory_space<hbm>> -> memref<640xf32, #tpu.memory_space<hbm>>
      %dma_start3A_156 = tpu.memref_slice %arg4[%arg0, %mul3A_150] : memref<2x10240xf32, #tpu.memory_space<hbm>> -> memref<1x640xf32, #tpu.memory_space<hbm>>
      %dma_start3A_157 = tpu.memref_squeeze %dma_start3A_156 : memref<1x640xf32, #tpu.memory_space<hbm>> -> memref<640xf32, #tpu.memory_space<hbm>>
      %dma_start3A_158 = arith.constant 0 : i32
      %dma_start3A_159 = tpu.memref_slice %arg8[%dma_start3A_158] : memref<10240xf32, #tpu.memory_space<vmem>> -> memref<640xf32, #tpu.memory_space<vmem>>
      tpu.enqueue_dma source(%dma_start3A_159 : memref<640xf32, #tpu.memory_space<vmem>>) target(%dma_start3A_157 : memref<640xf32, #tpu.memory_space<hbm>>) target_semaphore(%run_scoped3A_151 : memref<!tpu.dma_semaphore, #tpu.memory_space<semaphore_mem>>)
      %dma_wait3A_160 = arith.constant 0 : i32
      %dma_wait3A_161 = tpu.memref_slice %arg8[%dma_wait3A_160] : memref<10240xf32, #tpu.memory_space<vmem>> -> memref<640xf32, #tpu.memory_space<vmem>>
      %dma_wait3A_162 = tpu.memref_slice %arg4[%arg0, %mul3A_150] : memref<2x10240xf32, #tpu.memory_space<hbm>> -> memref<1x640xf32, #tpu.memory_space<hbm>>
      %dma_wait3A_163 = tpu.memref_squeeze %dma_wait3A_162 : memref<1x640xf32, #tpu.memory_space<hbm>> -> memref<640xf32, #tpu.memory_space<hbm>>
      %dma_wait3A_164 = tpu.memref_slice %arg4[%arg0, %mul3A_150] : memref<2x10240xf32, #tpu.memory_space<hbm>> -> memref<1x640xf32, #tpu.memory_space<hbm>>
      %dma_wait3A_165 = tpu.memref_squeeze %dma_wait3A_164 : memref<1x640xf32, #tpu.memory_space<hbm>> -> memref<640xf32, #tpu.memory_space<hbm>>
      %dma_wait3A_166 = arith.constant 0 : i32
      %dma_wait3A_167 = tpu.memref_slice %arg8[%dma_wait3A_166] : memref<10240xf32, #tpu.memory_space<vmem>> -> memref<640xf32, #tpu.memory_space<vmem>>
      tpu.wait_dma2 semaphore(%run_scoped3A_151 : memref<!tpu.dma_semaphore, #tpu.memory_space<semaphore_mem>>) src(%dma_wait3A_167 : memref<640xf32, #tpu.memory_space<vmem>>) dst(%dma_wait3A_165 : memref<640xf32, #tpu.memory_space<hbm>>)
      tpu.yield
    }) : () -> ()
    return
  }
}

module attributes {stable_mosaic.version = 14 : i64} {
  func.func @_k1_body(%arg0: i32, %arg1: memref<1024x128xf32, #tpu.memory_space<vmem>>, %arg2: memref<32x128xf32, #tpu.memory_space<vmem>>, %arg3: memref<2x1024xf32, #tpu.memory_space<vmem>>, %arg4: memref<32x1024xf32, #tpu.memory_space<vmem>>, %arg5: memref<1024x32xf32, #tpu.memory_space<vmem>>, %arg6: memref<1x1024xf32, #tpu.memory_space<vmem>>) attributes {dimension_semantics = [#tpu.dimension_semantics<arbitrary>], iteration_bounds = array<i64: 10>, scalar_prefetch = 0 : i64, scratch_operands = 0 : i64, tpu.core_type = #tpu.core_type<tc>, window_params = [{transform_indices = @transform_0, window_bounds = array<i64: 1024, 128>}, {pipeline_mode = #tpu.pipeline_mode<synchronous>, transform_indices = @transform_1, window_bounds = array<i64: 32, 128>}, {transform_indices = @transform_2, window_bounds = array<i64: 2, 1024>}, {transform_indices = @transform_3, window_bounds = array<i64: 32, 1024>}, {transform_indices = @transform_4, window_bounds = array<i64: 1024, 32>}, {transform_indices = @transform_5, window_bounds = array<i64: 1, 1024>}]} {
    %get3A = arith.constant 0 : index
    %get3A_0 = arith.constant 0 : index
    %get3A_1 = vector.load %arg2[%get3A, %get3A_0] : memref<32x128xf32, #tpu.memory_space<vmem>>, vector<32x128xf32>
    %get3A_2 = arith.constant 0 : index
    %get3A_3 = arith.constant 0 : index
    %get3A_4 = vector.load %arg1[%get3A_2, %get3A_3] : memref<1024x128xf32, #tpu.memory_space<vmem>>, vector<1024x128xf32>
    %dot_general3A = arith.constant dense<0.000000e+00> : vector<32x1024xf32>
    %dot_general3A_5 = tpu.matmul %get3A_1, %get3A_4, %dot_general3A {dimension_numbers = #tpu.dot_dimension_numbers<[1], [1], [0], [0], [0, 0, 1, 0], [], []>, transpose_lhs_hint = false} : vector<32x128xf32>, vector<1024x128xf32>, vector<32x1024xf32> -> vector<32x1024xf32>
    %get3A_6 = arith.constant 0 : index
    %get3A_7 = arith.constant 0 : index
    %get3A_8 = vector.load %arg3[%get3A_6, %get3A_7] : memref<2x1024xf32, #tpu.memory_space<vmem>>, vector<2x1024xf32>
    %slice3A = vector.extract_strided_slice %get3A_8 {offsets = [0, 0], sizes = [1, 1024], strides = [1, 1]} : vector<2x1024xf32> to vector<1x1024xf32>
    %slice3A_9 = vector.extract_strided_slice %get3A_8 {offsets = [1, 0], sizes = [1, 1024], strides = [1, 1]} : vector<2x1024xf32> to vector<1x1024xf32>
    %add3A = arith.addf %slice3A, %slice3A_9 : vector<1x1024xf32>
    %add3A_10 = arith.constant 1.000000e+00 : f32
    %add3A_11 = vector.broadcast %add3A_10 : f32 to vector<1x1024xf32>
    %add3A_12 = arith.addf %add3A, %add3A_11 : vector<1x1024xf32>
    %rsqrt3A = math.rsqrt %add3A_12 : vector<1x1024xf32>
    %swap3A = arith.constant 0 : index
    %swap3A_13 = arith.constant 0 : index
    %swap3A_14 = vector.load %arg4[%swap3A, %swap3A_13] : memref<32x1024xf32, #tpu.memory_space<vmem>>, vector<32x1024xf32>
    tpu.vector_store %arg4[%swap3A, %swap3A_13], %dot_general3A_5 {strides = array<i32>} : memref<32x1024xf32, #tpu.memory_space<vmem>>, vector<32x1024xf32>,
    %mul3A = vector.broadcast %rsqrt3A : vector<1x1024xf32> to vector<32x1024xf32>
    %mul3A_15 = arith.mulf %dot_general3A_5, %mul3A : vector<32x1024xf32>
    %transpose3A = tpu.transpose %mul3A_15, [1, 0] : vector<32x1024xf32> -> vector<1024x32xf32>
    %swap3A_16 = arith.constant 0 : index
    %swap3A_17 = arith.constant 0 : index
    %swap3A_18 = vector.load %arg5[%swap3A_16, %swap3A_17] : memref<1024x32xf32, #tpu.memory_space<vmem>>, vector<1024x32xf32>
    tpu.vector_store %arg5[%swap3A_16, %swap3A_17], %transpose3A {strides = array<i32>} : memref<1024x32xf32, #tpu.memory_space<vmem>>, vector<1024x32xf32>,
    %swap3A_19 = arith.constant 0 : index
    %swap3A_20 = arith.constant 0 : index
    %swap3A_21 = vector.load %arg6[%swap3A_19, %swap3A_20] : memref<1x1024xf32, #tpu.memory_space<vmem>>, vector<1x1024xf32>
    tpu.vector_store %arg6[%swap3A_19, %swap3A_20], %rsqrt3A {strides = array<i32>} : memref<1x1024xf32, #tpu.memory_space<vmem>>, vector<1x1024xf32>,
    return
  }
  func.func @transform_0(%arg0: i32) -> (i32, i32) {
    %c0_i32 = arith.constant 0 : i32
    %c0_i32_0 = arith.constant 0 : i32
    return %arg0, %c0_i32 : i32, i32
  }
  func.func @transform_1(%arg0: i32) -> (i32, i32) {
    %c0_i32 = arith.constant 0 : i32
    %c0_i32_0 = arith.constant 0 : i32
    %c0_i32_1 = arith.constant 0 : i32
    return %c0_i32, %c0_i32_0 : i32, i32
  }
  func.func @transform_2(%arg0: i32) -> (i32, i32) {
    %c0_i32 = arith.constant 0 : i32
    %c0_i32_0 = arith.constant 0 : i32
    return %c0_i32, %arg0 : i32, i32
  }
  func.func @transform_3(%arg0: i32) -> (i32, i32) {
    %c0_i32 = arith.constant 0 : i32
    %c0_i32_0 = arith.constant 0 : i32
    return %c0_i32, %arg0 : i32, i32
  }
  func.func @transform_4(%arg0: i32) -> (i32, i32) {
    %c0_i32 = arith.constant 0 : i32
    %c0_i32_0 = arith.constant 0 : i32
    return %arg0, %c0_i32 : i32, i32
  }
  func.func @transform_5(%arg0: i32) -> (i32, i32) {
    %c0_i32 = arith.constant 0 : i32
    %c0_i32_0 = arith.constant 0 : i32
    return %c0_i32, %arg0 : i32, i32
  }
}

module attributes {stable_mosaic.version = 14 : i64} {
  func.func @_k2_body(%arg0: i32, %arg1: memref<2x1024x32xf32, #tpu.memory_space<vmem>>, %arg2: memref<32x1024xf32, #tpu.memory_space<vmem>>, %arg3: memref<1x1024xf32, #tpu.memory_space<vmem>>, %arg4: memref<32x1xf32, #tpu.memory_space<vmem>>, %arg5: memref<1x32xf32, #tpu.memory_space<vmem>>, %arg6: memref<1024x32xf32, #tpu.memory_space<vmem>>, %arg7: memref<1024xf32, #tpu.memory_space<vmem>>) attributes {dimension_semantics = [#tpu.dimension_semantics<arbitrary>], iteration_bounds = array<i64: 10>, scalar_prefetch = 0 : i64, scratch_operands = 0 : i64, tpu.core_type = #tpu.core_type<tc>, window_params = [{transform_indices = @transform_0, window_bounds = array<i64: 2, 1024, 32>}, {transform_indices = @transform_1, window_bounds = array<i64: 32, 1024>}, {transform_indices = @transform_2, window_bounds = array<i64: 1, 1024>}, {pipeline_mode = #tpu.pipeline_mode<synchronous>, transform_indices = @transform_3, window_bounds = array<i64: 32, 1>}, {pipeline_mode = #tpu.pipeline_mode<synchronous>, transform_indices = @transform_4, window_bounds = array<i64: 1, 32>}, {transform_indices = @transform_5, window_bounds = array<i64: 1024, 32>}, {transform_indices = @transform_6, window_bounds = array<i64: 1024>}]} {
    %get3A = arith.constant 0 : index
    %get3A_0 = arith.constant 0 : index
    %get3A_1 = arith.constant 0 : index
    %get3A_2 = vector.load %arg1[%get3A, %get3A_0, %get3A_1] : memref<2x1024x32xf32, #tpu.memory_space<vmem>>, vector<1x1024x32xf32>
    %get3A_3 = vector.shape_cast %get3A_2 : vector<1x1024x32xf32> to vector<1024x32xf32>
    %get3A_4 = arith.constant 1 : index
    %get3A_5 = arith.constant 0 : index
    %get3A_6 = arith.constant 0 : index
    %get3A_7 = vector.load %arg1[%get3A_4, %get3A_5, %get3A_6] : memref<2x1024x32xf32, #tpu.memory_space<vmem>>, vector<1x1024x32xf32>
    %get3A_8 = vector.shape_cast %get3A_7 : vector<1x1024x32xf32> to vector<1024x32xf32>
    %add3A = arith.addf %get3A_3, %get3A_8 : vector<1024x32xf32>
    %transpose3A = tpu.transpose %add3A, [1, 0] : vector<1024x32xf32> -> vector<32x1024xf32>
    %get3A_9 = arith.constant 0 : index
    %get3A_10 = arith.constant 0 : index
    %get3A_11 = vector.load %arg3[%get3A_9, %get3A_10] : memref<1x1024xf32, #tpu.memory_space<vmem>>, vector<1x1024xf32>
    %get3A_12 = arith.constant 0 : index
    %get3A_13 = arith.constant 0 : index
    %get3A_14 = vector.load %arg2[%get3A_12, %get3A_13] : memref<32x1024xf32, #tpu.memory_space<vmem>>, vector<32x1024xf32>
    %mul3A = vector.broadcast %get3A_11 : vector<1x1024xf32> to vector<32x1024xf32>
    %mul3A_15 = arith.mulf %mul3A, %get3A_14 : vector<32x1024xf32>
    %add3A_16 = arith.addf %transpose3A, %mul3A_15 : vector<32x1024xf32>
    %mul3A_17 = vector.broadcast %get3A_11 : vector<1x1024xf32> to vector<32x1024xf32>
    %mul3A_18 = arith.mulf %mul3A_17, %add3A_16 : vector<32x1024xf32>
    %get3A_19 = arith.constant 0 : index
    %get3A_20 = arith.constant 0 : index
    %get3A_21 = vector.load %arg4[%get3A_19, %get3A_20] : memref<32x1xf32, #tpu.memory_space<vmem>>, vector<32x1xf32>
    %add3A_22 = vector.broadcast %get3A_21 : vector<32x1xf32> to vector<32x1024xf32>
    %add3A_23 = arith.addf %mul3A_18, %add3A_22 : vector<32x1024xf32>
    %max3A = arith.constant 0.000000e+00 : f32
    %max3A_24 = vector.broadcast %max3A : f32 to vector<32x1024xf32>
    %max3A_25 = arith.maximumf %add3A_23, %max3A_24 : vector<32x1024xf32>
    %transpose3A_26 = tpu.transpose %max3A_25, [1, 0] : vector<32x1024xf32> -> vector<1024x32xf32>
    %swap3A = arith.constant 0 : index
    %swap3A_27 = arith.constant 0 : index
    %swap3A_28 = vector.load %arg6[%swap3A, %swap3A_27] : memref<1024x32xf32, #tpu.memory_space<vmem>>, vector<1024x32xf32>
    tpu.vector_store %arg6[%swap3A, %swap3A_27], %transpose3A_26 {strides = array<i32>} : memref<1024x32xf32, #tpu.memory_space<vmem>>, vector<1024x32xf32>,
    %get3A_29 = arith.constant 0 : index
    %get3A_30 = arith.constant 0 : index
    %get3A_31 = vector.load %arg5[%get3A_29, %get3A_30] : memref<1x32xf32, #tpu.memory_space<vmem>>, vector<1x32xf32>
    %dot_general3A = arith.constant dense<0.000000e+00> : vector<1x1024xf32>
    %dot_general3A_32 = tpu.matmul %get3A_31, %max3A_25, %dot_general3A {dimension_numbers = #tpu.dot_dimension_numbers<[1], [0], [0], [1], [0, 0, 1, 1], [], []>, transpose_lhs_hint = false} : vector<1x32xf32>, vector<32x1024xf32>, vector<1x1024xf32> -> vector<1x1024xf32>
    %mul3A_33 = arith.mulf %get3A_11, %dot_general3A_32 : vector<1x1024xf32>
    %reshape3A = vector.shape_cast %mul3A_33 : vector<1x1024xf32> to vector<1024xf32>
    %swap3A_34 = arith.constant 0 : index
    %swap3A_35 = vector.load %arg7[%swap3A_34] : memref<1024xf32, #tpu.memory_space<vmem>>, vector<1024xf32>
    tpu.vector_store %arg7[%swap3A_34], %reshape3A {strides = array<i32>} : memref<1024xf32, #tpu.memory_space<vmem>>, vector<1024xf32>,
    return
  }
  func.func @transform_0(%arg0: i32) -> (i32, i32, i32) {
    %c0_i32 = arith.constant 0 : i32
    %c0_i32_0 = arith.constant 0 : i32
    %c0_i32_1 = arith.constant 0 : i32
    return %c0_i32, %arg0, %c0_i32_0 : i32, i32, i32
  }
  func.func @transform_1(%arg0: i32) -> (i32, i32) {
    %c0_i32 = arith.constant 0 : i32
    %c0_i32_0 = arith.constant 0 : i32
    return %c0_i32, %arg0 : i32, i32
  }
  func.func @transform_2(%arg0: i32) -> (i32, i32) {
    %c0_i32 = arith.constant 0 : i32
    %c0_i32_0 = arith.constant 0 : i32
    return %c0_i32, %arg0 : i32, i32
  }
  func.func @transform_3(%arg0: i32) -> (i32, i32) {
    %c0_i32 = arith.constant 0 : i32
    %c0_i32_0 = arith.constant 0 : i32
    %c0_i32_1 = arith.constant 0 : i32
    return %c0_i32, %c0_i32_0 : i32, i32
  }
  func.func @transform_4(%arg0: i32) -> (i32, i32) {
    %c0_i32 = arith.constant 0 : i32
    %c0_i32_0 = arith.constant 0 : i32
    %c0_i32_1 = arith.constant 0 : i32
    return %c0_i32, %c0_i32_0 : i32, i32
  }
  func.func @transform_5(%arg0: i32) -> (i32, i32) {
    %c0_i32 = arith.constant 0 : i32
    %c0_i32_0 = arith.constant 0 : i32
    return %arg0, %c0_i32 : i32, i32
  }
  func.func @transform_6(%arg0: i32) -> i32 {
    %c0_i32 = arith.constant 0 : i32
    return %arg0 : i32
  }
}

module attributes {stable_mosaic.version = 14 : i64} {
  func.func @_k3_body(%arg0: memref<2x10240xf32, #tpu.memory_space<vmem>>, %arg1: memref<10240xf32, #tpu.memory_space<vmem>>, %arg2: memref<1x10240xf32, #tpu.memory_space<vmem>>, %arg3: memref<1xf32, #tpu.memory_space<smem>>, %arg4: memref<1x10240xf32, #tpu.memory_space<vmem>>) attributes {dimension_semantics = [], scalar_prefetch = 0 : i64, scratch_operands = 0 : i64, tpu.core_type = #tpu.core_type<tc>} {
    %get3A = arith.constant 0 : index
    %get3A_0 = arith.constant 0 : index
    %get3A_1 = vector.load %arg0[%get3A, %get3A_0] : memref<2x10240xf32, #tpu.memory_space<vmem>>, vector<2x10240xf32>
    %slice3A = vector.extract_strided_slice %get3A_1 {offsets = [0, 0], sizes = [1, 10240], strides = [1, 1]} : vector<2x10240xf32> to vector<1x10240xf32>
    %slice3A_2 = vector.extract_strided_slice %get3A_1 {offsets = [1, 0], sizes = [1, 10240], strides = [1, 1]} : vector<2x10240xf32> to vector<1x10240xf32>
    %add3A = arith.addf %slice3A, %slice3A_2 : vector<1x10240xf32>
    %get3A_3 = arith.constant 0 : index
    %get3A_4 = vector.load %arg1[%get3A_3] : memref<10240xf32, #tpu.memory_space<vmem>>, vector<10240xf32>
    %reshape3A = vector.shape_cast %get3A_4 : vector<10240xf32> to vector<1x10240xf32>
    %get3A_5 = arith.constant 0 : index
    %get3A_6 = arith.constant 0 : index
    %get3A_7 = vector.load %arg2[%get3A_5, %get3A_6] : memref<1x10240xf32, #tpu.memory_space<vmem>>, vector<1x10240xf32>
    %add3A_8 = arith.addf %add3A, %reshape3A : vector<1x10240xf32>
    %mul3A = arith.mulf %get3A_7, %add3A_8 : vector<1x10240xf32>
    %get3A_9 = arith.constant 0 : index
    %get3A_10 = memref.load %arg3[%get3A_9] : memref<1xf32, #tpu.memory_space<smem>>
    %add3A_11 = vector.broadcast %get3A_10 : f32 to vector<1x10240xf32>
    %add3A_12 = arith.addf %mul3A, %add3A_11 : vector<1x10240xf32>
    %swap3A = arith.constant 0 : index
    %swap3A_13 = arith.constant 0 : index
    %swap3A_14 = vector.load %arg4[%swap3A, %swap3A_13] : memref<1x10240xf32, #tpu.memory_space<vmem>>, vector<1x10240xf32>
    tpu.vector_store %arg4[%swap3A, %swap3A_13], %add3A_12 {strides = array<i32>} : memref<1x10240xf32, #tpu.memory_space<vmem>>, vector<1x10240xf32>,
    return
  }
}

</mosaic_0001>

<sc_bundles>
// kernel: kernel.11.cloned.1.call-start
scs
__scs_entry_jumppad:
0x0: {  	(pc) =	sbr.rel $0x88, $3  }
0x1: {  	(tag) =	ssettag $0x0;
	lr =	simm.s32 $0x1  }
0x2: {  	[smem:$0x3F9B] =	sst lr;
	_ =	strace $0xD0000000  }
0x3: {  	_ = 	snop  }
0x4: {  	_ = 	snop  }
0x5: {  	_ = 	snop  }
0x6: {  	_ = 	snop  }
0x7: {  	_ = 	snop  }
__scs_overlays_trampoline_lowered:
0x8: {  	[smem:$0x3FAA] =	sst s0  }
0x9: {  	[smem:$0x3FAB] =	sst s1  }
0xa: {  	[smem:$0x3FAC] =	sst s2  }
0xb: {  	[smem:$0x3FAD] =	sst s3  }
0xc: {  	[smem:$0x3FAE] =	sst s4  }
0xd: {  	[smem:$0x3FAF] =	sst s5  }
0xe: {  	[smem:$0x3FB0] =	sst s6  }
0xf: {  	[smem:$0x3FB1] =	sst s7  }
0x10: {  	[smem:$0x3FB2] =	sst s8  }
0x11: {  	[smem:$0x3FB3] =	sst s9;
	s0 =	simm.s32 @!p0 $0x0  }
0x12: {  	s1 =	sld [smem:$0x3F99];
	s0 =	simm.s32 @p0 $0x1  }
0x13: {  	[smem:$0x3FB4] =	sst s0;
	s0 =	simm.s32 @!p1 $0x0  }
0x14: {  	s2 =	sld [smem:$0x3F98];
	s0 =	simm.s32 @p1 $0x1  }
0x15: {  	[smem:$0x3FB5] =	sst s0;
	s0 =	simm.s32 @!p2 $0x0  }
0x16: {  	s3 =	sld [smem:$0x3FDB];
	s0 =	simm.s32 @p2 $0x1  }
0x17: {  	s4 =	simm.s32 $0x1BF5;
	[smem:$0x3FB7] =	sst s0  }
0x18: {  	s0 =	sld [smem:$0x3F9A];
	_ =	swait.ge [sflag:s4], $0x0  }
0x19: {  	s7 =	sld [smem:$0x3F9B]  }
0x1a: {  	s8 =	sadd.s32 $0xFFFFE003, lr  }
0x1b: {  	s9 =	sadd.s32 $0xFFFFFEF7, lr;
	s5 =	simm.s32 $0xFFFFFFFF;
	p2 =	slt.u32 s8, $0xFFFFF086  }
0x1c: {  	p1 =	slt.u32 s9, $0xF7A;
	s5 =	simm.s32 @!p2 $0x0  }
0x1d: {  	s5 =	simm.s32 @p1 $0x1;
	p0 =	seq.s32 s7, s2  }
0x1e: {  	s7 =	smul.u32 @!p0 $0xF7A, s2;
	p2 =	seq.s32 @!p0 s5, $0x0  }
0x1f: {  	s9 =	smul.u32 $0xF7A, s1;
	s8 =	simm.s32 @!p0 $0x1BF5;
	p2 =	por !p2, p0  }
0x20: {  	[sflag:s8] =	ssyncset.s32 @!p0 $0xFFFFF086;
	s6 =	sadd.s32 @!p0 s3, s7;
	s7 =	simm.s32 @!p0 $0x108  }
0x21: {  	s3 =	sadd.s32 s3, s9;
	s6 =	sadd.s32 @!p0 $0x88, s6;
	s7 =	simm.s32 @p2 $0x1082  }
0x22: {  	[simem:s7], [sflag:s8] =	dma.local @!p0 [hbm:s6], $0xF7A  }
0x23: {  	s9 =	sor.u32 $0xD0000000, s2;
	s6 =	simm.s32 $0x108;
	_ =	swait.ge @!p0 [sflag:s8], $0x0  }
0x24: {  	s3 =	sadd.s32 $0x88, s3;
	s6 =	simm.s32 @!p1 $0x1082;
	[sflag:s4] =	ssyncset.s32 $0xFFFFF086  }
0x25: {  	[simem:s6], [sflag:s4] =	dma.local [hbm:s3], $0xF7A  }
0x26: {  	[smem:$0x3F9B] =	sst s1;
	(tag) =	ssettag s2;
	_ =	strace s9  }
0x27: {  	s1 =	sld [smem:$0x3FAB]  }
0x28: {  	s2 =	sld [smem:$0x3FAC]  }
0x29: {  	s4 =	sld [smem:$0x3FAE]  }
0x2a: {  	p0 =	seq.s32 s5, $0x0;
	s5 =	sld [smem:$0x3FAF]  }
0x2b: {  	s6 =	sld [smem:$0x3FB0]  }
0x2c: {  	s7 =	sld [smem:$0x3FB1]  }
0x2d: {  	s3 =	simm.s32 $0x108;
	s8 =	sld [smem:$0x3FB2]  }
0x2e: {  	s3 =	simm.s32 @!p0 $0x1082;
	s9 =	sld [smem:$0x3FB3]  }
0x2f: {  	lr =	sadd.s32 s0, s3;
	s0 =	sld [smem:$0x3FAA]  }
0x30: {  	s3 =	sld [smem:$0x3FAD]  }
0x31: {  	[smem:$0x3FB6] =	sst s10  }
0x32: {  	s10 =	sld [smem:$0x3FB4];
	_ =	sdelay $0x3  }
0x33: {  	p0 =	seq.s32 s10, $0x1;
	s10 =	sld [smem:$0x3FB6];
	_ =	sdelay $0x3  }
0x34: {  	[smem:$0x3FB6] =	sst s10  }
0x35: {  	s10 =	sld [smem:$0x3FB5];
	_ =	sdelay $0x3  }
0x36: {  	p1 =	seq.s32 s10, $0x1;
	s10 =	sld [smem:$0x3FB6];
	_ =	sdelay $0x3  }
0x37: {  	[smem:$0x3FB6] =	sst s10  }
0x38: {  	s10 =	sld [smem:$0x3FB7]  }
0x39: {  	_ = 	snop;
	(pc) =	sbr.ind lr, $3  }
0x3a: {  	_ = 	snop  }
0x3b: {  	_ = 	snop  }
0x3c: {  	p2 =	seq.s32 s10, $0x1;
	s10 =	sld [smem:$0x3FB6]  }
0x3d: {  	_ =	shalt  }
0x3e: {  	_ =	shalt  }
0x3f: {  	_ =	shalt  }
0x40: {  	_ =	shalt  }
0x41: {  	_ =	shalt  }
0x42: {  	_ =	shalt  }
0x43: {  	_ =	shalt  }
0x44: {  	_ =	shalt  }
0x45: {  	_ =	shalt  }
0x46: {  	_ =	shalt  }
0x47: {  	_ =	shalt  }
0x48: {  	_ =	shalt  }
0x49: {  	_ =	shalt  }
0x4a: {  	_ =	shalt  }
0x4b: {  	_ =	shalt  }
0x4c: {  	_ =	shalt  }
0x4d: {  	_ =	shalt  }
0x4e: {  	_ =	shalt  }
0x4f: {  	_ =	shalt  }
0x50: {  	_ =	shalt  }
0x51: {  	_ =	shalt  }
0x52: {  	_ =	shalt  }
0x53: {  	_ =	shalt  }
0x54: {  	_ =	shalt  }
0x55: {  	_ =	shalt  }
0x56: {  	_ =	shalt  }
0x57: {  	_ =	shalt  }
0x58: {  	_ =	shalt  }
0x59: {  	_ =	shalt  }
0x5a: {  	_ =	shalt  }
0x5b: {  	_ =	shalt  }
0x5c: {  	_ =	shalt  }
0x5d: {  	_ =	shalt  }
0x5e: {  	_ =	shalt  }
0x5f: {  	_ =	shalt  }
0x60: {  	_ =	shalt  }
0x61: {  	_ =	shalt  }
0x62: {  	_ =	shalt  }
0x63: {  	_ =	shalt  }
0x64: {  	_ =	shalt  }
0x65: {  	_ =	shalt  }
0x66: {  	_ =	shalt  }
0x67: {  	_ =	shalt  }
0x68: {  	_ =	shalt  }
0x69: {  	_ =	shalt  }
0x6a: {  	_ =	shalt  }
0x6b: {  	_ =	shalt  }
0x6c: {  	_ =	shalt  }
0x6d: {  	_ =	shalt  }
0x6e: {  	_ =	shalt  }
0x6f: {  	_ =	shalt  }
0x70: {  	_ =	shalt  }
0x71: {  	_ =	shalt  }
0x72: {  	_ =	shalt  }
0x73: {  	_ =	shalt  }
0x74: {  	_ =	shalt  }
0x75: {  	_ =	shalt  }
0x76: {  	_ =	shalt  }
0x77: {  	_ =	shalt  }
0x78: {  	_ =	shalt  }
0x79: {  	_ =	shalt  }
0x7a: {  	_ =	shalt  }
0x7b: {  	_ =	shalt  }
0x7c: {  	_ =	shalt  }
0x7d: {  	_ =	shalt  }
0x7e: {  	_ =	shalt  }
0x7f: {  	_ =	shalt  }
0x80: {  	_ =	shalt  }
0x81: {  	_ =	shalt  }
0x82: {  	_ =	shalt  }
0x83: {  	_ =	shalt  }
0x84: {  	_ =	shalt  }
0x85: {  	_ =	shalt  }
0x86: {  	_ =	shalt  }
0x87: {  	_ =	shalt  }
.Lfunc_end0:
.L_simem_size_0:
called_computation.1_lowered:
.L_overlay_start_0:
0x88: {  	s2 =	sld [smem:$0x3FD9]  }
0x89: {  	s3 =	sld [smem:$0x3FFE];
	_ =	sdelay $0x1  }
0x8a: {  	s1 =	srdreg.scid  }
0x8b: {  	s0 =	sand.u32 $0x1, s1  }
0x8c: {  	s16 =	sshll.u32 s0, $0xA;
	s2 =	sadd.s32 s3, s2  }
0x8d: {  	s2 =	sadd.s32 s2, s16  }
0x8e: {  	[smem:$0x3FC2] =	sst s2  }
0x8f: {  	_ = 	snop  }
0x90: {  	(tm) =	ssettm $0x1  }
0x91: {  	s17 =	sld [smem:$0x3FFB];
	_ =	sdelay $0x3  }
0x92: {  	_ =	strace s17  }
0x93: {  	s2 =	sld [smem:$0x3FFC];
	_ =	sdelay $0x3  }
0x94: {  	_ =	strace s2  }
0x95: {  	s2 =	sld [smem:$0x3FFD];
	_ =	sdelay $0x3  }
0x96: {  	_ =	strace s2  }
0x97: {  	_ =	strace $0x8FFFFFFF  }
0x98: {  	s18 =	sld [smem:$0x3FDB];
	_ =	sdelay $0x1  }
0x99: {  	s19 =	simm.s32 $_scs_section_size  }
0x9a: {  	s4 =	simm.s32 $_size__tile_overlayer_lowered;
	s5 =	simm.s32 $_tile_overlayer_lowered  }
0x9b: {  	s22 =	simm.s32 $0x1BFF;
	s21 =	sshll.u32 s5, $0x1;
	s2 =	sadd.s32 s19, s18  }
0x9c: {  	s6 =	simm.s32 $0x0;
	s20 =	sshll.u32 s4, $0x1;
	s4 =	sadd.s32 s21, s2  }
0x9d: {  	[timem:s6], [sflag:s22] =	dma.local [hbm:s4], s20  }
0x9e: {  	_ =	swait.ge [sflag:s22], s20  }
0x9f: {  	s3 =	ssub.s32 $0x0, s20;
	[sflag:s22] =	ssyncset.done $0x0  }
0xa0: {  	[sflag:s22] =	ssyncadd.s32 s3;
	_ =	sdelay $0x1  }
0xa1: {  	s23 =	simm.s32 $0x1B8B  }
0xa2: {  	_ =	swait.ge [sflag:s23], $0x1  }
0xa3: {  	[sflag:s23] =	ssyncset.done $0x0  }
0xa4: {  	s25 =	simm.s32 $0x1B8E;
	s24 =	sld [smem:$0x3FFE];
	[sflag:s23] =	ssyncadd.s32 $0xFFFFFFFF  }
0xa5: {  	s26 =	simm.s32 $execute0_lowered;
	[smem:$0x3FD2] =	sst s25  }
0xa6: {  	s4 =	sshll.u32 s26, $0x1;
	_ =	strace $0x80000049;
	[dreg:$0x1] =	wrdreg $0xFFFFFFFF  }
0xa7: {  	s28 =	simm.s32 $_size_execute0_lowered;
	s2 =	sadd.s32 s2, s4;
	[dreg:$0x0] =	wrdreg $0x0  }
0xa8: {  	s4 =	sshll.u32 s28, $0x1;
	[dreg:$0x2] =	wrdreg s2  }
0xa9: {  	[dreg:$0x3] =	wrdreg s4  }
0xaa: {  	[dreg:$0x4] =	wrdreg $0xC0  }
0xab: {  	_ =	task [dreg:s6], $0x5FFFF  }
0xac: {  	[dreg:$0x1] =	wrdreg $0xFFFFFFFF  }
0xad: {  	[dreg:$0x0] =	wrdreg $0x60  }
0xae: {  	[dreg:$0x2] =	wrdreg s24  }
0xaf: {  	[dreg:$0x3] =	wrdreg $0xAF000  }
0xb0: {  	[dreg:$0x4] =	wrdreg $0x9  }
0xb1: {  	_ =	task.clear_ibuf [dreg:s6], $0x5FFFF;
	_ =	strace $0x90000049  }
0xb2: {  	s29 =	simm.s32 $0x9;
	_ =	strace $0x8000004B  }
0xb3: {  	_ =	swait.ge [sflag:s29], $0x1  }
0xb4: {  	[sflag:s29] =	ssyncadd.s32 $0xFFFFFFFF  }
0xb5: {  	_ =	strace $0x9000004B  }
0xb6: {  	_ =	sfence  }
0xb7: {  	s30 =	sld [smem:$0x0];
	_ =	sdelay $0x2  }
0xb8: {  	s31 =	sshll.u32 s1, $0xD;
	s1 =	sshrl.u32 s1, $0x2  }
0xb9: {  	s3 =	sand.u32 $0x4000, s31;
	s1 =	sadd.s32 s1, s30  }
0xba: {  	s0 =	sor.u32 s3, s0;
	s1 =	sshll.u32 s1, $0x11  }
0xbb: {  	s0 =	sor.u32 s1, s0  }
0xbc: {  	s0 =	sadd.s32 $0x8F2B, s0  }
0xbd: {  	[sflag:s0] =	ssyncadd.remote.s32 $0x1  }
0xbe: {  	_ =	sfence.sel $0xFFFF  }
0xbf: {  	[dreg:$0x0] =	wrdreg $0xFFFFFFFF;
	(pc) =	sbr.abs _section_cstart, $3  }
0xc0: {  	[dreg:$0x1] =	wrdreg $0xFFFFFFFF  }
0xc1: {  	_ =	task.clear_ibuf [dreg:s6], $0x2FFFF;
	_ =	strace $0x9FFFFFFF  }
0xc2: {  	(tm) =	ssettm $0x7FFFFFFF  }
0xc3: {  	_ =	shalt  }
tec
execute0_lowered:
.L_overlay_start_1:
0x0: {  	(tag) =	ssettag $0x1  }
0x1: {  	s0 =	rddreg [dreg:$0x0]  }
0x2: {  	s1 =	srdreg.scid;
	s2 =	rddreg [dreg:$0x1]  }
0x3: {  	s16 =	stileid.u32;
	s3 =	simm.s32 $0x0;
	s17 =	simm.s32 $0x3  }
0x4: {  	s19 =	simm.s32 $0x80;
	s23 =	simm.s32 $0x1;
	s29 =	simm.s32 $0x4D80  }
0x5: {  	s30 =	simm.s32 $0x8F00;
	s31 =	simm.s32 $0x4E00;
	s18 =	simm.s32 $0x0  }
0x6: {  	s1 =	sand.u32 $0x1, s1;
	s4 =	sshll.u32 s16, $0x1;
	s11 =	smul.u32 $0x5000, s16  }
0x7: {  	[smem:$0x7FF] =	sst s3;
	p0 =	slt.u32 s16, $0x2;
	s24 =	smul.u32 $0x14000, s16  }
0x8: {  	s8 =	sadd.s32 $0x1E00, s0;
	s5 =	smul.u32 $0x50000, s1;
	s6 =	sor.u32 s1, s4  }
0x9: {  	_ =	strace $0x8000004A;
	s1 =	ssub.s32 $0x2, s1;
	s7 =	smul.u32 $0x4E, s6  }
0xa: {  	s4 =	sadd.s32 $0x15800, s0;
	s6 =	smul.u32 $0x4F, s6;
	s25 =	sshrl.u32 s1, $0x1  }
0xb: {  	s26 =	sshrl.u32 s24, $0x2;
	s28 =	sadd.s32 s11, s2;
	s24 =	simm.s32 $0x2  }
0xc: {  	s5 =	sadd.s32 s11, s5;
	s1 =	ssub.s32 s1, s25;
	s25 =	sshrl.u32 s28, $0x3  }
0xd: {  	s7 =	sadd.s32 $0x4, s7;
	s5 =	sshrl.u32 s5, $0x3;
	s11 =	smax.u32 s1, $0x1  }
0xe: {  	s7 =	smov.u32 @p0 s6;
	s0 =	sadd.s32 s5, s0;
	s5 =	sadd.s32 s26, s2  }
0xf: {  	p0 =	sgt.u32 s16, $0x1;
	s16 =	simm.s32 $0x4F00;
	s7 =	sshll.u32 s7, $0x4  }
0x10: {  	s10 =	sadd.s32 $0x1F800, s0;
	s12 =	sadd.s32 $0x1000, s5;
	s13 =	sadd.s32 $0x2000, s5  }
0x11: {  	s14 =	sadd.s32 $0x3000, s5;
	s15 =	sadd.s32 $0x4000, s5;
	s9 =	sand.u32 $0x1FFFFFF0, s7  }
0x12: {  	s0 =	simm.s32 $0x9F00;
	s6 =	sadd.s32 s8, s7;
	s9 =	sadd.s32 s8, s9  }
0x13: {  	v0 =	vimm.f32 $0.0e+00;
	s7 =	sadd.s32 $0x9C40, s9;
	s8 =	sadd.s32 $0x4E0, s9;
	s9 =	sadd.s32 $0xA120, s9  }
.LBB2_1:
0x14: {  	s1 =	simm.s32 $0x80;
	s20 =	simm.s32 $0x0  }
.LBB2_2:
0x15: {  	p1 =	sne.s32 s1, $0x3F80;
	[tilespmem:s20+$0x4F00] =	vst v0;
	s21 =	smov.u32 s1;
	s1 =	sadd.s32 $0x80, s1  }
.Ltmp0:
0x16: {  	[tilespmem:s20+$0x4F10] =	vst v0;
	(pc) =	sbr.rel @p1 .LBB2_2-.Ltmp0, $2  }
0x17: {  	_ =	sdelay $0x2  }
0x18: {  	s20 =	sshra.s32 s21, $0x2  }
0x19: {  	[tilespmem:s20+$0x4F00] =	vst v0  }
0x1a: {  	[tilespmem:s20+$0x4F10] =	vst v0  }
0x1b: {  	[spmem:s5] =	stream.linear.scatter [tilespmem:s16], [sflag:$0x3], $0x1000, $0x38;
	[tilespmem:$0xFF00] =	vst v63  }
0x1c: {  	_ =	swait.ge [sflag:s17], $0x1000  }
0x1d: {  	[sflag:s17] =	ssyncset.done $0x0  }
0x1e: {  	[sflag:s17] =	ssyncadd.s32 $0xFFFFF000  }
0x1f: {  	[spmem:s12] =	stream.linear.scatter [tilespmem:s16], [sflag:$0x3], $0x1000, $0x38;
	[tilespmem:$0xFF00] =	vst v63  }
0x20: {  	_ =	swait.ge [sflag:s17], $0x1000  }
0x21: {  	[sflag:s17] =	ssyncset.done $0x0  }
0x22: {  	[sflag:s17] =	ssyncadd.s32 $0xFFFFF000  }
0x23: {  	[spmem:s13] =	stream.linear.scatter [tilespmem:s16], [sflag:$0x3], $0x1000, $0x38;
	[tilespmem:$0xFF00] =	vst v63  }
0x24: {  	_ =	swait.ge [sflag:s17], $0x1000  }
0x25: {  	[sflag:s17] =	ssyncset.done $0x0  }
0x26: {  	[sflag:s17] =	ssyncadd.s32 $0xFFFFF000  }
0x27: {  	[spmem:s14] =	stream.linear.scatter [tilespmem:s16], [sflag:$0x3], $0x1000, $0x38;
	[tilespmem:$0xFF00] =	vst v63  }
0x28: {  	_ =	swait.ge [sflag:s17], $0x1000  }
0x29: {  	[sflag:s17] =	ssyncset.done $0x0  }
0x2a: {  	[sflag:s17] =	ssyncadd.s32 $0xFFFFF000  }
0x2b: {  	[spmem:s15] =	stream.linear.scatter [tilespmem:s16], [sflag:$0x3], $0x1000, $0x38;
	[tilespmem:$0xFF00] =	vst v63  }
0x2c: {  	_ =	swait.ge [sflag:s17], $0x1000  }
0x2d: {  	[sflag:s17] =	ssyncset.done $0x0  }
0x2e: {  	[sflag:s17] =	ssyncadd.s32 $0xFFFFF000  }
0x2f: {  	[tilespmem:s3], [sflag:$0x3] =	stream.linear.gather [hbm4b:s6+s3], $0x2700, $0x38;
	[tilespmem:$0xFF00] =	vst v63  }
0x30: {  	_ =	swait.ge [sflag:s17], $0x2700  }
0x31: {  	[sflag:s17] =	ssyncset.done $0x0  }
0x32: {  	s1 =	simm.s32 $0x2780;
	[sflag:s17] =	ssyncadd.s32 $0xFFFFD900  }
0x33: {  	[tilespmem:s1], [sflag:$0x3] =	stream.linear.gather [hbm4b:s7+s3], $0x2700, $0x38;
	[tilespmem:$0xFF00] =	vst v63  }
0x34: {  	_ =	swait.ge [sflag:s17], $0x2700  }
0x35: {  	[sflag:s17] =	ssyncset.done $0x0  }
0x36: {  	s20 =	simm.s32 @!p0 $0x2700;
	s1 =	simm.s32 @!p0 $0x0;
	[sflag:s17] =	ssyncadd.s32 $0xFFFFD900  }
0x37: {  	[tilespmem:s20], [sflag:$0x3] =	stream.linear.gather @!p0 [hbm4b:s8+s1], $0x80, $0x38;
	[tilespmem:$0xFF00] =	vst v63  }
0x38: {  	s20 =	simm.s32 @!p0 $0x3  }
0x39: {  	_ =	swait.ge @!p0 [sflag:s20], $0x80  }
0x3a: {  	[sflag:s20] =	ssyncset.done @!p0 $0x0  }
0x3b: {  	s21 =	simm.s32 @!p0 $0x4E80;
	[sflag:s20] =	ssyncadd.s32 @!p0 $0xFFFFFF80  }
0x3c: {  	[tilespmem:s21], [sflag:$0x3] =	stream.linear.gather @!p0 [hbm4b:s9+s1], $0x80, $0x38;
	[tilespmem:$0xFF00] =	vst v63  }
0x3d: {  	_ =	swait.ge @!p0 [sflag:s20], $0x80  }
0x3e: {  	[sflag:s20] =	ssyncset.done @!p0 $0x0  }
0x3f: {  	[sflag:s20] =	ssyncadd.s32 @!p0 $0xFFFFFF80  }
0x40: {  	s20 =	simm.s32 $0x0;
	[bflag:$0x0] =	sbarrier.arrive $0xFFFF  }
0x41: {  	[tilespmem:s16], [sflag:$0x1] =	stream.indirect.gather [hbm4b:s4+s19], $0x20, s20, s19, $0xb8;
	[tilespmem:$0xFF00] =	vst v63  }
0x42: {  	s22 =	simm.s32 $0x5F00  }
0x43: {  	[tilespmem:s22], [sflag:$0x1] =	stream.indirect.gather [hbm4b:s4+s19], $0x20, s19, s19, $0xb8;
	[tilespmem:$0xFF00] =	vst v63  }
0x44: {  	s26 =	simm.s32 $0x100;
	s28 =	simm.s32 $0x6F00  }
0x45: {  	[tilespmem:s28], [sflag:$0x1] =	stream.indirect.gather [hbm4b:s4+s19], $0x20, s26, s19, $0xb8;
	[tilespmem:$0xFF00] =	vst v63  }
0x46: {  	_ =	swait.ge [sflag:s23], $0x1000  }
0x47: {  	[sflag:s23] =	ssyncset.done $0x0  }
0x48: {  	[sflag:s23] =	ssyncadd.s32 $0xFFFFF000  }
0x49: {  	_ =	swait.ge [sflag:s23], $0x1000  }
0x4a: {  	s21 =	sand.u32 $0x1, s20;
	[sflag:s23] =	ssyncset.done $0x0  }
0x4b: {  	s1 =	simm.s32 $0x3000;
	p1 =	seq.s32 s21, $0x1;
	[sflag:s23] =	ssyncadd.s32 $0xFFFFF000  }
0x4c: {  	s1 =	simm.s32 @!p1 $0x0;
	_ =	swait.ge [sflag:s23], $0x1000  }
0x4d: {  	s22 =	sxor.u32 $0x3000, s1;
	[sflag:s23] =	ssyncset.done $0x0  }
0x4e: {  	s21 =	sor.u32 $0x4F00, s22;
	s22 =	simm.s32 $0x180;
	[sflag:s23] =	ssyncadd.s32 $0xFFFFF000  }
0x4f: {  	[tilespmem:s21], [sflag:$0x1] =	stream.indirect.gather [hbm4b:s4+s19], $0x20, s22, s19, $0xb8;
	[tilespmem:$0xFF00] =	vst v63  }
0x50: {  	s26 =	ssub.s32 $0x8F00, s1;
	s28 =	simm.s32 $0x200  }
0x51: {  	[tilespmem:s26], [sflag:$0x1] =	stream.indirect.gather [hbm4b:s4+s19], $0x20, s28, s19, $0xb8;
	[tilespmem:$0xFF00] =	vst v63  }
0x52: {  	s26 =	ssub.s32 $0x9F00, s1;
	s28 =	simm.s32 $0x280  }
0x53: {  	[tilespmem:s26], [sflag:$0x1] =	stream.indirect.gather [hbm4b:s4+s19], $0x20, s28, s19, $0xb8;
	[tilespmem:$0xFF00] =	vst v63  }
0x54: {  	s26 =	sor.u32 $0x4F00, s1;
	s28 =	simm.s32 $0x2780  }
0x55: {  	[spmem:s2] =	stream.indirect.scatter.add.f32 [tilespmem:s26], [sflag:$0x2], $0x20, s28, s19, $0xb8;
	[tilespmem:$0xFF00] =	vst v63  }
0x56: {  	s22 =	sadd.s32 $0x5F00, s1;
	s26 =	simm.s32 $0x2800  }
0x57: {  	[spmem:s2] =	stream.indirect.scatter.add.f32 [tilespmem:s22], [sflag:$0x2], $0x20, s26, s19, $0xb8;
	[tilespmem:$0xFF00] =	vst v63  }
0x58: {  	s1 =	sadd.s32 $0x6F00, s1;
	s28 =	simm.s32 $0x2880  }
0x59: {  	[spmem:s2] =	stream.indirect.scatter.add.f32 [tilespmem:s1], [sflag:$0x2], $0x20, s28, s19, $0xb8;
	[tilespmem:$0xFF00] =	vst v63  }
0x5a: {  	_ =	swait.ge [sflag:s24], $0x1000  }
0x5b: {  	[sflag:s24] =	ssyncset.done $0x0  }
0x5c: {  	[sflag:s24] =	ssyncadd.s32 $0xFFFFF000  }
0x5d: {  	_ =	swait.ge [sflag:s24], $0x1000  }
0x5e: {  	[sflag:s24] =	ssyncset.done $0x0  }
0x5f: {  	[sflag:s24] =	ssyncadd.s32 $0xFFFFF000  }
0x60: {  	_ =	swait.ge [sflag:s24], $0x1000  }
0x61: {  	s1 =	simm.s32 $0x600;
	[sflag:s24] =	ssyncset.done $0x0  }
.LBB2_4:
0x62: {  	p1 =	sne.s32 s1, $0x9000;
	[sflag:s24] =	ssyncadd.s32 $0xFFFFF000;
	s20 =	sadd.s32 $0x1, s20  }
0x63: {  	s21 =	smov.u32 s1;
	s1 =	sadd.s32 $0x600, s1;
	_ =	swait.ge [sflag:s23], $0x1000  }
0x64: {  	[sflag:s23] =	ssyncset.done $0x0  }
0x65: {  	[sflag:s23] =	ssyncadd.s32 $0xFFFFF000  }
0x66: {  	_ =	swait.ge [sflag:s23], $0x1000  }
0x67: {  	s22 =	sand.u32 $0x1, s20;
	[sflag:s23] =	ssyncset.done $0x0  }
0x68: {  	p2 =	seq.s32 s22, $0x1;
	s22 =	simm.s32 $0x3000;
	[sflag:s23] =	ssyncadd.s32 $0xFFFFF000  }
0x69: {  	s22 =	simm.s32 @!p2 $0x0;
	_ =	swait.ge [sflag:s23], $0x1000  }
0x6a: {  	s21 =	sshra.s32 s21, $0x2;
	s26 =	sxor.u32 $0x3000, s22;
	[sflag:s23] =	ssyncset.done $0x0  }
0x6b: {  	s28 =	sadd.s32 $0x180, s21;
	s26 =	sor.u32 $0x4F00, s26;
	[sflag:s23] =	ssyncadd.s32 $0xFFFFF000  }
0x6c: {  	[tilespmem:s26], [sflag:$0x1] =	stream.indirect.gather [hbm4b:s4+s19], $0x20, s28, s19, $0xb8;
	[tilespmem:$0xFF00] =	vst v63  }
0x6d: {  	s26 =	ssub.s32 $0x8F00, s22;
	s28 =	sadd.s32 $0x200, s21  }
0x6e: {  	[tilespmem:s26], [sflag:$0x1] =	stream.indirect.gather [hbm4b:s4+s19], $0x20, s28, s19, $0xb8;
	[tilespmem:$0xFF00] =	vst v63  }
0x6f: {  	s26 =	ssub.s32 $0x9F00, s22;
	s28 =	sadd.s32 $0x280, s21  }
0x70: {  	[tilespmem:s26], [sflag:$0x1] =	stream.indirect.gather [hbm4b:s4+s19], $0x20, s28, s19, $0xb8;
	[tilespmem:$0xFF00] =	vst v63  }
0x71: {  	s26 =	sor.u32 $0x4F00, s22;
	s28 =	sadd.s32 $0x2780, s21  }
0x72: {  	[spmem:s2] =	stream.indirect.scatter.add.f32 [tilespmem:s26], [sflag:$0x2], $0x20, s28, s19, $0xb8;
	[tilespmem:$0xFF00] =	vst v63  }
0x73: {  	s26 =	sadd.s32 $0x5F00, s22;
	s28 =	sadd.s32 $0x2800, s21  }
0x74: {  	[spmem:s2] =	stream.indirect.scatter.add.f32 [tilespmem:s26], [sflag:$0x2], $0x20, s28, s19, $0xb8;
	[tilespmem:$0xFF00] =	vst v63  }
0x75: {  	s22 =	sadd.s32 $0x6F00, s22;
	s21 =	sadd.s32 $0x2880, s21  }
0x76: {  	[spmem:s2] =	stream.indirect.scatter.add.f32 [tilespmem:s22], [sflag:$0x2], $0x20, s21, s19, $0xb8;
	[tilespmem:$0xFF00] =	vst v63  }
0x77: {  	_ =	swait.ge [sflag:s24], $0x1000  }
0x78: {  	[sflag:s24] =	ssyncset.done $0x0  }
0x79: {  	[sflag:s24] =	ssyncadd.s32 $0xFFFFF000  }
.Ltmp1:
0x7a: {  	_ =	swait.ge [sflag:s24], $0x1000;
	(pc) =	sbr.rel @p1 .LBB2_4-.Ltmp1, $4  }
0x7b: {  	[sflag:s24] =	ssyncset.done $0x0  }
0x7c: {  	[sflag:s24] =	ssyncadd.s32 $0xFFFFF000  }
0x7d: {  	_ =	swait.ge [sflag:s24], $0x1000  }
0x7e: {  	[sflag:s24] =	ssyncset.done $0x0  }
0x7f: {  	[sflag:s24] =	ssyncadd.s32 $0xFFFFF000  }
0x80: {  	_ =	swait.ge [sflag:s23], $0x1000  }
0x81: {  	[sflag:s23] =	ssyncset.done $0x0  }
0x82: {  	[sflag:s23] =	ssyncadd.s32 $0xFFFFF000  }
0x83: {  	_ =	swait.ge [sflag:s23], $0x1000  }
0x84: {  	[sflag:s23] =	ssyncset.done $0x0  }
0x85: {  	[sflag:s23] =	ssyncadd.s32 $0xFFFFF000  }
0x86: {  	_ =	swait.ge [sflag:s23], $0x1000  }
0x87: {  	[sflag:s23] =	ssyncset.done $0x0  }
0x88: {  	s1 =	simm.s32 $0x4D00;
	s20 =	simm.s32 $0x7F00;
	[sflag:s23] =	ssyncadd.s32 $0xFFFFF000  }
0x89: {  	[spmem:s2] =	stream.indirect.scatter.add.f32 [tilespmem:s20], [sflag:$0x2], $0x20, s1, s19, $0xb8;
	[tilespmem:$0xFF00] =	vst v63  }
0x8a: {  	_ = 	snop  }
0x8b: {  	[spmem:s2] =	stream.indirect.scatter.add.f32 [tilespmem:s30], [sflag:$0x2], $0x20, s29, s19, $0xb8;
	[tilespmem:$0xFF00] =	vst v63  }
0x8c: {  	_ = 	snop  }
0x8d: {  	[spmem:s2] =	stream.indirect.scatter.add.f32 [tilespmem:s0], [sflag:$0x2], $0x20, s31, s19, $0xb8;
	[tilespmem:$0xFF00] =	vst v63  }
0x8e: {  	_ =	swait.ge [sflag:s24], $0x1000  }
0x8f: {  	[sflag:s24] =	ssyncset.done $0x0  }
0x90: {  	[sflag:s24] =	ssyncadd.s32 $0xFFFFF000  }
0x91: {  	_ =	swait.ge [sflag:s24], $0x1000  }
0x92: {  	[sflag:s24] =	ssyncset.done $0x0  }
0x93: {  	[sflag:s24] =	ssyncadd.s32 $0xFFFFF000  }
0x94: {  	_ =	swait.ge [sflag:s24], $0x1000  }
0x95: {  	s21 =	simm.s32 @!p0 $0x4F00;
	[sflag:s24] =	ssyncset.done $0x0  }
0x96: {  	s1 =	simm.s32 @!p0 $0x80;
	s20 =	simm.s32 @!p0 $0x2700;
	[sflag:s24] =	ssyncadd.s32 $0xFFFFF000  }
0x97: {  	[tilespmem:s21], [sflag:$0x1] =	stream.indirect.gather @!p0 [hbm4b:s4+s1], $0x20, s20, s1, $0xb8;
	[tilespmem:$0xFF00] =	vst v63  }
0x98: {  	s20 =	simm.s32 @!p0 $0x1  }
0x99: {  	_ =	swait.ge @!p0 [sflag:s20], $0x1000  }
0x9a: {  	[sflag:s20] =	ssyncset.done @!p0 $0x0  }
0x9b: {  	[sflag:s20] =	ssyncadd.s32 @!p0 $0xFFFFF000;
	s20 =	simm.s32 @!p0 $0x4E80  }
0x9c: {  	[spmem:s2] =	stream.indirect.scatter.add.f32 @!p0 [tilespmem:s21], [sflag:$0x2], $0x20, s20, s1, $0xb8;
	[tilespmem:$0xFF00] =	vst v63  }
0x9d: {  	s1 =	simm.s32 @!p0 $0x2  }
0x9e: {  	_ =	swait.ge @!p0 [sflag:s1], $0x1000  }
0x9f: {  	s28 =	stileid.u32;
	s18 =	sadd.s32 $0x1, s18;
	[sflag:s1] =	ssyncset.done @!p0 $0x0  }
0xa0: {  	p1 =	sne.s32 s18, s11;
	[sflag:s1] =	ssyncadd.s32 @!p0 $0xFFFFF000;
	s1 =	sshll.u32 s28, $0x6  }
.Ltmp2:
0xa1: {  	[bflag:$0x0] =	sbarrier.arrive $0xFFFF;
	s1 =	sor.u32 $0x1C03, s1;
	(pc) =	sbr.rel @p1 .LBB2_1-.Ltmp2, $4  }
0xa2: {  	[hbm:s10], [sflag:s1] =	dma.local [spmem:s25], $0xA00  }
0xa3: {  	_ =	swait.ge [sflag:s17], $0xA00  }
0xa4: {  	[sflag:s17] =	ssyncset.done $0x0  }
0xa5: {  	[sflag:s17] =	ssyncadd.s32 $0xFFFFF600  }
0xa6: {  	_ =	sfence.sel $0x180000  }
0xa7: {  	[bflag:$0x0] =	sbarrier.arrive $0xFFFF  }
0xa8: {  	_ =	strace $0x9000004A  }
0xa9: {  	s0 =	stileid.u32;
	[bflag:$0x2] =	sbarrier.arrive $0xFFFF  }
0xaa: {  	p0 =	sne.s32 s0, $0x0;
	s0 =	rddreg [dreg:$0x2]  }
0xab: {  	s0 =	sadd.s32 @!p0 $0x100000, s0  }
0xac: {  	[sflag:s0] =	ssyncadd.tile.s32 @!p0 $0x1;
	_ =	shalt  }
.Lfunc_end2:
_tile_overlayer_lowered:
.L_overlay_start_2:
0xad: {  	(tag) =	ssettag $0x2  }
0xae: {  	s0 =	rddreg [dreg:$0x0];
	s2 =	stileid.u32  }
0xaf: {  	s1 =	rddreg [dreg:$0x1];
	p0 =	sne.s32 s2, $0x0  }
0xb0: {  	s3 =	rddreg [dreg:$0x2];
	[bflag:$0x3] =	sbarrier.arrive $0xFFFF;
	s2 =	simm.s32 @!p0 $0x1C03  }
0xb1: {  	[timem:s3], [sflag:s2] =	dma.local @!p0 [hbm:s0], s1  }
0xb2: {  	s0 =	simm.s32 @!p0 $0x3  }
0xb3: {  	_ =	swait.ge @!p0 [sflag:s0], s1  }
0xb4: {  	s1 =	ssub.s32 @!p0 $0x0, s1;
	[sflag:s0] =	ssyncset.done @!p0 $0x0  }
0xb5: {  	[sflag:s0] =	ssyncadd.s32 @!p0 s1  }
0xb6: {  	[bflag:$0x3] =	sbarrier.arrive $0xFFFF  }
0xb7: {  	_ =	shalt  }

// kernel: kernel.14.cloned.1.call-start
scs
__scs_entry_jumppad:
0x0: {  	(pc) =	sbr.rel $0x88, $3  }
0x1: {  	(tag) =	ssettag $0x0;
	lr =	simm.s32 $0x1  }
0x2: {  	[smem:$0x3F9B] =	sst lr;
	_ =	strace $0xD0000000  }
0x3: {  	_ = 	snop  }
0x4: {  	_ = 	snop  }
0x5: {  	_ = 	snop  }
0x6: {  	_ = 	snop  }
0x7: {  	_ = 	snop  }
__scs_overlays_trampoline_lowered:
0x8: {  	[smem:$0x3FAA] =	sst s0  }
0x9: {  	[smem:$0x3FAB] =	sst s1  }
0xa: {  	[smem:$0x3FAC] =	sst s2  }
0xb: {  	[smem:$0x3FAD] =	sst s3  }
0xc: {  	[smem:$0x3FAE] =	sst s4  }
0xd: {  	[smem:$0x3FAF] =	sst s5  }
0xe: {  	[smem:$0x3FB0] =	sst s6  }
0xf: {  	[smem:$0x3FB1] =	sst s7  }
0x10: {  	[smem:$0x3FB2] =	sst s8  }
0x11: {  	[smem:$0x3FB3] =	sst s9;
	s0 =	simm.s32 @!p0 $0x0  }
0x12: {  	s1 =	sld [smem:$0x3F99];
	s0 =	simm.s32 @p0 $0x1  }
0x13: {  	[smem:$0x3FB4] =	sst s0;
	s0 =	simm.s32 @!p1 $0x0  }
0x14: {  	s2 =	sld [smem:$0x3F98];
	s0 =	simm.s32 @p1 $0x1  }
0x15: {  	[smem:$0x3FB5] =	sst s0;
	s0 =	simm.s32 @!p2 $0x0  }
0x16: {  	s3 =	sld [smem:$0x3FDB];
	s0 =	simm.s32 @p2 $0x1  }
0x17: {  	s4 =	simm.s32 $0x1BF5;
	[smem:$0x3FB7] =	sst s0  }
0x18: {  	s0 =	sld [smem:$0x3F9A];
	_ =	swait.ge [sflag:s4], $0x0  }
0x19: {  	s7 =	sld [smem:$0x3F9B]  }
0x1a: {  	s8 =	sadd.s32 $0xFFFFE003, lr  }
0x1b: {  	s9 =	sadd.s32 $0xFFFFFEF7, lr;
	s5 =	simm.s32 $0xFFFFFFFF;
	p2 =	slt.u32 s8, $0xFFFFF086  }
0x1c: {  	p1 =	slt.u32 s9, $0xF7A;
	s5 =	simm.s32 @!p2 $0x0  }
0x1d: {  	s5 =	simm.s32 @p1 $0x1;
	p0 =	seq.s32 s7, s2  }
0x1e: {  	s7 =	smul.u32 @!p0 $0xF7A, s2;
	p2 =	seq.s32 @!p0 s5, $0x0  }
0x1f: {  	s9 =	smul.u32 $0xF7A, s1;
	s8 =	simm.s32 @!p0 $0x1BF5;
	p2 =	por !p2, p0  }
0x20: {  	[sflag:s8] =	ssyncset.s32 @!p0 $0xFFFFF086;
	s6 =	sadd.s32 @!p0 s3, s7;
	s7 =	simm.s32 @!p0 $0x108  }
0x21: {  	s3 =	sadd.s32 s3, s9;
	s6 =	sadd.s32 @!p0 $0x88, s6;
	s7 =	simm.s32 @p2 $0x1082  }
0x22: {  	[simem:s7], [sflag:s8] =	dma.local @!p0 [hbm:s6], $0xF7A  }
0x23: {  	s9 =	sor.u32 $0xD0000000, s2;
	s6 =	simm.s32 $0x108;
	_ =	swait.ge @!p0 [sflag:s8], $0x0  }
0x24: {  	s3 =	sadd.s32 $0x88, s3;
	s6 =	simm.s32 @!p1 $0x1082;
	[sflag:s4] =	ssyncset.s32 $0xFFFFF086  }
0x25: {  	[simem:s6], [sflag:s4] =	dma.local [hbm:s3], $0xF7A  }
0x26: {  	[smem:$0x3F9B] =	sst s1;
	(tag) =	ssettag s2;
	_ =	strace s9  }
0x27: {  	s1 =	sld [smem:$0x3FAB]  }
0x28: {  	s2 =	sld [smem:$0x3FAC]  }
0x29: {  	s4 =	sld [smem:$0x3FAE]  }
0x2a: {  	p0 =	seq.s32 s5, $0x0;
	s5 =	sld [smem:$0x3FAF]  }
0x2b: {  	s6 =	sld [smem:$0x3FB0]  }
0x2c: {  	s7 =	sld [smem:$0x3FB1]  }
0x2d: {  	s3 =	simm.s32 $0x108;
	s8 =	sld [smem:$0x3FB2]  }
0x2e: {  	s3 =	simm.s32 @!p0 $0x1082;
	s9 =	sld [smem:$0x3FB3]  }
0x2f: {  	lr =	sadd.s32 s0, s3;
	s0 =	sld [smem:$0x3FAA]  }
0x30: {  	s3 =	sld [smem:$0x3FAD]  }
0x31: {  	[smem:$0x3FB6] =	sst s10  }
0x32: {  	s10 =	sld [smem:$0x3FB4];
	_ =	sdelay $0x3  }
0x33: {  	p0 =	seq.s32 s10, $0x1;
	s10 =	sld [smem:$0x3FB6];
	_ =	sdelay $0x3  }
0x34: {  	[smem:$0x3FB6] =	sst s10  }
0x35: {  	s10 =	sld [smem:$0x3FB5];
	_ =	sdelay $0x3  }
0x36: {  	p1 =	seq.s32 s10, $0x1;
	s10 =	sld [smem:$0x3FB6];
	_ =	sdelay $0x3  }
0x37: {  	[smem:$0x3FB6] =	sst s10  }
0x38: {  	s10 =	sld [smem:$0x3FB7]  }
0x39: {  	_ = 	snop;
	(pc) =	sbr.ind lr, $3  }
0x3a: {  	_ = 	snop  }
0x3b: {  	_ = 	snop  }
0x3c: {  	p2 =	seq.s32 s10, $0x1;
	s10 =	sld [smem:$0x3FB6]  }
0x3d: {  	_ =	shalt  }
0x3e: {  	_ =	shalt  }
0x3f: {  	_ =	shalt  }
0x40: {  	_ =	shalt  }
0x41: {  	_ =	shalt  }
0x42: {  	_ =	shalt  }
0x43: {  	_ =	shalt  }
0x44: {  	_ =	shalt  }
0x45: {  	_ =	shalt  }
0x46: {  	_ =	shalt  }
0x47: {  	_ =	shalt  }
0x48: {  	_ =	shalt  }
0x49: {  	_ =	shalt  }
0x4a: {  	_ =	shalt  }
0x4b: {  	_ =	shalt  }
0x4c: {  	_ =	shalt  }
0x4d: {  	_ =	shalt  }
0x4e: {  	_ =	shalt  }
0x4f: {  	_ =	shalt  }
0x50: {  	_ =	shalt  }
0x51: {  	_ =	shalt  }
0x52: {  	_ =	shalt  }
0x53: {  	_ =	shalt  }
0x54: {  	_ =	shalt  }
0x55: {  	_ =	shalt  }
0x56: {  	_ =	shalt  }
0x57: {  	_ =	shalt  }
0x58: {  	_ =	shalt  }
0x59: {  	_ =	shalt  }
0x5a: {  	_ =	shalt  }
0x5b: {  	_ =	shalt  }
0x5c: {  	_ =	shalt  }
0x5d: {  	_ =	shalt  }
0x5e: {  	_ =	shalt  }
0x5f: {  	_ =	shalt  }
0x60: {  	_ =	shalt  }
0x61: {  	_ =	shalt  }
0x62: {  	_ =	shalt  }
0x63: {  	_ =	shalt  }
0x64: {  	_ =	shalt  }
0x65: {  	_ =	shalt  }
0x66: {  	_ =	shalt  }
0x67: {  	_ =	shalt  }
0x68: {  	_ =	shalt  }
0x69: {  	_ =	shalt  }
0x6a: {  	_ =	shalt  }
0x6b: {  	_ =	shalt  }
0x6c: {  	_ =	shalt  }
0x6d: {  	_ =	shalt  }
0x6e: {  	_ =	shalt  }
0x6f: {  	_ =	shalt  }
0x70: {  	_ =	shalt  }
0x71: {  	_ =	shalt  }
0x72: {  	_ =	shalt  }
0x73: {  	_ =	shalt  }
0x74: {  	_ =	shalt  }
0x75: {  	_ =	shalt  }
0x76: {  	_ =	shalt  }
0x77: {  	_ =	shalt  }
0x78: {  	_ =	shalt  }
0x79: {  	_ =	shalt  }
0x7a: {  	_ =	shalt  }
0x7b: {  	_ =	shalt  }
0x7c: {  	_ =	shalt  }
0x7d: {  	_ =	shalt  }
0x7e: {  	_ =	shalt  }
0x7f: {  	_ =	shalt  }
0x80: {  	_ =	shalt  }
0x81: {  	_ =	shalt  }
0x82: {  	_ =	shalt  }
0x83: {  	_ =	shalt  }
0x84: {  	_ =	shalt  }
0x85: {  	_ =	shalt  }
0x86: {  	_ =	shalt  }
0x87: {  	_ =	shalt  }
.Lfunc_end0:
.L_simem_size_0:
called_computation.2_lowered:
.L_overlay_start_0:
0x88: {  	s2 =	sld [smem:$0x3FD9]  }
0x89: {  	s3 =	sld [smem:$0x3FFE];
	_ =	sdelay $0x1  }
0x8a: {  	s1 =	srdreg.scid  }
0x8b: {  	s0 =	sand.u32 $0x1, s1  }
0x8c: {  	s14 =	sshll.u32 s0, $0xA;
	s2 =	sadd.s32 s3, s2  }
0x8d: {  	s2 =	sadd.s32 s2, s14  }
0x8e: {  	[smem:$0x3FC2] =	sst s2  }
0x8f: {  	_ = 	snop  }
0x90: {  	s2 =	sld [smem:$0x3FD0];
	_ =	sdelay $0x2  }
0x91: {  	s15 =	simm.s32 $0xA;
	s4 =	simm.s32 $0x10  }
0x92: {  	[smem:s4], [sflag:s15] =	dma.local [hbm:s2], $0x1  }
0x93: {  	_ =	swait.eq [sflag:s15], $0x1  }
0x94: {  	[sflag:s15] =	ssyncset.done $0x0  }
0x95: {  	[sflag:s15] =	ssyncadd.s32 $0xFFFFFFFF  }
0x96: {  	s16 =	sld [smem:$0x11];
	(tm) =	ssettm $0x1  }
0x97: {  	s17 =	sld [smem:$0x3FFB];
	_ =	sdelay $0x3  }
0x98: {  	_ =	strace s17  }
0x99: {  	s3 =	sld [smem:$0x3FFC];
	_ =	sdelay $0x3  }
0x9a: {  	_ =	strace s3  }
0x9b: {  	s3 =	sld [smem:$0x3FFD];
	_ =	sdelay $0x3  }
0x9c: {  	_ =	strace s3  }
0x9d: {  	_ =	strace $0x8FFFFFFF  }
0x9e: {  	s18 =	sld [smem:$0x3FDB];
	_ =	sdelay $0x1  }
0x9f: {  	s19 =	simm.s32 $_scs_section_size  }
0xa0: {  	s5 =	simm.s32 $_size__tile_overlayer_lowered;
	s6 =	simm.s32 $_tile_overlayer_lowered  }
0xa1: {  	s22 =	simm.s32 $0x1BFF;
	s21 =	sshll.u32 s6, $0x1;
	s3 =	sadd.s32 s19, s18  }
0xa2: {  	s7 =	simm.s32 $0x0;
	s20 =	sshll.u32 s5, $0x1;
	s5 =	sadd.s32 s21, s3  }
0xa3: {  	[timem:s7], [sflag:s22] =	dma.local [hbm:s5], s20  }
0xa4: {  	_ =	swait.ge [sflag:s22], s20  }
0xa5: {  	s4 =	ssub.s32 $0x0, s20;
	[sflag:s22] =	ssyncset.done $0x0  }
0xa6: {  	[sflag:s22] =	ssyncadd.s32 s4;
	_ =	sdelay $0x1  }
0xa7: {  	s23 =	simm.s32 $0x1B8B  }
0xa8: {  	_ =	swait.ge [sflag:s23], $0x1  }
0xa9: {  	[sflag:s23] =	ssyncset.done $0x0  }
0xaa: {  	s25 =	simm.s32 $0x1B8E;
	s24 =	sld [smem:$0x3FFE];
	[sflag:s23] =	ssyncadd.s32 $0xFFFFFFFF  }
0xab: {  	s26 =	simm.s32 $execute0_lowered;
	[smem:$0x3FD2] =	sst s25  }
0xac: {  	s5 =	sshll.u32 s26, $0x1;
	_ =	strace $0x8000004C;
	[dreg:$0x1] =	wrdreg $0xFFFFFFFF  }
0xad: {  	s28 =	simm.s32 $_size_execute0_lowered;
	s3 =	sadd.s32 s3, s5;
	[dreg:$0x0] =	wrdreg $0x0  }
0xae: {  	s5 =	sshll.u32 s28, $0x1;
	[dreg:$0x2] =	wrdreg s3  }
0xaf: {  	[dreg:$0x3] =	wrdreg s5  }
0xb0: {  	[dreg:$0x4] =	wrdreg $0xC0  }
0xb1: {  	_ =	task [dreg:s7], $0x5FFFF  }
0xb2: {  	[dreg:$0x1] =	wrdreg $0xFFFFFFFF  }
0xb3: {  	[dreg:$0x0] =	wrdreg $0x60  }
0xb4: {  	[dreg:$0x2] =	wrdreg s16  }
0xb5: {  	[dreg:$0x3] =	wrdreg s24  }
0xb6: {  	[dreg:$0x4] =	wrdreg $0xC7000  }
0xb7: {  	[dreg:$0x5] =	wrdreg $0x9  }
0xb8: {  	_ =	task.clear_ibuf [dreg:s7], $0x6FFFF;
	_ =	strace $0x9000004C  }
0xb9: {  	s29 =	simm.s32 $0x9;
	_ =	strace $0x8000004E  }
0xba: {  	_ =	swait.ge [sflag:s29], $0x1  }
0xbb: {  	[sflag:s29] =	ssyncadd.s32 $0xFFFFFFFF  }
0xbc: {  	_ =	strace $0x9000004E  }
0xbd: {  	_ =	sfence  }
0xbe: {  	s30 =	sld [smem:$0x0];
	_ =	sdelay $0x2  }
0xbf: {  	s31 =	sshll.u32 s1, $0xD;
	s1 =	sshrl.u32 s1, $0x2  }
0xc0: {  	s3 =	sand.u32 $0x4000, s31;
	s1 =	sadd.s32 s1, s30  }
0xc1: {  	s0 =	sor.u32 s3, s0;
	s1 =	sshll.u32 s1, $0x11  }
0xc2: {  	s0 =	sor.u32 s1, s0  }
0xc3: {  	s0 =	sadd.s32 $0x8F2B, s0  }
0xc4: {  	[sflag:s0] =	ssyncadd.remote.s32 $0x1  }
0xc5: {  	_ =	sfence.sel $0xFFFF  }
0xc6: {  	[dreg:$0x0] =	wrdreg $0xFFFFFFFF;
	(pc) =	sbr.abs _section_cstart, $3  }
0xc7: {  	[dreg:$0x1] =	wrdreg $0xFFFFFFFF  }
0xc8: {  	_ =	task.clear_ibuf [dreg:s7], $0x2FFFF;
	_ =	strace $0x9FFFFFFF  }
0xc9: {  	(tm) =	ssettm $0x7FFFFFFF  }
tec
execute0_lowered:
.L_overlay_start_1:
0x0: {  	(tag) =	ssettag $0x1  }
0x1: {  	s0 =	srdreg.scid  }
0x2: {  	s26 =	stileid.u32;
	s4 =	rddreg [dreg:$0x1]  }
0x3: {  	s9 =	rddreg [dreg:$0x2];
	s3 =	simm.s32 $0x0;
	s28 =	simm.s32 $0x4F00  }
0x4: {  	s30 =	simm.s32 $0x1;
	s31 =	simm.s32 $0x7700;
	s1 =	smul.u32 $0x280, s26  }
0x5: {  	s0 =	sand.u32 $0x1, s0;
	s2 =	sshll.u32 s26, $0x1;
	s8 =	smul.u32 $0xA000, s26  }
0x6: {  	[smem:$0x7FF] =	sst s3;
	s5 =	smul.u32 $0x2800, s0;
	s2 =	sor.u32 s0, s2  }
0x7: {  	p0 =	slt.u32 s26, $0x2;
	s23 =	sadd.s32 $0x1E00, s4;
	s6 =	smul.u32 $0x4E, s2  }
0x8: {  	_ =	strace $0x8000004D;
	s0 =	ssub.s32 $0x2, s0;
	s2 =	smul.u32 $0x4F, s2  }
0x9: {  	s7 =	sshrl.u32 s0, $0x1;
	s29 =	sshrl.u32 s8, $0x2;
	s5 =	sadd.s32 s1, s5  }
0xa: {  	s0 =	ssub.s32 s0, s7;
	s7 =	sadd.s32 s1, s9;
	s9 =	sadd.s32 s29, s9  }
0xb: {  	s1 =	simm.s32 $0x0;
	s6 =	sadd.s32 $0x4, s6;
	s5 =	sshrl.u32 s5, $0x3  }
0xc: {  	s10 =	sadd.s32 $0x2800, s7;
	s11 =	sadd.s32 $0x5000, s7;
	s12 =	sadd.s32 $0x7800, s7  }
0xd: {  	s13 =	sadd.s32 $0xA000, s7;
	s14 =	sadd.s32 $0xC800, s7;
	s15 =	sadd.s32 $0xF000, s7  }
0xe: {  	s16 =	sadd.s32 $0x11800, s7;
	s17 =	sadd.s32 $0x14000, s7;
	s18 =	sadd.s32 $0x16800, s7  }
0xf: {  	s19 =	sadd.s32 $0x19000, s7;
	s20 =	sadd.s32 $0x1B800, s7;
	s6 =	smov.u32 @p0 s2  }
0x10: {  	s21 =	sadd.s32 $0x1E000, s7;
	s22 =	sadd.s32 $0x20800, s7;
	s6 =	sshll.u32 s6, $0x4  }
0x11: {  	s4 =	sadd.s32 s5, s4;
	p0 =	sgt.u32 s26, $0x1;
	s24 =	sand.u32 $0x1FFFFFF0, s6  }
0x12: {  	s26 =	sadd.s32 $0x25800, s7;
	s2 =	sadd.s32 s23, s6;
	s5 =	sadd.s32 s23, s24  }
0x13: {  	[dreg:$0x4] =	wrdreg s2;
	s23 =	sadd.s32 $0x23000, s7;
	s24 =	sadd.s32 $0x15800, s4  }
0x14: {  	s2 =	simm.s32 $0x2;
	s25 =	sadd.s32 $0x9C40, s5;
	s6 =	sadd.s32 $0x4E0, s5  }
0x15: {  	v0 =	vimm.f32 $0.0e+00;
	s8 =	sadd.s32 $0xA120, s5;
	[dreg:$0x5] =	wrdreg s25;
	s25 =	smax.u32 s0, $0x1  }
.LBB2_1:
0x16: {  	s0 =	rddreg [dreg:$0x0]  }
0x17: {  	[tilespmem:s28], [sflag:$0x1] =	stream.linear.gather [hbm4b:s0+s3], $0x2800, $0x38;
	[tilespmem:$0xEF00] =	vst v63  }
0x18: {  	s5 =	rddreg [dreg:$0x4]  }
0x19: {  	[tilespmem:s3], [sflag:$0x1] =	stream.linear.gather [hbm4b:s5+s3], $0x2700, $0x38;
	[tilespmem:$0xEF00] =	vst v63  }
0x1a: {  	s29 =	rddreg [dreg:$0x5];
	s4 =	simm.s32 $0x2780  }
0x1b: {  	[tilespmem:s4], [sflag:$0x1] =	stream.linear.gather [hbm4b:s29+s3], $0x2700, $0x38;
	[tilespmem:$0xEF00] =	vst v63  }
0x1c: {  	s0 =	simm.s32 @!p0 $0x0;
	s4 =	simm.s32 @!p0 $0x2700  }
0x1d: {  	[tilespmem:s4], [sflag:$0x2] =	stream.linear.gather @!p0 [hbm4b:s6+s0], $0x80, $0x38;
	[tilespmem:$0xEF00] =	vst v63  }
0x1e: {  	s4 =	simm.s32 @!p0 $0x2  }
0x1f: {  	_ =	swait.ge @!p0 [sflag:s4], $0x80  }
0x20: {  	[sflag:s4] =	ssyncset.done @!p0 $0x0  }
0x21: {  	s5 =	simm.s32 @!p0 $0x4E80;
	[sflag:s4] =	ssyncadd.s32 @!p0 $0xFFFFFF80  }
0x22: {  	[tilespmem:s5], [sflag:$0x2] =	stream.linear.gather @!p0 [hbm4b:s8+s0], $0x80, $0x38;
	[tilespmem:$0xEF00] =	vst v63  }
0x23: {  	_ =	swait.ge @!p0 [sflag:s4], $0x80  }
0x24: {  	[sflag:s4] =	ssyncset.done @!p0 $0x0  }
0x25: {  	s0 =	simm.s32 $0x40;
	[sflag:s4] =	ssyncadd.s32 @!p0 $0xFFFFFF80;
	s4 =	simm.s32 $0x0  }
.LBB2_2:
0x26: {  	p1 =	sne.s32 s0, $0x9FC0;
	[tilespmem:s4+$0x7700] =	vst v0;
	s4 =	smov.u32 s0;
	s0 =	sadd.s32 $0x40, s0  }
.Ltmp0:
0x27: {  	(pc) =	sbr.rel @p1 .LBB2_2-.Ltmp0, $2  }
0x28: {  	_ =	sdelay $0x2  }
0x29: {  	s4 =	sshra.s32 s4, $0x2  }
0x2a: {  	[tilespmem:s4+$0x7700] =	vst v0  }
0x2b: {  	_ =	swait.ge [sflag:s30], $0x2800  }
0x2c: {  	[sflag:s30] =	ssyncset.done $0x0  }
0x2d: {  	[sflag:s30] =	ssyncadd.s32 $0xFFFFD800  }
0x2e: {  	_ =	swait.ge [sflag:s30], $0x2700  }
0x2f: {  	[sflag:s30] =	ssyncset.done $0x0  }
0x30: {  	[sflag:s30] =	ssyncadd.s32 $0xFFFFD900  }
0x31: {  	_ =	swait.ge [sflag:s30], $0x2700  }
0x32: {  	[sflag:s30] =	ssyncset.done $0x0  }
0x33: {  	s0 =	simm.s32 $0x0;
	[sflag:s30] =	ssyncadd.s32 $0xFFFFD900  }
.LBB2_4:
0x34: {  	s4 =	sshra.s32 s0, $0x2  }
0x35: {  	v1 =	vld [tilespmem:s4+$0x0];
	_ =	sdelay $0x4  }
0x36: {  	v2 =	vld [tilespmem:s4+$0x2780];
	_ =	sdelay $0x2  }
0x37: {  	v1 =	vld.idx.msk [tilespmem:v1+s28+$0x0], $0xffff;
	_ =	sdelay $0x4  }
0x38: {  	[tilespmem:v2+s31+$0x0] =	vst.idx.add.f32.msk $0xffff, v1  }
0x39: {  	v1 =	vld [tilespmem:s4+$0x10];
	_ =	sdelay $0x4  }
0x3a: {  	v2 =	vld [tilespmem:s4+$0x2790];
	_ =	sdelay $0x2  }
0x3b: {  	v1 =	vld.idx.msk [tilespmem:v1+s28+$0x0], $0xffff;
	_ =	sdelay $0x4  }
0x3c: {  	[tilespmem:v2+s31+$0x0] =	vst.idx.add.f32.msk $0xffff, v1  }
0x3d: {  	v1 =	vld [tilespmem:s4+$0x20];
	_ =	sdelay $0x4  }
0x3e: {  	v2 =	vld [tilespmem:s4+$0x27A0];
	_ =	sdelay $0x2  }
0x3f: {  	v1 =	vld.idx.msk [tilespmem:v1+s28+$0x0], $0xffff;
	_ =	sdelay $0x4  }
0x40: {  	[tilespmem:v2+s31+$0x0] =	vst.idx.add.f32.msk $0xffff, v1  }
0x41: {  	v1 =	vld [tilespmem:s4+$0x30];
	_ =	sdelay $0x4  }
0x42: {  	v2 =	vld [tilespmem:s4+$0x27B0];
	_ =	sdelay $0x2  }
0x43: {  	v1 =	vld.idx.msk [tilespmem:v1+s28+$0x0], $0xffff;
	_ =	sdelay $0x4  }
0x44: {  	[tilespmem:v2+s31+$0x0] =	vst.idx.add.f32.msk $0xffff, v1  }
0x45: {  	v1 =	vld [tilespmem:s4+$0x40];
	_ =	sdelay $0x4  }
0x46: {  	v2 =	vld [tilespmem:s4+$0x27C0];
	_ =	sdelay $0x2  }
0x47: {  	v1 =	vld.idx.msk [tilespmem:v1+s28+$0x0], $0xffff;
	_ =	sdelay $0x4  }
0x48: {  	[tilespmem:v2+s31+$0x0] =	vst.idx.add.f32.msk $0xffff, v1  }
0x49: {  	v1 =	vld [tilespmem:s4+$0x50];
	_ =	sdelay $0x4  }
0x4a: {  	v2 =	vld [tilespmem:s4+$0x27D0];
	_ =	sdelay $0x2  }
0x4b: {  	v1 =	vld.idx.msk [tilespmem:v1+s28+$0x0], $0xffff;
	_ =	sdelay $0x4  }
0x4c: {  	[tilespmem:v2+s31+$0x0] =	vst.idx.add.f32.msk $0xffff, v1  }
0x4d: {  	v1 =	vld [tilespmem:s4+$0x60];
	_ =	sdelay $0x4  }
0x4e: {  	v2 =	vld [tilespmem:s4+$0x27E0];
	_ =	sdelay $0x2  }
0x4f: {  	v1 =	vld.idx.msk [tilespmem:v1+s28+$0x0], $0xffff;
	_ =	sdelay $0x4  }
0x50: {  	[tilespmem:v2+s31+$0x0] =	vst.idx.add.f32.msk $0xffff, v1  }
0x51: {  	v1 =	vld [tilespmem:s4+$0x70];
	_ =	sdelay $0x4  }
0x52: {  	v2 =	vld [tilespmem:s4+$0x27F0];
	_ =	sdelay $0x2  }
0x53: {  	p1 =	sne.s32 s0, $0x9A00;
	v1 =	vld.idx.msk [tilespmem:v1+s28+$0x0], $0xffff  }
.Ltmp1:
0x54: {  	_ = 	snop;
	(pc) =	sbr.rel @p1 .LBB2_4-.Ltmp1, $2  }
0x55: {  	_ =	sdelay $0x2  }
0x56: {  	s0 =	sadd.s32 $0x200, s0;
	[tilespmem:v2+s31+$0x0] =	vst.idx.add.f32.msk $0xffff, v1  }
0x57: {  	v1 =	vld @!p0 [tilespmem:$0x2700];
	_ =	sdelay $0x4  }
0x58: {  	v2 =	vld @!p0 [tilespmem:$0x4E80];
	_ =	sdelay $0x1  }
0x59: {  	s0 =	simm.s32 @!p0 $0x4F00  }
0x5a: {  	v1 =	vld.idx.msk @!p0 [tilespmem:v1+s0+$0x0], $0xffff;
	_ =	sdelay $0x3  }
0x5b: {  	s4 =	simm.s32 @!p0 $0x7700  }
0x5c: {  	[tilespmem:v2+s4+$0x0] =	vst.idx.add.f32.msk @!p0 $0xffff, v1  }
0x5d: {  	v1 =	vld @!p0 [tilespmem:$0x2710];
	_ =	sdelay $0x4  }
0x5e: {  	v2 =	vld @!p0 [tilespmem:$0x4E90];
	_ =	sdelay $0x2  }
0x5f: {  	v1 =	vld.idx.msk @!p0 [tilespmem:v1+s0+$0x0], $0xffff;
	_ =	sdelay $0x4  }
0x60: {  	[tilespmem:v2+s4+$0x0] =	vst.idx.add.f32.msk @!p0 $0xffff, v1  }
0x61: {  	v1 =	vld @!p0 [tilespmem:$0x2720];
	_ =	sdelay $0x4  }
0x62: {  	v2 =	vld @!p0 [tilespmem:$0x4EA0];
	_ =	sdelay $0x2  }
0x63: {  	v1 =	vld.idx.msk @!p0 [tilespmem:v1+s0+$0x0], $0xffff;
	_ =	sdelay $0x4  }
0x64: {  	[tilespmem:v2+s4+$0x0] =	vst.idx.add.f32.msk @!p0 $0xffff, v1  }
0x65: {  	v1 =	vld @!p0 [tilespmem:$0x2730];
	_ =	sdelay $0x4  }
0x66: {  	v2 =	vld @!p0 [tilespmem:$0x4EB0];
	_ =	sdelay $0x2  }
0x67: {  	v1 =	vld.idx.msk @!p0 [tilespmem:v1+s0+$0x0], $0xffff;
	_ =	sdelay $0x4  }
0x68: {  	[tilespmem:v2+s4+$0x0] =	vst.idx.add.f32.msk @!p0 $0xffff, v1  }
0x69: {  	v1 =	vld @!p0 [tilespmem:$0x2740];
	_ =	sdelay $0x4  }
0x6a: {  	v2 =	vld @!p0 [tilespmem:$0x4EC0];
	_ =	sdelay $0x2  }
0x6b: {  	v1 =	vld.idx.msk @!p0 [tilespmem:v1+s0+$0x0], $0xffff;
	_ =	sdelay $0x4  }
0x6c: {  	[tilespmem:v2+s4+$0x0] =	vst.idx.add.f32.msk @!p0 $0xffff, v1  }
0x6d: {  	v1 =	vld @!p0 [tilespmem:$0x2750];
	_ =	sdelay $0x4  }
0x6e: {  	v2 =	vld @!p0 [tilespmem:$0x4ED0];
	_ =	sdelay $0x2  }
0x6f: {  	v1 =	vld.idx.msk @!p0 [tilespmem:v1+s0+$0x0], $0xffff;
	_ =	sdelay $0x4  }
0x70: {  	[tilespmem:v2+s4+$0x0] =	vst.idx.add.f32.msk @!p0 $0xffff, v1  }
0x71: {  	v1 =	vld @!p0 [tilespmem:$0x2760];
	_ =	sdelay $0x4  }
0x72: {  	v2 =	vld @!p0 [tilespmem:$0x4EE0];
	_ =	sdelay $0x2  }
0x73: {  	v1 =	vld.idx.msk @!p0 [tilespmem:v1+s0+$0x0], $0xffff;
	_ =	sdelay $0x4  }
0x74: {  	[tilespmem:v2+s4+$0x0] =	vst.idx.add.f32.msk @!p0 $0xffff, v1  }
0x75: {  	v1 =	vld @!p0 [tilespmem:$0x2770];
	_ =	sdelay $0x4  }
0x76: {  	v2 =	vld @!p0 [tilespmem:$0x4EF0];
	_ =	sdelay $0x2  }
0x77: {  	v1 =	vld.idx.msk @!p0 [tilespmem:v1+s0+$0x0], $0xffff;
	_ =	sdelay $0x4  }
0x78: {  	[tilespmem:v2+s4+$0x0] =	vst.idx.add.f32.msk @!p0 $0xffff, v1  }
0x79: {  	[spmem:s9] =	stream.linear.scatter [tilespmem:s31], [sflag:$0x2], $0x2800, $0x38;
	[tilespmem:$0xEF00] =	vst v63  }
0x7a: {  	_ =	swait.ge [sflag:s2], $0x2800  }
0x7b: {  	[sflag:s2] =	ssyncset.done $0x0  }
0x7c: {  	[sflag:s2] =	ssyncadd.s32 $0xFFFFD800  }
0x7d: {  	s4 =	simm.s32 $0x9F00;
	[bflag:$0x0] =	sbarrier.arrive $0xFFFF  }
0x7e: {  	[tilespmem:s4], [sflag:$0x2] =	stream.linear.gather [spmem:s7], $0x280, $0x38;
	[tilespmem:$0xEF00] =	vst v63  }
0x7f: {  	_ =	swait.ge [sflag:s2], $0x280  }
0x80: {  	[sflag:s2] =	ssyncset.done $0x0  }
0x81: {  	s5 =	simm.s32 $0xA180;
	[sflag:s2] =	ssyncadd.s32 $0xFFFFFD80  }
0x82: {  	[tilespmem:s5], [sflag:$0x2] =	stream.linear.gather [spmem:s10], $0x280, $0x38;
	[tilespmem:$0xEF00] =	vst v63  }
0x83: {  	_ =	swait.ge [sflag:s2], $0x280  }
0x84: {  	[sflag:s2] =	ssyncset.done $0x0  }
0x85: {  	s4 =	simm.s32 $0xA400;
	[sflag:s2] =	ssyncadd.s32 $0xFFFFFD80  }
0x86: {  	[tilespmem:s4], [sflag:$0x2] =	stream.linear.gather [spmem:s11], $0x280, $0x38;
	[tilespmem:$0xEF00] =	vst v63  }
0x87: {  	_ =	swait.ge [sflag:s2], $0x280  }
0x88: {  	[sflag:s2] =	ssyncset.done $0x0  }
0x89: {  	s5 =	simm.s32 $0xA680;
	[sflag:s2] =	ssyncadd.s32 $0xFFFFFD80  }
0x8a: {  	[tilespmem:s5], [sflag:$0x2] =	stream.linear.gather [spmem:s12], $0x280, $0x38;
	[tilespmem:$0xEF00] =	vst v63  }
0x8b: {  	_ =	swait.ge [sflag:s2], $0x280  }
0x8c: {  	[sflag:s2] =	ssyncset.done $0x0  }
0x8d: {  	s4 =	simm.s32 $0xA900;
	[sflag:s2] =	ssyncadd.s32 $0xFFFFFD80  }
0x8e: {  	[tilespmem:s4], [sflag:$0x2] =	stream.linear.gather [spmem:s13], $0x280, $0x38;
	[tilespmem:$0xEF00] =	vst v63  }
0x8f: {  	_ =	swait.ge [sflag:s2], $0x280  }
0x90: {  	[sflag:s2] =	ssyncset.done $0x0  }
0x91: {  	s5 =	simm.s32 $0xAB80;
	[sflag:s2] =	ssyncadd.s32 $0xFFFFFD80  }
0x92: {  	[tilespmem:s5], [sflag:$0x2] =	stream.linear.gather [spmem:s14], $0x280, $0x38;
	[tilespmem:$0xEF00] =	vst v63  }
0x93: {  	_ =	swait.ge [sflag:s2], $0x280  }
0x94: {  	[sflag:s2] =	ssyncset.done $0x0  }
0x95: {  	s4 =	simm.s32 $0xAE00;
	[sflag:s2] =	ssyncadd.s32 $0xFFFFFD80  }
0x96: {  	[tilespmem:s4], [sflag:$0x2] =	stream.linear.gather [spmem:s15], $0x280, $0x38;
	[tilespmem:$0xEF00] =	vst v63  }
0x97: {  	_ =	swait.ge [sflag:s2], $0x280  }
0x98: {  	[sflag:s2] =	ssyncset.done $0x0  }
0x99: {  	s5 =	simm.s32 $0xB080;
	[sflag:s2] =	ssyncadd.s32 $0xFFFFFD80  }
0x9a: {  	[tilespmem:s5], [sflag:$0x2] =	stream.linear.gather [spmem:s16], $0x280, $0x38;
	[tilespmem:$0xEF00] =	vst v63  }
0x9b: {  	_ =	swait.ge [sflag:s2], $0x280  }
0x9c: {  	[sflag:s2] =	ssyncset.done $0x0  }
0x9d: {  	s4 =	simm.s32 $0xB300;
	[sflag:s2] =	ssyncadd.s32 $0xFFFFFD80  }
0x9e: {  	[tilespmem:s4], [sflag:$0x2] =	stream.linear.gather [spmem:s17], $0x280, $0x38;
	[tilespmem:$0xEF00] =	vst v63  }
0x9f: {  	_ =	swait.ge [sflag:s2], $0x280  }
0xa0: {  	[sflag:s2] =	ssyncset.done $0x0  }
0xa1: {  	s5 =	simm.s32 $0xB580;
	[sflag:s2] =	ssyncadd.s32 $0xFFFFFD80  }
0xa2: {  	[tilespmem:s5], [sflag:$0x2] =	stream.linear.gather [spmem:s18], $0x280, $0x38;
	[tilespmem:$0xEF00] =	vst v63  }
0xa3: {  	_ =	swait.ge [sflag:s2], $0x280  }
0xa4: {  	[sflag:s2] =	ssyncset.done $0x0  }
0xa5: {  	s4 =	simm.s32 $0xB800;
	[sflag:s2] =	ssyncadd.s32 $0xFFFFFD80  }
0xa6: {  	[tilespmem:s4], [sflag:$0x2] =	stream.linear.gather [spmem:s19], $0x280, $0x38;
	[tilespmem:$0xEF00] =	vst v63  }
0xa7: {  	_ =	swait.ge [sflag:s2], $0x280  }
0xa8: {  	[sflag:s2] =	ssyncset.done $0x0  }
0xa9: {  	s5 =	simm.s32 $0xBA80;
	[sflag:s2] =	ssyncadd.s32 $0xFFFFFD80  }
0xaa: {  	[tilespmem:s5], [sflag:$0x2] =	stream.linear.gather [spmem:s20], $0x280, $0x38;
	[tilespmem:$0xEF00] =	vst v63  }
0xab: {  	_ =	swait.ge [sflag:s2], $0x280  }
0xac: {  	[sflag:s2] =	ssyncset.done $0x0  }
0xad: {  	s4 =	simm.s32 $0xBD00;
	[sflag:s2] =	ssyncadd.s32 $0xFFFFFD80  }
0xae: {  	[tilespmem:s4], [sflag:$0x2] =	stream.linear.gather [spmem:s21], $0x280, $0x38;
	[tilespmem:$0xEF00] =	vst v63  }
0xaf: {  	_ =	swait.ge [sflag:s2], $0x280  }
0xb0: {  	[sflag:s2] =	ssyncset.done $0x0  }
0xb1: {  	s5 =	simm.s32 $0xBF80;
	[sflag:s2] =	ssyncadd.s32 $0xFFFFFD80  }
0xb2: {  	[tilespmem:s5], [sflag:$0x2] =	stream.linear.gather [spmem:s22], $0x280, $0x38;
	[tilespmem:$0xEF00] =	vst v63  }
0xb3: {  	_ =	swait.ge [sflag:s2], $0x280  }
0xb4: {  	[sflag:s2] =	ssyncset.done $0x0  }
0xb5: {  	s4 =	simm.s32 $0xC200;
	[sflag:s2] =	ssyncadd.s32 $0xFFFFFD80  }
0xb6: {  	[tilespmem:s4], [sflag:$0x2] =	stream.linear.gather [spmem:s23], $0x280, $0x38;
	[tilespmem:$0xEF00] =	vst v63  }
0xb7: {  	_ =	swait.ge [sflag:s2], $0x280  }
0xb8: {  	[sflag:s2] =	ssyncset.done $0x0  }
0xb9: {  	s5 =	simm.s32 $0xC480;
	[sflag:s2] =	ssyncadd.s32 $0xFFFFFD80  }
0xba: {  	[tilespmem:s5], [sflag:$0x2] =	stream.linear.gather [spmem:s26], $0x280, $0x38;
	[tilespmem:$0xEF00] =	vst v63  }
0xbb: {  	_ =	swait.ge [sflag:s2], $0x280  }
0xbc: {  	[sflag:s2] =	ssyncset.done $0x0  }
0xbd: {  	s0 =	simm.s32 $0x0;
	[sflag:s2] =	ssyncadd.s32 $0xFFFFFD80  }
0xbe: {  	v1 =	vld [tilespmem:s0+$0x9F00]  }
0xbf: {  	v2 =	vld [tilespmem:s0+$0xA180];
	_ =	sdelay $0x1  }
0xc0: {  	v3 =	vld [tilespmem:s0+$0xA400];
	_ =	sdelay $0x1  }
0xc1: {  	v4 =	vld [tilespmem:s0+$0xA680]  }
0xc2: {  	v1 =	vadd.f32 v2, v1  }
0xc3: {  	v2 =	vld [tilespmem:s0+$0xA900]  }
0xc4: {  	v1 =	vadd.f32 v3, v1  }
0xc5: {  	v3 =	vld [tilespmem:s0+$0xAB80]  }
0xc6: {  	v1 =	vadd.f32 v4, v1  }
0xc7: {  	v4 =	vld [tilespmem:s0+$0xAE00]  }
0xc8: {  	v1 =	vadd.f32 v2, v1  }
0xc9: {  	v2 =	vld [tilespmem:s0+$0xB080]  }
0xca: {  	s29 =	simm.s32 $0x10;
	v5 =	vld [tilespmem:s0+$0xB300];
	v1 =	vadd.f32 v3, v1  }
0xcb: {  	v6 =	vld [tilespmem:s29+$0x9F00]  }
0xcc: {  	v3 =	vld [tilespmem:s0+$0xB580];
	v1 =	vadd.f32 v4, v1  }
0xcd: {  	v4 =	vld [tilespmem:s29+$0xA180]  }
0xce: {  	v7 =	vld [tilespmem:s29+$0xA400];
	v1 =	vadd.f32 v2, v1  }
0xcf: {  	v2 =	vld [tilespmem:s0+$0xB800]  }
0xd0: {  	v8 =	vld [tilespmem:s29+$0xA680];
	v1 =	vadd.f32 v5, v1  }
0xd1: {  	v5 =	vld [tilespmem:s0+$0xBA80]  }
0xd2: {  	v4 =	vadd.f32 v4, v6;
	v6 =	vld [tilespmem:s29+$0xA900];
	v1 =	vadd.f32 v3, v1  }
0xd3: {  	v3 =	vld [tilespmem:s0+$0xBD00]  }
0xd4: {  	v4 =	vadd.f32 v7, v4;
	v7 =	vld [tilespmem:s29+$0xAB80];
	v1 =	vadd.f32 v2, v1  }
0xd5: {  	v2 =	vld [tilespmem:s0+$0xBF80]  }
0xd6: {  	v9 =	vld [tilespmem:s29+$0xAE00];
	v4 =	vadd.f32 v8, v4;
	v1 =	vadd.f32 v5, v1  }
0xd7: {  	v8 =	vld [tilespmem:s0+$0xC200]  }
0xd8: {  	v5 =	vadd.f32 v6, v4;
	v4 =	vld [tilespmem:s29+$0xB080];
	v6 =	vadd.f32 v3, v1  }
0xd9: {  	v3 =	vld [tilespmem:s0+$0xC480]  }
0xda: {  	v1 =	vld [tilespmem:s29+$0xB580];
	v7 =	vadd.f32 v7, v5;
	v10 =	vadd.f32 v2, v6  }
0xdb: {  	s4 =	simm.s32 $0x20;
	v5 =	vld [tilespmem:s29+$0xB300]  }
0xdc: {  	s5 =	simm.s32 $0xC0;
	v2 =	vld [tilespmem:s4+$0x9F00];
	v6 =	vadd.f32 v9, v7;
	v7 =	vadd.f32 v8, v10  }
.LBB2_6:
0xdd: {  	p1 =	sne.s32 s5, $0x9C0;
	v8 =	vld [tilespmem:s4+$0xA180]  }
0xde: {  	v4 =	vadd.f32 v4, v6;
	v6 =	vld [tilespmem:s29+$0xB800];
	v3 =	vadd.f32 v3, v7  }
0xdf: {  	v7 =	vld [tilespmem:s4+$0xA400]  }
0xe0: {  	v4 =	vadd.f32 v5, v4;
	v5 =	vld [tilespmem:s29+$0xBA80];
	[tilespmem:s0+$0x7700] =	vst v3;
	s0 =	smov.u32 s29;
	s29 =	smov.u32 s4  }
0xe1: {  	v3 =	vld [tilespmem:s29+$0xA680]  }
0xe2: {  	v2 =	vadd.f32 v8, v2;
	v1 =	vadd.f32 v1, v4;
	v4 =	vld [tilespmem:s0+$0xBD00]  }
0xe3: {  	v8 =	vld [tilespmem:s29+$0xA900]  }
0xe4: {  	v2 =	vadd.f32 v7, v2;
	v1 =	vadd.f32 v6, v1;
	v6 =	vld [tilespmem:s0+$0xBF80]  }
0xe5: {  	v7 =	vld [tilespmem:s29+$0xAB80]  }
0xe6: {  	v2 =	vadd.f32 v3, v2;
	v1 =	vadd.f32 v5, v1;
	v9 =	vld [tilespmem:s0+$0xC200]  }
0xe7: {  	v10 =	vld [tilespmem:s29+$0xAE00]  }
.Ltmp2:
0xe8: {  	v2 =	vadd.f32 v8, v2;
	v5 =	vadd.f32 v4, v1;
	v3 =	vld [tilespmem:s0+$0xC480];
	(pc) =	sbr.rel @p1 .LBB2_6-.Ltmp2, $4  }
0xe9: {  	v4 =	vld [tilespmem:s29+$0xB080]  }
0xea: {  	v7 =	vadd.f32 v7, v2;
	v1 =	vld [tilespmem:s29+$0xB580];
	v8 =	vadd.f32 v6, v5  }
0xeb: {  	s4 =	sshra.s32 s5, $0x2;
	v5 =	vld [tilespmem:s29+$0xB300]  }
0xec: {  	s5 =	sadd.s32 $0x40, s5;
	v2 =	vld [tilespmem:s4+$0x9F00];
	v6 =	vadd.f32 v10, v7;
	v7 =	vadd.f32 v9, v8  }
0xed: {  	v8 =	vld [tilespmem:s4+$0xA180]  }
0xee: {  	v9 =	vld [tilespmem:s29+$0xB800];
	v3 =	vadd.f32 v3, v7  }
0xef: {  	v52 =	vld [tilespmem:s4+$0xA400]  }
0xf0: {  	v10 =	vld [tilespmem:s29+$0xBA80];
	v4 =	vadd.f32 v4, v6;
	[tilespmem:s0+$0x7700] =	vst v3  }
0xf1: {  	v3 =	vld [tilespmem:s4+$0xA680]  }
0xf2: {  	v4 =	vadd.f32 v5, v4;
	v2 =	vadd.f32 v8, v2  }
0xf3: {  	v53 =	vld [tilespmem:s4+$0xA900]  }
0xf4: {  	v54 =	vld [tilespmem:s29+$0xBD00];
	v1 =	vadd.f32 v1, v4;
	v2 =	vadd.f32 v52, v2  }
0xf5: {  	v55 =	vld [tilespmem:s4+$0xAB80]  }
0xf6: {  	v56 =	vld [tilespmem:s29+$0xBF80];
	v1 =	vadd.f32 v9, v1;
	v2 =	vadd.f32 v3, v2  }
0xf7: {  	v3 =	vld [tilespmem:s4+$0xAE00]  }
0xf8: {  	v57 =	vld [tilespmem:s29+$0xC200];
	v1 =	vadd.f32 v10, v1;
	v2 =	vadd.f32 v53, v2  }
0xf9: {  	v58 =	vld [tilespmem:s4+$0xB080]  }
0xfa: {  	v59 =	vld [tilespmem:s29+$0xC480];
	v1 =	vadd.f32 v54, v1;
	v2 =	vadd.f32 v55, v2  }
0xfb: {  	v60 =	vld [tilespmem:s4+$0xB300]  }
0xfc: {  	v1 =	vadd.f32 v56, v1;
	v2 =	vadd.f32 v3, v2  }
0xfd: {  	v3 =	vld [tilespmem:s4+$0xB580]  }
0xfe: {  	v1 =	vadd.f32 v57, v1;
	v2 =	vadd.f32 v58, v2  }
0xff: {  	v61 =	vld [tilespmem:s4+$0xB800]  }
0x100: {  	v1 =	vadd.f32 v59, v1;
	v2 =	vadd.f32 v60, v2  }
0x101: {  	v62 =	vld [tilespmem:s4+$0xBA80]  }
0x102: {  	[tilespmem:s29+$0x7700] =	vst v1;
	v1 =	vadd.f32 v3, v2  }
0x103: {  	v2 =	vld [tilespmem:s4+$0xBD00]  }
0x104: {  	v1 =	vadd.f32 v61, v1  }
0x105: {  	v3 =	vld [tilespmem:s4+$0xBF80]  }
0x106: {  	v1 =	vadd.f32 v62, v1  }
0x107: {  	v63 =	vld [tilespmem:s4+$0xC200]  }
0x108: {  	v1 =	vadd.f32 v2, v1  }
0x109: {  	v2 =	vld [tilespmem:s4+$0xC480]  }
0x10a: {  	v1 =	vadd.f32 v3, v1;
	_ =	sdelay $0x1  }
0x10b: {  	v1 =	vadd.f32 v63, v1;
	_ =	sdelay $0x1  }
0x10c: {  	s1 =	sadd.s32 $0x1, s1;
	v1 =	vadd.f32 v2, v1  }
0x10d: {  	p1 =	sne.s32 s1, s25  }
.Ltmp3:
0x10e: {  	[tilespmem:s4+$0x7700] =	vst v1;
	(pc) =	sbr.rel @p1 .LBB2_1-.Ltmp3, $4  }
0x10f: {  	[hbm4b:s24+s3] =	stream.linear.scatter [tilespmem:s31], [sflag:$0x2], $0x280, $0x38;
	[tilespmem:$0xEF00] =	vst v63  }
0x110: {  	_ =	swait.ge [sflag:s2], $0x280  }
0x111: {  	[sflag:s2] =	ssyncset.done $0x0  }
0x112: {  	[sflag:s2] =	ssyncadd.s32 $0xFFFFFD80  }
0x113: {  	_ =	sfence.sel $0x180000  }
0x114: {  	[bflag:$0x0] =	sbarrier.arrive $0xFFFF  }
0x115: {  	_ =	strace $0x9000004D  }
0x116: {  	s0 =	stileid.u32;
	[bflag:$0x2] =	sbarrier.arrive $0xFFFF  }
0x117: {  	p0 =	sne.s32 s0, $0x0;
	s0 =	rddreg [dreg:$0x3]  }
0x118: {  	s0 =	sadd.s32 @!p0 $0x100000, s0  }
0x119: {  	[sflag:s0] =	ssyncadd.tile.s32 @!p0 $0x1;
	_ =	shalt  }
.Lfunc_end2:
_tile_overlayer_lowered:
.L_overlay_start_2:
0x11a: {  	(tag) =	ssettag $0x2  }
0x11b: {  	s0 =	rddreg [dreg:$0x0];
	s2 =	stileid.u32  }
0x11c: {  	s1 =	rddreg [dreg:$0x1];
	p0 =	sne.s32 s2, $0x0  }
0x11d: {  	s3 =	rddreg [dreg:$0x2];
	[bflag:$0x3] =	sbarrier.arrive $0xFFFF;
	s2 =	simm.s32 @!p0 $0x1C02  }
0x11e: {  	[timem:s3], [sflag:s2] =	dma.local @!p0 [hbm:s0], s1  }
0x11f: {  	s0 =	simm.s32 @!p0 $0x2  }
0x120: {  	_ =	swait.ge @!p0 [sflag:s0], s1  }
0x121: {  	s1 =	ssub.s32 @!p0 $0x0, s1;
	[sflag:s0] =	ssyncset.done @!p0 $0x0  }
0x122: {  	[sflag:s0] =	ssyncadd.s32 @!p0 s1  }
0x123: {  	[bflag:$0x3] =	sbarrier.arrive $0xFFFF  }
0x124: {  	_ =	shalt  }

// kernel: kernel.8.cloned.1.call-start
scs
__scs_entry_jumppad:
0x0: {  	(pc) =	sbr.rel $0x88, $3  }
0x1: {  	(tag) =	ssettag $0x0;
	lr =	simm.s32 $0x1  }
0x2: {  	[smem:$0x3F9B] =	sst lr;
	_ =	strace $0xD0000000  }
0x3: {  	_ = 	snop  }
0x4: {  	_ = 	snop  }
0x5: {  	_ = 	snop  }
0x6: {  	_ = 	snop  }
0x7: {  	_ = 	snop  }
__scs_overlays_trampoline_lowered:
0x8: {  	[smem:$0x3FAA] =	sst s0  }
0x9: {  	[smem:$0x3FAB] =	sst s1  }
0xa: {  	[smem:$0x3FAC] =	sst s2  }
0xb: {  	[smem:$0x3FAD] =	sst s3  }
0xc: {  	[smem:$0x3FAE] =	sst s4  }
0xd: {  	[smem:$0x3FAF] =	sst s5  }
0xe: {  	[smem:$0x3FB0] =	sst s6  }
0xf: {  	[smem:$0x3FB1] =	sst s7  }
0x10: {  	[smem:$0x3FB2] =	sst s8  }
0x11: {  	[smem:$0x3FB3] =	sst s9;
	s0 =	simm.s32 @!p0 $0x0  }
0x12: {  	s1 =	sld [smem:$0x3F99];
	s0 =	simm.s32 @p0 $0x1  }
0x13: {  	[smem:$0x3FB4] =	sst s0;
	s0 =	simm.s32 @!p1 $0x0  }
0x14: {  	s2 =	sld [smem:$0x3F98];
	s0 =	simm.s32 @p1 $0x1  }
0x15: {  	[smem:$0x3FB5] =	sst s0;
	s0 =	simm.s32 @!p2 $0x0  }
0x16: {  	s3 =	sld [smem:$0x3FDB];
	s0 =	simm.s32 @p2 $0x1  }
0x17: {  	s4 =	simm.s32 $0x1BF5;
	[smem:$0x3FB7] =	sst s0  }
0x18: {  	s0 =	sld [smem:$0x3F9A];
	_ =	swait.ge [sflag:s4], $0x0  }
0x19: {  	s7 =	sld [smem:$0x3F9B]  }
0x1a: {  	s8 =	sadd.s32 $0xFFFFE003, lr  }
0x1b: {  	s9 =	sadd.s32 $0xFFFFFEF7, lr;
	s5 =	simm.s32 $0xFFFFFFFF;
	p2 =	slt.u32 s8, $0xFFFFF086  }
0x1c: {  	p1 =	slt.u32 s9, $0xF7A;
	s5 =	simm.s32 @!p2 $0x0  }
0x1d: {  	s5 =	simm.s32 @p1 $0x1;
	p0 =	seq.s32 s7, s2  }
0x1e: {  	s7 =	smul.u32 @!p0 $0xF7A, s2;
	p2 =	seq.s32 @!p0 s5, $0x0  }
0x1f: {  	s9 =	smul.u32 $0xF7A, s1;
	s8 =	simm.s32 @!p0 $0x1BF5;
	p2 =	por !p2, p0  }
0x20: {  	[sflag:s8] =	ssyncset.s32 @!p0 $0xFFFFF086;
	s6 =	sadd.s32 @!p0 s3, s7;
	s7 =	simm.s32 @!p0 $0x108  }
0x21: {  	s3 =	sadd.s32 s3, s9;
	s6 =	sadd.s32 @!p0 $0x88, s6;
	s7 =	simm.s32 @p2 $0x1082  }
0x22: {  	[simem:s7], [sflag:s8] =	dma.local @!p0 [hbm:s6], $0xF7A  }
0x23: {  	s9 =	sor.u32 $0xD0000000, s2;
	s6 =	simm.s32 $0x108;
	_ =	swait.ge @!p0 [sflag:s8], $0x0  }
0x24: {  	s3 =	sadd.s32 $0x88, s3;
	s6 =	simm.s32 @!p1 $0x1082;
	[sflag:s4] =	ssyncset.s32 $0xFFFFF086  }
0x25: {  	[simem:s6], [sflag:s4] =	dma.local [hbm:s3], $0xF7A  }
0x26: {  	[smem:$0x3F9B] =	sst s1;
	(tag) =	ssettag s2;
	_ =	strace s9  }
0x27: {  	s1 =	sld [smem:$0x3FAB]  }
0x28: {  	s2 =	sld [smem:$0x3FAC]  }
0x29: {  	s4 =	sld [smem:$0x3FAE]  }
0x2a: {  	p0 =	seq.s32 s5, $0x0;
	s5 =	sld [smem:$0x3FAF]  }
0x2b: {  	s6 =	sld [smem:$0x3FB0]  }
0x2c: {  	s7 =	sld [smem:$0x3FB1]  }
0x2d: {  	s3 =	simm.s32 $0x108;
	s8 =	sld [smem:$0x3FB2]  }
0x2e: {  	s3 =	simm.s32 @!p0 $0x1082;
	s9 =	sld [smem:$0x3FB3]  }
0x2f: {  	lr =	sadd.s32 s0, s3;
	s0 =	sld [smem:$0x3FAA]  }
0x30: {  	s3 =	sld [smem:$0x3FAD]  }
0x31: {  	[smem:$0x3FB6] =	sst s10  }
0x32: {  	s10 =	sld [smem:$0x3FB4];
	_ =	sdelay $0x3  }
0x33: {  	p0 =	seq.s32 s10, $0x1;
	s10 =	sld [smem:$0x3FB6];
	_ =	sdelay $0x3  }
0x34: {  	[smem:$0x3FB6] =	sst s10  }
0x35: {  	s10 =	sld [smem:$0x3FB5];
	_ =	sdelay $0x3  }
0x36: {  	p1 =	seq.s32 s10, $0x1;
	s10 =	sld [smem:$0x3FB6];
	_ =	sdelay $0x3  }
0x37: {  	[smem:$0x3FB6] =	sst s10  }
0x38: {  	s10 =	sld [smem:$0x3FB7]  }
0x39: {  	_ = 	snop;
	(pc) =	sbr.ind lr, $3  }
0x3a: {  	_ = 	snop  }
0x3b: {  	_ = 	snop  }
0x3c: {  	p2 =	seq.s32 s10, $0x1;
	s10 =	sld [smem:$0x3FB6]  }
0x3d: {  	_ =	shalt  }
0x3e: {  	_ =	shalt  }
0x3f: {  	_ =	shalt  }
0x40: {  	_ =	shalt  }
0x41: {  	_ =	shalt  }
0x42: {  	_ =	shalt  }
0x43: {  	_ =	shalt  }
0x44: {  	_ =	shalt  }
0x45: {  	_ =	shalt  }
0x46: {  	_ =	shalt  }
0x47: {  	_ =	shalt  }
0x48: {  	_ =	shalt  }
0x49: {  	_ =	shalt  }
0x4a: {  	_ =	shalt  }
0x4b: {  	_ =	shalt  }
0x4c: {  	_ =	shalt  }
0x4d: {  	_ =	shalt  }
0x4e: {  	_ =	shalt  }
0x4f: {  	_ =	shalt  }
0x50: {  	_ =	shalt  }
0x51: {  	_ =	shalt  }
0x52: {  	_ =	shalt  }
0x53: {  	_ =	shalt  }
0x54: {  	_ =	shalt  }
0x55: {  	_ =	shalt  }
0x56: {  	_ =	shalt  }
0x57: {  	_ =	shalt  }
0x58: {  	_ =	shalt  }
0x59: {  	_ =	shalt  }
0x5a: {  	_ =	shalt  }
0x5b: {  	_ =	shalt  }
0x5c: {  	_ =	shalt  }
0x5d: {  	_ =	shalt  }
0x5e: {  	_ =	shalt  }
0x5f: {  	_ =	shalt  }
0x60: {  	_ =	shalt  }
0x61: {  	_ =	shalt  }
0x62: {  	_ =	shalt  }
0x63: {  	_ =	shalt  }
0x64: {  	_ =	shalt  }
0x65: {  	_ =	shalt  }
0x66: {  	_ =	shalt  }
0x67: {  	_ =	shalt  }
0x68: {  	_ =	shalt  }
0x69: {  	_ =	shalt  }
0x6a: {  	_ =	shalt  }
0x6b: {  	_ =	shalt  }
0x6c: {  	_ =	shalt  }
0x6d: {  	_ =	shalt  }
0x6e: {  	_ =	shalt  }
0x6f: {  	_ =	shalt  }
0x70: {  	_ =	shalt  }
0x71: {  	_ =	shalt  }
0x72: {  	_ =	shalt  }
0x73: {  	_ =	shalt  }
0x74: {  	_ =	shalt  }
0x75: {  	_ =	shalt  }
0x76: {  	_ =	shalt  }
0x77: {  	_ =	shalt  }
0x78: {  	_ =	shalt  }
0x79: {  	_ =	shalt  }
0x7a: {  	_ =	shalt  }
0x7b: {  	_ =	shalt  }
0x7c: {  	_ =	shalt  }
0x7d: {  	_ =	shalt  }
0x7e: {  	_ =	shalt  }
0x7f: {  	_ =	shalt  }
0x80: {  	_ =	shalt  }
0x81: {  	_ =	shalt  }
0x82: {  	_ =	shalt  }
0x83: {  	_ =	shalt  }
0x84: {  	_ =	shalt  }
0x85: {  	_ =	shalt  }
0x86: {  	_ =	shalt  }
0x87: {  	_ =	shalt  }
.Lfunc_end0:
.L_simem_size_0:
called_computation_lowered:
.L_overlay_start_0:
0x88: {  	s2 =	sld [smem:$0x3FD9]  }
0x89: {  	s3 =	sld [smem:$0x3FFE];
	_ =	sdelay $0x1  }
0x8a: {  	s1 =	srdreg.scid  }
0x8b: {  	s0 =	sand.u32 $0x1, s1  }
0x8c: {  	s14 =	sshll.u32 s0, $0xA;
	s2 =	sadd.s32 s3, s2  }
0x8d: {  	s2 =	sadd.s32 s2, s14  }
0x8e: {  	[smem:$0x3FC2] =	sst s2  }
0x8f: {  	_ = 	snop  }
0x90: {  	s2 =	sld [smem:$0x3FD0];
	_ =	sdelay $0x2  }
0x91: {  	s15 =	simm.s32 $0xA;
	s4 =	simm.s32 $0x10  }
0x92: {  	[smem:s4], [sflag:s15] =	dma.local [hbm:s2], $0x1  }
0x93: {  	_ =	swait.eq [sflag:s15], $0x1  }
0x94: {  	[sflag:s15] =	ssyncset.done $0x0  }
0x95: {  	[sflag:s15] =	ssyncadd.s32 $0xFFFFFFFF  }
0x96: {  	s16 =	sld [smem:$0x10];
	(tm) =	ssettm $0x1  }
0x97: {  	s17 =	sld [smem:$0x3FFB];
	_ =	sdelay $0x3  }
0x98: {  	_ =	strace s17  }
0x99: {  	s3 =	sld [smem:$0x3FFC];
	_ =	sdelay $0x3  }
0x9a: {  	_ =	strace s3  }
0x9b: {  	s3 =	sld [smem:$0x3FFD];
	_ =	sdelay $0x3  }
0x9c: {  	_ =	strace s3  }
0x9d: {  	_ =	strace $0x8FFFFFFF  }
0x9e: {  	s18 =	sld [smem:$0x3FDB];
	_ =	sdelay $0x1  }
0x9f: {  	s19 =	simm.s32 $_scs_section_size  }
0xa0: {  	s5 =	simm.s32 $_size__tile_overlayer_lowered;
	s6 =	simm.s32 $_tile_overlayer_lowered  }
0xa1: {  	s22 =	simm.s32 $0x1BFF;
	s21 =	sshll.u32 s6, $0x1;
	s3 =	sadd.s32 s19, s18  }
0xa2: {  	s7 =	simm.s32 $0x0;
	s20 =	sshll.u32 s5, $0x1;
	s5 =	sadd.s32 s21, s3  }
0xa3: {  	[timem:s7], [sflag:s22] =	dma.local [hbm:s5], s20  }
0xa4: {  	_ =	swait.ge [sflag:s22], s20  }
0xa5: {  	s4 =	ssub.s32 $0x0, s20;
	[sflag:s22] =	ssyncset.done $0x0  }
0xa6: {  	[sflag:s22] =	ssyncadd.s32 s4;
	_ =	sdelay $0x1  }
0xa7: {  	s23 =	simm.s32 $0x1B8B  }
0xa8: {  	_ =	swait.ge [sflag:s23], $0x1  }
0xa9: {  	[sflag:s23] =	ssyncset.done $0x0  }
0xaa: {  	s25 =	simm.s32 $0x1B8E;
	s24 =	sld [smem:$0x3FFE];
	[sflag:s23] =	ssyncadd.s32 $0xFFFFFFFF  }
0xab: {  	s26 =	simm.s32 $execute0_lowered;
	[smem:$0x3FD2] =	sst s25  }
0xac: {  	s5 =	sshll.u32 s26, $0x1;
	_ =	strace $0x80000046;
	[dreg:$0x1] =	wrdreg $0xFFFFFFFF  }
0xad: {  	s28 =	simm.s32 $_size_execute0_lowered;
	s3 =	sadd.s32 s3, s5;
	[dreg:$0x0] =	wrdreg $0x0  }
0xae: {  	s5 =	sshll.u32 s28, $0x1;
	[dreg:$0x2] =	wrdreg s3  }
0xaf: {  	[dreg:$0x3] =	wrdreg s5  }
0xb0: {  	[dreg:$0x4] =	wrdreg $0xC0  }
0xb1: {  	_ =	task [dreg:s7], $0x5FFFF  }
0xb2: {  	[dreg:$0x1] =	wrdreg $0xFFFFFFFF  }
0xb3: {  	[dreg:$0x0] =	wrdreg $0x60  }
0xb4: {  	[dreg:$0x2] =	wrdreg s24  }
0xb5: {  	[dreg:$0x3] =	wrdreg s16  }
0xb6: {  	[dreg:$0x4] =	wrdreg $0x2A800  }
0xb7: {  	[dreg:$0x5] =	wrdreg $0x9  }
0xb8: {  	_ =	task.clear_ibuf [dreg:s7], $0x6FFFF;
	_ =	strace $0x90000046  }
0xb9: {  	s29 =	simm.s32 $0x9;
	_ =	strace $0x80000048  }
0xba: {  	_ =	swait.ge [sflag:s29], $0x1  }
0xbb: {  	[sflag:s29] =	ssyncadd.s32 $0xFFFFFFFF  }
0xbc: {  	_ =	strace $0x90000048  }
0xbd: {  	_ =	sfence  }
0xbe: {  	s30 =	sld [smem:$0x0];
	_ =	sdelay $0x2  }
0xbf: {  	s31 =	sshll.u32 s1, $0xD;
	s1 =	sshrl.u32 s1, $0x2  }
0xc0: {  	s3 =	sand.u32 $0x4000, s31;
	s1 =	sadd.s32 s1, s30  }
0xc1: {  	s0 =	sor.u32 s3, s0;
	s1 =	sshll.u32 s1, $0x11  }
0xc2: {  	s0 =	sor.u32 s1, s0  }
0xc3: {  	s0 =	sadd.s32 $0x8F2B, s0  }
0xc4: {  	[sflag:s0] =	ssyncadd.remote.s32 $0x1  }
0xc5: {  	_ =	sfence.sel $0xFFFF  }
0xc6: {  	[dreg:$0x0] =	wrdreg $0xFFFFFFFF;
	(pc) =	sbr.abs _section_cstart, $3  }
0xc7: {  	[dreg:$0x1] =	wrdreg $0xFFFFFFFF  }
0xc8: {  	_ =	task.clear_ibuf [dreg:s7], $0x2FFFF;
	_ =	strace $0x9FFFFFFF  }
0xc9: {  	(tm) =	ssettm $0x7FFFFFFF  }
tec
execute0_lowered:
.L_overlay_start_1:
0x0: {  	(tag) =	ssettag $0x1  }
0x1: {  	s5 =	rddreg [dreg:$0x0]  }
0x2: {  	s1 =	srdreg.scid;
	s7 =	rddreg [dreg:$0x1]  }
0x3: {  	s0 =	stileid.u32;
	s2 =	rddreg [dreg:$0x2];
	s11 =	simm.s32 $0x80  }
0x4: {  	s12 =	simm.s32 $0x2780;
	s13 =	simm.s32 $0x1;
	s16 =	simm.s32 $0x0  }
0x5: {  	s4 =	sand.u32 $0x1, s1;
	s29 =	sshll.u32 s0, $0x1;
	s30 =	smul.u32 $0x280, s0  }
0x6: {  	p0 =	slt.u32 s0, $0x2;
	s1 =	sor.u32 s4, s29;
	s10 =	smul.u32 $0x2800, s4  }
0x7: {  	s14 =	sshll.u32 s0, $0x6;
	s9 =	ssub.s32 $0x2, s4;
	s3 =	smul.u32 $0x4E, s1  }
0x8: {  	s14 =	sor.u32 $0x1C02, s14;
	s6 =	smul.u32 $0x4F, s1;
	s31 =	sshrl.u32 s9, $0x1  }
0x9: {  	s1 =	rddreg [dreg:$0x3];
	s4 =	sadd.s32 s30, s2;
	s9 =	ssub.s32 s9, s31  }
0xa: {  	s15 =	sshrl.u32 s4, $0x3;
	s8 =	sadd.s32 $0x4, s3;
	s3 =	simm.s32 $0x0  }
0xb: {  	s8 =	smov.u32 @p0 s6;
	[smem:$0x7FF] =	sst s3;
	p0 =	sgt.u32 s0, $0x1  }
0xc: {  	s6 =	sshll.u32 s8, $0x4;
	_ =	strace $0x80000047;
	s8 =	sadd.s32 s30, s10  }
0xd: {  	s10 =	simm.s32 $0x2;
	s6 =	sand.u32 $0x1FFFFFF0, s6;
	s8 =	sshrl.u32 s8, $0x3  }
0xe: {  	s6 =	sadd.s32 s6, s5;
	s7 =	sadd.s32 s7, s8;
	s8 =	smax.u32 s9, $0x1  }
0xf: {  	v0 =	vimm.f32 $1.000000000e+00;
	v1 =	vimm.f32 $0.0e+00;
	s9 =	simm.s32 $0x2800;
	s5 =	sadd.s32 $0xBA40, s6;
	s6 =	sadd.s32 $0xBF20, s6  }
.LBB2_1:
0x10: {  	[tilespmem:$0x2780] =	vst v0  }
0x11: {  	[tilespmem:$0x2790] =	vst v0  }
0x12: {  	[tilespmem:$0x27A0] =	vst v0  }
0x13: {  	[tilespmem:$0x27B0] =	vst v0  }
0x14: {  	[tilespmem:$0x27C0] =	vst v0  }
0x15: {  	[tilespmem:$0x27D0] =	vst v0  }
0x16: {  	[tilespmem:$0x27E0] =	vst v0  }
0x17: {  	[tilespmem:$0x27F0] =	vst v0  }
0x18: {  	[tilespmem:$0x2800] =	vst v1  }
0x19: {  	[tilespmem:$0x2810] =	vst v1  }
0x1a: {  	[tilespmem:$0x2820] =	vst v1  }
0x1b: {  	[tilespmem:$0x2830] =	vst v1  }
0x1c: {  	[tilespmem:$0x2840] =	vst v1  }
0x1d: {  	[tilespmem:$0x2850] =	vst v1  }
0x1e: {  	[tilespmem:$0x2860] =	vst v1  }
0x1f: {  	[tilespmem:$0x2870] =	vst v1  }
0x20: {  	[tilespmem:$0x2880] =	vst v1  }
0x21: {  	[tilespmem:$0x2890] =	vst v1  }
0x22: {  	[tilespmem:$0x28A0] =	vst v1  }
0x23: {  	[tilespmem:$0x28B0] =	vst v1  }
0x24: {  	[tilespmem:$0x28C0] =	vst v1  }
0x25: {  	[tilespmem:$0x28D0] =	vst v1  }
0x26: {  	[tilespmem:$0x28E0] =	vst v1  }
0x27: {  	[tilespmem:$0x28F0] =	vst v1  }
0x28: {  	[tilespmem:$0x2900] =	vst v1  }
0x29: {  	[tilespmem:$0x2910] =	vst v1  }
0x2a: {  	[tilespmem:$0x2920] =	vst v1  }
0x2b: {  	[tilespmem:$0x2930] =	vst v1  }
0x2c: {  	[tilespmem:$0x2940] =	vst v1  }
0x2d: {  	[tilespmem:$0x2950] =	vst v1  }
0x2e: {  	[tilespmem:$0x2960] =	vst v1  }
0x2f: {  	[tilespmem:$0x2970] =	vst v1  }
0x30: {  	[tilespmem:$0x2980] =	vst v1  }
0x31: {  	[tilespmem:$0x2990] =	vst v1  }
0x32: {  	[tilespmem:$0x29A0] =	vst v1  }
0x33: {  	[tilespmem:$0x29B0] =	vst v1  }
0x34: {  	[tilespmem:$0x29C0] =	vst v1  }
0x35: {  	[tilespmem:$0x29D0] =	vst v1  }
0x36: {  	[tilespmem:$0x29E0] =	vst v1  }
0x37: {  	[tilespmem:$0x29F0] =	vst v1  }
0x38: {  	[tilespmem:$0x2A00] =	vst v1  }
0x39: {  	[tilespmem:$0x2A10] =	vst v1  }
0x3a: {  	[tilespmem:$0x2A20] =	vst v1  }
0x3b: {  	[tilespmem:$0x2A30] =	vst v1  }
0x3c: {  	[tilespmem:$0x2A40] =	vst v1  }
0x3d: {  	[tilespmem:$0x2A50] =	vst v1  }
0x3e: {  	[tilespmem:$0x2A60] =	vst v1  }
0x3f: {  	[tilespmem:$0x2A70] =	vst v1  }
0x40: {  	[spmem:s4] =	stream.linear.scatter [tilespmem:s9], [sflag:$0x2], $0x280, $0x38;
	[tilespmem:$0x2D00] =	vst v63  }
0x41: {  	_ =	swait.ge [sflag:s10], $0x280  }
0x42: {  	[sflag:s10] =	ssyncset.done $0x0  }
0x43: {  	[sflag:s10] =	ssyncadd.s32 $0xFFFFFD80  }
0x44: {  	[tilespmem:s3], [sflag:$0x2] =	stream.linear.gather [hbm4b:s5+s3], $0x2700, $0x38;
	[tilespmem:$0x2D00] =	vst v63  }
0x45: {  	_ =	swait.ge [sflag:s10], $0x2700  }
0x46: {  	[sflag:s10] =	ssyncset.done $0x0  }
0x47: {  	s17 =	simm.s32 @!p0 $0x0;
	s18 =	simm.s32 @!p0 $0x2700;
	[sflag:s10] =	ssyncadd.s32 $0xFFFFD900  }
0x48: {  	[tilespmem:s18], [sflag:$0x2] =	stream.linear.gather @!p0 [hbm4b:s6+s17], $0x80, $0x38;
	[tilespmem:$0x2D00] =	vst v63  }
0x49: {  	s17 =	simm.s32 @!p0 $0x2  }
0x4a: {  	_ =	swait.ge @!p0 [sflag:s17], $0x80  }
0x4b: {  	[sflag:s17] =	ssyncset.done @!p0 $0x0  }
0x4c: {  	[sflag:s17] =	ssyncadd.s32 @!p0 $0xFFFFFF80  }
0x4d: {  	s25 =	simm.s32 $0x0;
	[bflag:$0x0] =	sbarrier.arrive $0xFFFF  }
0x4e: {  	[spmem:s2] =	stream.indirect.scatter.add.f32 [tilespmem:s12], [sflag:$0x1], $0x1, s25, s11, $0xb8;
	[tilespmem:$0x2D00] =	vst v63  }
0x4f: {  	s26 =	simm.s32 $0x80  }
0x50: {  	[spmem:s2] =	stream.indirect.scatter.add.f32 [tilespmem:s12], [sflag:$0x1], $0x1, s26, s11, $0xb8;
	[tilespmem:$0x2D00] =	vst v63  }
0x51: {  	s28 =	simm.s32 $0x100  }
0x52: {  	[spmem:s2] =	stream.indirect.scatter.add.f32 [tilespmem:s12], [sflag:$0x1], $0x1, s28, s11, $0xb8;
	[tilespmem:$0x2D00] =	vst v63  }
0x53: {  	s29 =	simm.s32 $0x180  }
0x54: {  	[spmem:s2] =	stream.indirect.scatter.add.f32 [tilespmem:s12], [sflag:$0x1], $0x1, s29, s11, $0xb8;
	[tilespmem:$0x2D00] =	vst v63  }
0x55: {  	s30 =	simm.s32 $0x200  }
0x56: {  	[spmem:s2] =	stream.indirect.scatter.add.f32 [tilespmem:s12], [sflag:$0x1], $0x1, s30, s11, $0xb8;
	[tilespmem:$0x2D00] =	vst v63  }
0x57: {  	s31 =	simm.s32 $0x280  }
0x58: {  	[spmem:s2] =	stream.indirect.scatter.add.f32 [tilespmem:s12], [sflag:$0x1], $0x1, s31, s11, $0xb8;
	[tilespmem:$0x2D00] =	vst v63  }
0x59: {  	_ =	swait.ge [sflag:s13], $0x80  }
0x5a: {  	[sflag:s13] =	ssyncset.done $0x0  }
0x5b: {  	[sflag:s13] =	ssyncadd.s32 $0xFFFFFF80  }
0x5c: {  	_ =	swait.ge [sflag:s13], $0x80  }
0x5d: {  	[sflag:s13] =	ssyncset.done $0x0  }
0x5e: {  	[sflag:s13] =	ssyncadd.s32 $0xFFFFFF80  }
0x5f: {  	_ =	swait.ge [sflag:s13], $0x80  }
0x60: {  	[sflag:s13] =	ssyncset.done $0x0  }
0x61: {  	[sflag:s13] =	ssyncadd.s32 $0xFFFFFF80  }
0x62: {  	_ =	swait.ge [sflag:s13], $0x80  }
0x63: {  	[sflag:s13] =	ssyncset.done $0x0  }
0x64: {  	[sflag:s13] =	ssyncadd.s32 $0xFFFFFF80  }
0x65: {  	_ =	swait.ge [sflag:s13], $0x80  }
0x66: {  	[sflag:s13] =	ssyncset.done $0x0  }
0x67: {  	[sflag:s13] =	ssyncadd.s32 $0xFFFFFF80  }
0x68: {  	_ =	swait.ge [sflag:s13], $0x80  }
0x69: {  	s18 =	simm.s32 $0x1800;
	s17 =	simm.s32 $0xC00;
	[sflag:s13] =	ssyncset.done $0x0  }
.LBB2_2:
0x6a: {  	s19 =	sshra.s32 s17, $0x2  }
0x6b: {  	[sflag:s13] =	ssyncadd.s32 $0xFFFFFF80;
	s17 =	smov.u32 s18;
	s20 =	sadd.s32 $0xC00, s18  }
0x6c: {  	[spmem:s2] =	stream.indirect.scatter.add.f32 [tilespmem:s12], [sflag:$0x1], $0x1, s19, s11, $0xb8;
	[tilespmem:$0x2D00] =	vst v63  }
0x6d: {  	p1 =	sne.s32 s18, $0x9000;
	s18 =	sadd.s32 $0x80, s19  }
0x6e: {  	[spmem:s2] =	stream.indirect.scatter.add.f32 [tilespmem:s12], [sflag:$0x1], $0x1, s18, s11, $0xb8;
	[tilespmem:$0x2D00] =	vst v63  }
0x6f: {  	s18 =	sadd.s32 $0x100, s19  }
0x70: {  	[spmem:s2] =	stream.indirect.scatter.add.f32 [tilespmem:s12], [sflag:$0x1], $0x1, s18, s11, $0xb8;
	[tilespmem:$0x2D00] =	vst v63  }
0x71: {  	s18 =	sadd.s32 $0x180, s19  }
0x72: {  	[spmem:s2] =	stream.indirect.scatter.add.f32 [tilespmem:s12], [sflag:$0x1], $0x1, s18, s11, $0xb8;
	[tilespmem:$0x2D00] =	vst v63  }
0x73: {  	s18 =	sadd.s32 $0x200, s19  }
0x74: {  	[spmem:s2] =	stream.indirect.scatter.add.f32 [tilespmem:s12], [sflag:$0x1], $0x1, s18, s11, $0xb8;
	[tilespmem:$0x2D00] =	vst v63  }
0x75: {  	s18 =	sadd.s32 $0x280, s19  }
0x76: {  	[spmem:s2] =	stream.indirect.scatter.add.f32 [tilespmem:s12], [sflag:$0x1], $0x1, s18, s11, $0xb8;
	[tilespmem:$0x2D00] =	vst v63  }
0x77: {  	_ =	swait.ge [sflag:s13], $0x80  }
0x78: {  	[sflag:s13] =	ssyncset.done $0x0  }
0x79: {  	[sflag:s13] =	ssyncadd.s32 $0xFFFFFF80  }
0x7a: {  	_ =	swait.ge [sflag:s13], $0x80  }
0x7b: {  	[sflag:s13] =	ssyncset.done $0x0  }
0x7c: {  	[sflag:s13] =	ssyncadd.s32 $0xFFFFFF80  }
0x7d: {  	_ =	swait.ge [sflag:s13], $0x80  }
0x7e: {  	[sflag:s13] =	ssyncset.done $0x0  }
0x7f: {  	[sflag:s13] =	ssyncadd.s32 $0xFFFFFF80  }
0x80: {  	_ =	swait.ge [sflag:s13], $0x80  }
0x81: {  	[sflag:s13] =	ssyncset.done $0x0  }
0x82: {  	[sflag:s13] =	ssyncadd.s32 $0xFFFFFF80  }
.Ltmp0:
0x83: {  	_ =	swait.ge [sflag:s13], $0x80;
	(pc) =	sbr.rel @p1 .LBB2_2-.Ltmp0, $4  }
0x84: {  	[sflag:s13] =	ssyncset.done $0x0  }
0x85: {  	[sflag:s13] =	ssyncadd.s32 $0xFFFFFF80  }
0x86: {  	_ =	swait.ge [sflag:s13], $0x80  }
0x87: {  	s18 =	smov.u32 s20;
	[sflag:s13] =	ssyncset.done $0x0  }
0x88: {  	s17 =	sshra.s32 s17, $0x2;
	[sflag:s13] =	ssyncadd.s32 $0xFFFFFF80  }
0x89: {  	[spmem:s2] =	stream.indirect.scatter.add.f32 [tilespmem:s12], [sflag:$0x1], $0x1, s17, s11, $0xb8;
	[tilespmem:$0x2D00] =	vst v63  }
0x8a: {  	s18 =	sadd.s32 $0x80, s17  }
0x8b: {  	[spmem:s2] =	stream.indirect.scatter.add.f32 [tilespmem:s12], [sflag:$0x1], $0x1, s18, s11, $0xb8;
	[tilespmem:$0x2D00] =	vst v63  }
0x8c: {  	s29 =	sadd.s32 $0x100, s17  }
0x8d: {  	[spmem:s2] =	stream.indirect.scatter.add.f32 [tilespmem:s12], [sflag:$0x1], $0x1, s29, s11, $0xb8;
	[tilespmem:$0x2D00] =	vst v63  }
0x8e: {  	s30 =	sadd.s32 $0x180, s17  }
0x8f: {  	[spmem:s2] =	stream.indirect.scatter.add.f32 [tilespmem:s12], [sflag:$0x1], $0x1, s30, s11, $0xb8;
	[tilespmem:$0x2D00] =	vst v63  }
0x90: {  	s31 =	sadd.s32 $0x200, s17  }
0x91: {  	[spmem:s2] =	stream.indirect.scatter.add.f32 [tilespmem:s12], [sflag:$0x1], $0x1, s31, s11, $0xb8;
	[tilespmem:$0x2D00] =	vst v63  }
0x92: {  	s17 =	sadd.s32 $0x280, s17  }
0x93: {  	[spmem:s2] =	stream.indirect.scatter.add.f32 [tilespmem:s12], [sflag:$0x1], $0x1, s17, s11, $0xb8;
	[tilespmem:$0x2D00] =	vst v63  }
0x94: {  	_ =	swait.ge [sflag:s13], $0x80  }
0x95: {  	[sflag:s13] =	ssyncset.done $0x0  }
0x96: {  	[sflag:s13] =	ssyncadd.s32 $0xFFFFFF80  }
0x97: {  	_ =	swait.ge [sflag:s13], $0x80  }
0x98: {  	[sflag:s13] =	ssyncset.done $0x0  }
0x99: {  	[sflag:s13] =	ssyncadd.s32 $0xFFFFFF80  }
0x9a: {  	_ =	swait.ge [sflag:s13], $0x80  }
0x9b: {  	[sflag:s13] =	ssyncset.done $0x0  }
0x9c: {  	[sflag:s13] =	ssyncadd.s32 $0xFFFFFF80  }
0x9d: {  	_ =	swait.ge [sflag:s13], $0x80  }
0x9e: {  	[sflag:s13] =	ssyncset.done $0x0  }
0x9f: {  	[sflag:s13] =	ssyncadd.s32 $0xFFFFFF80  }
0xa0: {  	_ =	swait.ge [sflag:s13], $0x80  }
0xa1: {  	[sflag:s13] =	ssyncset.done $0x0  }
0xa2: {  	[sflag:s13] =	ssyncadd.s32 $0xFFFFFF80  }
0xa3: {  	_ =	swait.ge [sflag:s13], $0x80  }
0xa4: {  	s19 =	simm.s32 @!p0 $0x2780;
	[sflag:s13] =	ssyncset.done $0x0  }
0xa5: {  	s18 =	simm.s32 @!p0 $0x2700;
	s17 =	simm.s32 @!p0 $0x80;
	[sflag:s13] =	ssyncadd.s32 $0xFFFFFF80  }
0xa6: {  	[spmem:s2] =	stream.indirect.scatter.add.f32 @!p0 [tilespmem:s19], [sflag:$0x2], $0x1, s18, s17, $0xb8;
	[tilespmem:$0x2D00] =	vst v63  }
0xa7: {  	s17 =	simm.s32 @!p0 $0x2  }
0xa8: {  	_ =	swait.ge @!p0 [sflag:s17], $0x80  }
0xa9: {  	s16 =	sadd.s32 $0x1, s16;
	[sflag:s17] =	ssyncset.done @!p0 $0x0  }
0xaa: {  	p1 =	sne.s32 s16, s8;
	[sflag:s17] =	ssyncadd.s32 @!p0 $0xFFFFFF80  }
.Ltmp1:
0xab: {  	[bflag:$0x0] =	sbarrier.arrive $0xFFFF;
	(pc) =	sbr.rel @p1 .LBB2_1-.Ltmp1, $4  }
0xac: {  	[hbm:s7], [sflag:s14] =	dma.local [spmem:s15], $0x50  }
0xad: {  	_ =	swait.ge [sflag:s10], $0x50  }
0xae: {  	[sflag:s10] =	ssyncset.done $0x0  }
0xaf: {  	[sflag:s10] =	ssyncadd.s32 $0xFFFFFFB0  }
0xb0: {  	_ =	sfence.sel $0x180000  }
0xb1: {  	[bflag:$0x0] =	sbarrier.arrive $0xFFFF  }
0xb2: {  	p0 =	sne.s32 s0, $0x0;
	_ =	strace $0x90000047  }
0xb3: {  	s0 =	sadd.s32 @!p0 $0x100000, s1;
	[bflag:$0x2] =	sbarrier.arrive $0xFFFF  }
0xb4: {  	[sflag:s0] =	ssyncadd.tile.s32 @!p0 $0x1;
	_ =	shalt  }
.Lfunc_end2:
_tile_overlayer_lowered:
.L_overlay_start_2:
0xb5: {  	(tag) =	ssettag $0x2  }
0xb6: {  	s0 =	rddreg [dreg:$0x0];
	s2 =	stileid.u32  }
0xb7: {  	s1 =	rddreg [dreg:$0x1];
	p0 =	sne.s32 s2, $0x0  }
0xb8: {  	s3 =	rddreg [dreg:$0x2];
	[bflag:$0x3] =	sbarrier.arrive $0xFFFF;
	s2 =	simm.s32 @!p0 $0x1C02  }
0xb9: {  	[timem:s3], [sflag:s2] =	dma.local @!p0 [hbm:s0], s1  }
0xba: {  	s0 =	simm.s32 @!p0 $0x2  }
0xbb: {  	_ =	swait.ge @!p0 [sflag:s0], s1  }
0xbc: {  	s1 =	ssub.s32 @!p0 $0x0, s1;
	[sflag:s0] =	ssyncset.done @!p0 $0x0  }
0xbd: {  	[sflag:s0] =	ssyncadd.s32 @!p0 s1  }
0xbe: {  	[bflag:$0x3] =	sbarrier.arrive $0xFFFF  }
0xbf: {  	_ =	shalt  }

</sc_bundles>
